<compile_context>
chip_gen: v7x
topology: tpu7x:2x2x1
jax: 0.10.2.dev20260603
libtpu: 0.0.44.dev20260713+nightly
codegen_flags: <defaults>
</compile_context>

<pallas_src>
import math

import jax
import jax.numpy as jnp
import numpy as np
from jax import lax
from jax.experimental import pallas as pl
from jax.experimental.pallas import tpu as pltpu
from jax.experimental.pallas import tpu_sc as plsc

GRID_RES = 128
FEATURE_DIM = 28
NUM_VOXELS = GRID_RES ** 3
NUM_RAYS = 4096
NUM_SAMPLES = 50
RAY_LENGTH = 100.0
DELTA = RAY_LENGTH / NUM_SAMPLES
THETA = 0.5
PHI = 0.3

PROJ_DIM = 8
NUM_NBR = 8
S64 = 64

VPR = 16
N_PROWS = NUM_VOXELS // VPR

N_GATHER = NUM_RAYS * NUM_NBR * S64
N_GROWS = N_GATHER // 16

NUM_WORKERS = 32
PER_W = N_GATHER // NUM_WORKERS
CHUNK = 2048
N_BUF = 4
N_CHUNKS = PER_W // CHUNK


def _sh_vec():
    y00 = 0.5 * math.sqrt(1.0 / math.pi)
    h3 = 0.5 * math.sqrt(3.0 / math.pi)
    q5 = 0.25 * math.sqrt(5.0 / math.pi)
    h15 = 0.5 * math.sqrt(15.0 / math.pi)
    q15 = 0.25 * math.sqrt(15.0 / math.pi)
    st, ct = math.sin(THETA), math.cos(THETA)
    sp, cp = math.sin(PHI), math.cos(PHI)
    return np.array([
        y00,
        h3 * st * sp,
        h3 * ct,
        h3 * st * cp,
        h15 * st * cp * st * sp,
        h15 * st * sp * ct,
        q5 * (3.0 * ct * ct - 1.0),
        h15 * st * cp * ct,
        q15 * ((st * cp) ** 2 - (st * sp) ** 2),
    ], dtype=np.float32)


def _proj_matrix():
    Y = _sh_vec()
    M = np.zeros((FEATURE_DIM, PROJ_DIM), dtype=np.float32)
    M[0, 0] = 1.0
    for c in range(3):
        M[1 + c * 9:1 + (c + 1) * 9, 1 + c] = Y
    return M



def _proj_body(t_ref, m_ref, b_ref, o_ref):
    o_ref[...] = jnp.dot(t_ref[...], m_ref[...],
                         preferred_element_type=jnp.float32) + b_ref[...]


def _project(table):
    M = _proj_matrix()
    D = np.zeros((VPR * FEATURE_DIM, 128), dtype=np.float32)
    for j in range(VPR):
        D[j * FEATURE_DIM:(j + 1) * FEATURE_DIM,
          j * PROJ_DIM:j * PROJ_DIM + PROJ_DIM] = M
    bias = np.zeros((1, 128), dtype=np.float32)
    for j in range(VPR):
        bias[0, j * PROJ_DIM + 7] = 1.0
    t448 = table.reshape(N_PROWS, VPR * FEATURE_DIM)
    BLK = 4096
    grid = N_PROWS // BLK
    return pl.pallas_call(
        _proj_body,
        grid=(grid,),
        in_specs=[
            pl.BlockSpec((BLK, VPR * FEATURE_DIM), lambda i: (i, 0)),
            pl.BlockSpec((VPR * FEATURE_DIM, 128), lambda i: (0, 0)),
            pl.BlockSpec((1, 128), lambda i: (0, 0)),
        ],
        out_specs=pl.BlockSpec((BLK, 128), lambda i: (i, 0)),
        out_shape=jax.ShapeDtypeStruct((N_PROWS, 128), jnp.float32),
    )(t448, jnp.asarray(D), jnp.asarray(bias))



def _gather_body(p_hbm, idx_hbm, out_hbm, *refs):
    wid = lax.axis_index("s") * 2 + lax.axis_index("c")
    idx_v = refs[0:N_BUF]
    rows_v = refs[N_BUF:2 * N_BUF]
    sems = refs[2 * N_BUF:3 * N_BUF]
    handles = []
    for c in range(N_BUF - 1):
        base = wid * PER_W + c * CHUNK
        pltpu.sync_copy(idx_hbm.at[pl.ds(base, CHUNK)], idx_v[c])
        handles.append(
            pltpu.async_copy(p_hbm.at[idx_v[c]], rows_v[c], sems[c]))
    for c in range(N_BUF - 1, N_CHUNKS + N_BUF - 1):
        if c < N_CHUNKS:
            b = c % N_BUF
            base = wid * PER_W + c * CHUNK
            pltpu.sync_copy(idx_hbm.at[pl.ds(base, CHUNK)], idx_v[b])
            handles.append(
                pltpu.async_copy(p_hbm.at[idx_v[b]], rows_v[b], sems[b]))
        d = c - (N_BUF - 1)
        dbase = wid * PER_W + d * CHUNK
        handles[d].wait()
        pltpu.sync_copy(rows_v[d % N_BUF], out_hbm.at[pl.ds(dbase, CHUNK)])


def _sc_gather(P2, idx_flat):
    mesh = plsc.VectorSubcoreMesh(core_axis_name="c", subcore_axis_name="s")
    k = pl.kernel(
        _gather_body,
        mesh=mesh,
        out_type=jax.ShapeDtypeStruct((N_GATHER, PROJ_DIM), jnp.float32),
        scratch_types=(
            [pltpu.VMEM((CHUNK,), jnp.int32)] * N_BUF
            + [pltpu.VMEM((CHUNK, PROJ_DIM), jnp.float32)] * N_BUF
            + [pltpu.SemaphoreType.DMA] * N_BUF
        ),
        compiler_params=pltpu.CompilerParams(use_tc_tiling_on_sc=False),
    )
    return k(P2, idx_flat)



R_BLK = 128
BR = R_BLK * 32


def _fused_consts():
    E = np.zeros((16, 128), dtype=np.float32)
    for t in range(16):
        E[t, t * 8:t * 8 + 8] = 1.0
    SPR7 = np.zeros((128, 128), dtype=np.float32)
    for t in range(16):
        for f in range(8):
            SPR7[t * 8 + 7, t * 8 + f] = 1.0
    LTIN = np.zeros((128, 128), dtype=np.float32)
    for t in range(16):
        for t2 in range(t, 16):
            LTIN[t * 8, t2 * 8] = 1.0
    TOTM = np.zeros((128, 128), dtype=np.float32)
    for t in range(16):
        for t2 in range(16):
            TOTM[t * 8, t2 * 8] = 1.0
    SPRD = np.zeros((128, 128), dtype=np.float32)
    for t in range(16):
        for c in (1, 2, 3):
            SPRD[t * 8, t * 8 + c] = 1.0
    UC = np.zeros((128, 3), dtype=np.float32)
    for t in range(16):
        for c in range(3):
            UC[t * 8 + 1 + c, c] = 1.0
    SEL = np.zeros((R_BLK, BR), dtype=np.float32)
    for r in range(R_BLK):
        for q in range(4):
            SEL[r, r * 32 + q] = 1.0
    return E, SPR7, LTIN, TOTM, SPRD, UC, SEL


def _fused_body(g_ref, w_ref, e_ref, spr7_ref, ltin_ref, totm_ref,
                sprd_ref, uc_ref, sel_ref, o_ref):
    g = g_ref[...]
    w = w_ref[...]
    wexp = jnp.dot(w, e_ref[...], preferred_element_type=jnp.float32)
    acc = g * wexp
    acc = acc + pltpu.roll(acc, BR - 4, axis=0)
    acc = acc + pltpu.roll(acc, BR - 8, axis=0)
    acc = acc + pltpu.roll(acc, BR - 16, axis=0)
    nrm = jnp.dot(acc, spr7_ref[...], preferred_element_type=jnp.float32)
    z = acc / nrm
    rowi = lax.broadcasted_iota(jnp.int32, (BR, 128), 0)
    lanei = lax.broadcasted_iota(jnp.int32, (BR, 128), 1)
    dmask = (lanei % 8 == 0).astype(jnp.float32)
    taud = jnp.maximum(z, 0.0) * dmask * DELTA
    pre = jnp.dot(taud, ltin_ref[...], preferred_element_type=jnp.float32)
    excl = pre - taud
    tot = jnp.dot(taud, totm_ref[...], preferred_element_type=jnp.float32)
    base = jnp.zeros_like(tot)
    for k in (1, 2, 3):
        mk = (rowi % 32 >= k).astype(jnp.float32)
        base = base + pltpu.roll(tot, k, axis=0) * mk
    T = jnp.exp(-(excl + base))
    alpha = 1.0 - jnp.exp(-taud)
    wta = T * alpha * dmask
    wta8 = jnp.dot(wta, sprd_ref[...], preferred_element_type=jnp.float32)
    smask = ((rowi % 32) * 16 + lanei // 8 < NUM_SAMPLES).astype(jnp.float32)
    contrib = z * wta8 * smask
    ruc = jnp.dot(contrib, uc_ref[...], preferred_element_type=jnp.float32)
    o_ref[...] = jnp.dot(sel_ref[...], ruc,
                         preferred_element_type=jnp.float32)


def _fused(G128, w16):
    E, SPR7, LTIN, TOTM, SPRD, UC, SEL = _fused_consts()
    grid = NUM_RAYS // R_BLK
    return pl.pallas_call(
        _fused_body,
        grid=(grid,),
        in_specs=[
            pl.BlockSpec((BR, 128), lambda i: (i, 0)),
            pl.BlockSpec((BR, 16), lambda i: (i, 0)),
            pl.BlockSpec((16, 128), lambda i: (0, 0)),
            pl.BlockSpec((128, 128), lambda i: (0, 0)),
            pl.BlockSpec((128, 128), lambda i: (0, 0)),
            pl.BlockSpec((128, 128), lambda i: (0, 0)),
            pl.BlockSpec((128, 128), lambda i: (0, 0)),
            pl.BlockSpec((128, 3), lambda i: (0, 0)),
            pl.BlockSpec((R_BLK, BR), lambda i: (0, 0)),
        ],
        out_specs=pl.BlockSpec((R_BLK, 3), lambda i: (i, 0)),
        out_shape=jax.ShapeDtypeStruct((NUM_RAYS, 3), jnp.float32),
    )(G128, w16, jnp.asarray(E), jnp.asarray(SPR7), jnp.asarray(LTIN),
      jnp.asarray(TOTM), jnp.asarray(SPRD), jnp.asarray(UC), jnp.asarray(SEL))


def kernel(weights, table, indices):
    idx_t = jnp.transpose(indices.astype(jnp.int32), (0, 2, 1))
    idx_p = jnp.pad(idx_t, ((0, 0), (0, 0), (0, S64 - NUM_SAMPLES)),
                    mode="edge")
    idx_flat = idx_p.reshape(N_GATHER)
    w_t = jnp.transpose(weights, (0, 2, 1))
    w_p = jnp.pad(w_t, ((0, 0), (0, 0), (0, S64 - NUM_SAMPLES)),
                  constant_values=1.0)
    w16 = w_p.reshape(N_GROWS, 16)
    P = _project(table)
    P2 = P.reshape(N_PROWS * 128).reshape(NUM_VOXELS, PROJ_DIM)
    G = _sc_gather(P2, idx_flat)
    G128 = G.reshape(N_GATHER * PROJ_DIM).reshape(N_GROWS, 128)
    return _fused(G128, w16)

# --- scband reference (transcript-rebuilt; emitter-appended) ---
"""Pipeline reference for scband-plenoxel-model-1211180777946 (READ-ONLY COPY).

The authoritative reference and input builder live on the scoring server;
editing this copy changes nothing except your own understanding.
"""

import jax, jax.numpy as jnp
import numpy as np
import math

GRID_RES = 128
FEATURE_DIM = 28
NUM_VOXELS = GRID_RES ** 3
NUM_RAYS = 4096
NUM_SAMPLES = 50
RAY_LENGTH = 100.0
DELTA = RAY_LENGTH / NUM_SAMPLES
THETA = 0.5
PHI = 0.3


def _sh_basis(theta, phi):
    # Order matches harmonic(): C_0_0, C_m1_1, C_0_1, C_1_1, C_m2_2, C_m1_2, C_0_2, C_1_2, C_2_2
    y_0_0 = 0.5 * math.sqrt(1.0 / math.pi)
    half_sqrt_3_by_pi = 0.5 * math.sqrt(3.0 / math.pi)
    quarter_sqrt_5_by_pi = 0.25 * math.sqrt(5.0 / math.pi)
    half_sqrt_15_by_pi = 0.5 * math.sqrt(15.0 / math.pi)
    quarter_sqrt_15_by_pi = 0.25 * math.sqrt(15.0 / math.pi)
    st, ct = math.sin(theta), math.cos(theta)
    sp, cp = math.sin(phi), math.cos(phi)
    y_m1_1 = half_sqrt_3_by_pi * st * sp
    y_0_1 = half_sqrt_3_by_pi * ct
    y_1_1 = half_sqrt_3_by_pi * st * cp
    y_m2_2 = half_sqrt_15_by_pi * st * cp * st * sp
    y_m1_2 = half_sqrt_15_by_pi * st * sp * ct
    y_0_2 = quarter_sqrt_5_by_pi * (3.0 * ct * ct - 1.0)
    y_1_2 = half_sqrt_15_by_pi * st * cp * ct
    y_2_2 = quarter_sqrt_15_by_pi * ((st * cp) ** 2 - (st * sp) ** 2)
    return np.array([y_0_0, y_m1_1, y_0_1, y_1_1, y_m2_2, y_m1_2, y_0_2, y_1_2, y_2_2], dtype=np.float32)


def setup_inputs(seed: int = 0) -> dict:
    key = jax.random.key(seed)
    k1, k2, k3 = jax.random.split(key, 3)
    indices = jax.random.randint(k1, (NUM_RAYS, NUM_SAMPLES, 8), 0, NUM_VOXELS, dtype=jnp.int64 if jax.config.read('jax_enable_x64') else jnp.int32)
    weights = jax.random.uniform(k2, (NUM_RAYS, NUM_SAMPLES, 8), dtype=jnp.float32)
    # learned voxel grid: flattened [GRID^3, 28] = (density, 9 red SH, 9 green SH, 9 blue SH)
    table = jax.random.normal(k3, (NUM_VOXELS, FEATURE_DIM), dtype=jnp.float32) * 0.02
    return {"weights": weights, "table": table, "indices": indices}


def reference(weights, table, indices):
    # trilinear weights over 8 neighbour voxels (normalize so they sum to 1)
    w = weights / jnp.sum(weights, axis=-1, keepdims=True)
    # embedding lookup: gather 8 neighbour voxel feature rows per ray sample
    gathered = jnp.take(table, indices, axis=0)            # [B, S, 8, F]
    interp = jnp.sum(w[..., None] * gathered, axis=2)      # [B, S, F]
    # volumetric compositing along each ray (channel_opacity)
    sigma = jax.nn.relu(interp[..., 0])                    # density, [B, S]
    tau = sigma * DELTA
    tau_shift = jnp.concatenate([jnp.zeros_like(tau[:, :1]), tau[:, :-1]], axis=1)
    transmittance = jnp.exp(-jnp.cumsum(tau_shift, axis=1))
    alpha = 1.0 - jnp.exp(-tau)
    # spherical-harmonic colour evaluation at fixed viewing angle
    Y = jnp.asarray(_sh_basis(THETA, PHI))                 # [9]
    sh = interp[..., 1:].reshape(NUM_RAYS, NUM_SAMPLES, 3, 9)
    colors = jnp.einsum('bsck,k->bsc', sh, Y)             # [B, S, 3]
    rgb = jnp.sum(transmittance[..., None] * alpha[..., None] * colors, axis=1)
    return rgb

if __name__ == "__main__":
    import jax
    _d = setup_inputs()
    print(jax.jit(kernel)(*tuple(_d.values())))

</pallas_src>

<mosaic_0001>
#map = affine_map<(d0, d1) -> (0, 0)>
#map1 = affine_map<(d0, d1) -> (0)>
module attributes {stable_mosaic.version = 14 : i64} {
  func.func @_gather_body(%arg0: i32, %arg1: i32, %arg2: memref<2097152x8xf32, #tpu.memory_space<hbm>>, %arg3: memref<2097152xi32, #tpu.memory_space<hbm>>, %arg4: memref<2097152x8xf32, #tpu.memory_space<hbm>>, %arg5: memref<2048xi32, #tpu.memory_space<vmem>>, %arg6: memref<2048xi32, #tpu.memory_space<vmem>>, %arg7: memref<2048xi32, #tpu.memory_space<vmem>>, %arg8: memref<2048xi32, #tpu.memory_space<vmem>>, %arg9: memref<2048x8xf32, #tpu.memory_space<vmem>>, %arg10: memref<2048x8xf32, #tpu.memory_space<vmem>>, %arg11: memref<2048x8xf32, #tpu.memory_space<vmem>>, %arg12: memref<2048x8xf32, #tpu.memory_space<vmem>>, %arg13: memref<!tpu.dma_semaphore, #tpu.memory_space<semaphore_mem>>, %arg14: memref<!tpu.dma_semaphore, #tpu.memory_space<semaphore_mem>>, %arg15: memref<!tpu.dma_semaphore, #tpu.memory_space<semaphore_mem>>, %arg16: memref<!tpu.dma_semaphore, #tpu.memory_space<semaphore_mem>>) attributes {dimension_semantics = [#tpu.dimension_semantics<core_parallel>, #tpu.dimension_semantics<subcore_parallel>], iteration_bounds = array<i64: 2, 16>, scalar_prefetch = 0 : i64, scratch_operands = 12 : i64, tpu.core_type = #tpu.core_type<sc_vector_subcore>, window_params = [{transform_indices = #map}, {transform_indices = #map1}, {transform_indices = #map}]} {
    %mul3A = arith.constant 2 : i32
    %mul3A_0 = arith.muli %arg1, %mul3A : i32
    %add3A = arith.addi %mul3A_0, %arg0 : i32
    %mul3A_1 = arith.constant 65536 : i32
    %mul3A_2 = arith.muli %add3A, %mul3A_1 : i32
    %add3A_3 = arith.constant 0 : i32
    %add3A_4 = arith.addi %mul3A_2, %add3A_3 : i32
    "tpu.region"() ({
      %run_scoped3A = tpu.sem_alloc : memref<!tpu.dma_semaphore, #tpu.memory_space<semaphore_mem>>
      %dma_start3A_447 = tpu.memref_slice %arg3[%add3A_4] : memref<2097152xi32, #tpu.memory_space<hbm>> -> memref<2048xi32, #tpu.memory_space<hbm>>
      %dma_start3A_448 = tpu.memref_slice %arg3[%add3A_4] : memref<2097152xi32, #tpu.memory_space<hbm>> -> memref<2048xi32, #tpu.memory_space<hbm>>
      tpu.enqueue_dma source(%dma_start3A_448 : memref<2048xi32, #tpu.memory_space<hbm>>) target(%arg5 : memref<2048xi32, #tpu.memory_space<vmem>>) target_semaphore(%run_scoped3A : memref<!tpu.dma_semaphore, #tpu.memory_space<semaphore_mem>>)
      %dma_wait3A_449 = tpu.memref_slice %arg3[%add3A_4] : memref<2097152xi32, #tpu.memory_space<hbm>> -> memref<2048xi32, #tpu.memory_space<hbm>>
      %dma_wait3A_450 = tpu.memref_slice %arg3[%add3A_4] : memref<2097152xi32, #tpu.memory_space<hbm>> -> memref<2048xi32, #tpu.memory_space<hbm>>
      tpu.wait_dma2 semaphore(%run_scoped3A : memref<!tpu.dma_semaphore, #tpu.memory_space<semaphore_mem>>) src(%dma_wait3A_450 : memref<2048xi32, #tpu.memory_space<hbm>>) dst(%arg5 : memref<2048xi32, #tpu.memory_space<vmem>>)
      tpu.yield
    }) : () -> ()
    %dma_start3A = arith.constant 0 : i32
    %dma_start3A_5 = arith.constant 0 : i32
    %dma_start3A_6 = tpu.memref_slice %arg2[%dma_start3A, %dma_start3A_5] : memref<2097152x8xf32, #tpu.memory_space<hbm>> -> memref<2097152x8xf32, #tpu.memory_space<hbm>>
    tpu.enqueue_indirect_dma source(%dma_start3A_6 : memref<2097152x8xf32, #tpu.memory_space<hbm>>) target(%arg9 : memref<2048x8xf32, #tpu.memory_space<vmem>>) offsets(%arg5 : memref<2048xi32, #tpu.memory_space<vmem>>) semaphore(%arg13 : memref<!tpu.dma_semaphore, #tpu.memory_space<semaphore_mem>>)
    %mul3A_7 = arith.constant 65536 : i32
    %mul3A_8 = arith.muli %add3A, %mul3A_7 : i32
    %add3A_9 = arith.constant 2048 : i32
    %add3A_10 = arith.addi %mul3A_8, %add3A_9 : i32
    "tpu.region"() ({
      %run_scoped3A = tpu.sem_alloc : memref<!tpu.dma_semaphore, #tpu.memory_space<semaphore_mem>>
      %dma_start3A_447 = tpu.memref_slice %arg3[%add3A_10] : memref<2097152xi32, #tpu.memory_space<hbm>> -> memref<2048xi32, #tpu.memory_space<hbm>>
      %dma_start3A_448 = tpu.memref_slice %arg3[%add3A_10] : memref<2097152xi32, #tpu.memory_space<hbm>> -> memref<2048xi32, #tpu.memory_space<hbm>>
      tpu.enqueue_dma source(%dma_start3A_448 : memref<2048xi32, #tpu.memory_space<hbm>>) target(%arg6 : memref<2048xi32, #tpu.memory_space<vmem>>) target_semaphore(%run_scoped3A : memref<!tpu.dma_semaphore, #tpu.memory_space<semaphore_mem>>)
      %dma_wait3A_449 = tpu.memref_slice %arg3[%add3A_10] : memref<2097152xi32, #tpu.memory_space<hbm>> -> memref<2048xi32, #tpu.memory_space<hbm>>
      %dma_wait3A_450 = tpu.memref_slice %arg3[%add3A_10] : memref<2097152xi32, #tpu.memory_space<hbm>> -> memref<2048xi32, #tpu.memory_space<hbm>>
      tpu.wait_dma2 semaphore(%run_scoped3A : memref<!tpu.dma_semaphore, #tpu.memory_space<semaphore_mem>>) src(%dma_wait3A_450 : memref<2048xi32, #tpu.memory_space<hbm>>) dst(%arg6 : memref<2048xi32, #tpu.memory_space<vmem>>)
      tpu.yield
    }) : () -> ()
    %dma_start3A_11 = arith.constant 0 : i32
    %dma_start3A_12 = arith.constant 0 : i32
    %dma_start3A_13 = tpu.memref_slice %arg2[%dma_start3A_11, %dma_start3A_12] : memref<2097152x8xf32, #tpu.memory_space<hbm>> -> memref<2097152x8xf32, #tpu.memory_space<hbm>>
    tpu.enqueue_indirect_dma source(%dma_start3A_13 : memref<2097152x8xf32, #tpu.memory_space<hbm>>) target(%arg10 : memref<2048x8xf32, #tpu.memory_space<vmem>>) offsets(%arg6 : memref<2048xi32, #tpu.memory_space<vmem>>) semaphore(%arg14 : memref<!tpu.dma_semaphore, #tpu.memory_space<semaphore_mem>>)
    %mul3A_14 = arith.constant 65536 : i32
    %mul3A_15 = arith.muli %add3A, %mul3A_14 : i32
    %add3A_16 = arith.constant 4096 : i32
    %add3A_17 = arith.addi %mul3A_15, %add3A_16 : i32
    "tpu.region"() ({
      %run_scoped3A = tpu.sem_alloc : memref<!tpu.dma_semaphore, #tpu.memory_space<semaphore_mem>>
      %dma_start3A_447 = tpu.memref_slice %arg3[%add3A_17] : memref<2097152xi32, #tpu.memory_space<hbm>> -> memref<2048xi32, #tpu.memory_space<hbm>>
      %dma_start3A_448 = tpu.memref_slice %arg3[%add3A_17] : memref<2097152xi32, #tpu.memory_space<hbm>> -> memref<2048xi32, #tpu.memory_space<hbm>>
      tpu.enqueue_dma source(%dma_start3A_448 : memref<2048xi32, #tpu.memory_space<hbm>>) target(%arg7 : memref<2048xi32, #tpu.memory_space<vmem>>) target_semaphore(%run_scoped3A : memref<!tpu.dma_semaphore, #tpu.memory_space<semaphore_mem>>)
      %dma_wait3A_449 = tpu.memref_slice %arg3[%add3A_17] : memref<2097152xi32, #tpu.memory_space<hbm>> -> memref<2048xi32, #tpu.memory_space<hbm>>
      %dma_wait3A_450 = tpu.memref_slice %arg3[%add3A_17] : memref<2097152xi32, #tpu.memory_space<hbm>> -> memref<2048xi32, #tpu.memory_space<hbm>>
      tpu.wait_dma2 semaphore(%run_scoped3A : memref<!tpu.dma_semaphore, #tpu.memory_space<semaphore_mem>>) src(%dma_wait3A_450 : memref<2048xi32, #tpu.memory_space<hbm>>) dst(%arg7 : memref<2048xi32, #tpu.memory_space<vmem>>)
      tpu.yield
    }) : () -> ()
    %dma_start3A_18 = arith.constant 0 : i32
    %dma_start3A_19 = arith.constant 0 : i32
    %dma_start3A_20 = tpu.memref_slice %arg2[%dma_start3A_18, %dma_start3A_19] : memref<2097152x8xf32, #tpu.memory_space<hbm>> -> memref<2097152x8xf32, #tpu.memory_space<hbm>>
    tpu.enqueue_indirect_dma source(%dma_start3A_20 : memref<2097152x8xf32, #tpu.memory_space<hbm>>) target(%arg11 : memref<2048x8xf32, #tpu.memory_space<vmem>>) offsets(%arg7 : memref<2048xi32, #tpu.memory_space<vmem>>) semaphore(%arg15 : memref<!tpu.dma_semaphore, #tpu.memory_space<semaphore_mem>>)
    %mul3A_21 = arith.constant 65536 : i32
    %mul3A_22 = arith.muli %add3A, %mul3A_21 : i32
    %add3A_23 = arith.constant 6144 : i32
    %add3A_24 = arith.addi %mul3A_22, %add3A_23 : i32
    "tpu.region"() ({
      %run_scoped3A = tpu.sem_alloc : memref<!tpu.dma_semaphore, #tpu.memory_space<semaphore_mem>>
      %dma_start3A_447 = tpu.memref_slice %arg3[%add3A_24] : memref<2097152xi32, #tpu.memory_space<hbm>> -> memref<2048xi32, #tpu.memory_space<hbm>>
      %dma_start3A_448 = tpu.memref_slice %arg3[%add3A_24] : memref<2097152xi32, #tpu.memory_space<hbm>> -> memref<2048xi32, #tpu.memory_space<hbm>>
      tpu.enqueue_dma source(%dma_start3A_448 : memref<2048xi32, #tpu.memory_space<hbm>>) target(%arg8 : memref<2048xi32, #tpu.memory_space<vmem>>) target_semaphore(%run_scoped3A : memref<!tpu.dma_semaphore, #tpu.memory_space<semaphore_mem>>)
      %dma_wait3A_449 = tpu.memref_slice %arg3[%add3A_24] : memref<2097152xi32, #tpu.memory_space<hbm>> -> memref<2048xi32, #tpu.memory_space<hbm>>
      %dma_wait3A_450 = tpu.memref_slice %arg3[%add3A_24] : memref<2097152xi32, #tpu.memory_space<hbm>> -> memref<2048xi32, #tpu.memory_space<hbm>>
      tpu.wait_dma2 semaphore(%run_scoped3A : memref<!tpu.dma_semaphore, #tpu.memory_space<semaphore_mem>>) src(%dma_wait3A_450 : memref<2048xi32, #tpu.memory_space<hbm>>) dst(%arg8 : memref<2048xi32, #tpu.memory_space<vmem>>)
      tpu.yield
    }) : () -> ()
    %dma_start3A_25 = arith.constant 0 : i32
    %dma_start3A_26 = arith.constant 0 : i32
    %dma_start3A_27 = tpu.memref_slice %arg2[%dma_start3A_25, %dma_start3A_26] : memref<2097152x8xf32, #tpu.memory_space<hbm>> -> memref<2097152x8xf32, #tpu.memory_space<hbm>>
    tpu.enqueue_indirect_dma source(%dma_start3A_27 : memref<2097152x8xf32, #tpu.memory_space<hbm>>) target(%arg12 : memref<2048x8xf32, #tpu.memory_space<vmem>>) offsets(%arg8 : memref<2048xi32, #tpu.memory_space<vmem>>) semaphore(%arg16 : memref<!tpu.dma_semaphore, #tpu.memory_space<semaphore_mem>>)
    %mul3A_28 = arith.constant 65536 : i32
    %mul3A_29 = arith.muli %add3A, %mul3A_28 : i32
    %add3A_30 = arith.constant 0 : i32
    %add3A_31 = arith.addi %mul3A_29, %add3A_30 : i32
    %dma_wait3A = arith.constant 0 : i32
    %dma_wait3A_32 = arith.constant 0 : i32
    %dma_wait3A_33 = tpu.memref_slice %arg2[%dma_wait3A, %dma_wait3A_32] : memref<2097152x8xf32, #tpu.memory_space<hbm>> -> memref<2097152x8xf32, #tpu.memory_space<hbm>>
    tpu.wait_indirect_dma semaphore(%arg13 : memref<!tpu.dma_semaphore, #tpu.memory_space<semaphore_mem>>) src(%dma_wait3A_33 : memref<2097152x8xf32, #tpu.memory_space<hbm>>) dst(%arg9 : memref<2048x8xf32, #tpu.memory_space<vmem>>)
    "tpu.region"() ({
      %run_scoped3A = tpu.sem_alloc : memref<!tpu.dma_semaphore, #tpu.memory_space<semaphore_mem>>
      %dma_start3A_447 = arith.constant 0 : i32
      %dma_start3A_448 = tpu.memref_slice %arg4[%add3A_31, %dma_start3A_447] : memref<2097152x8xf32, #tpu.memory_space<hbm>> -> memref<2048x8xf32, #tpu.memory_space<hbm>>
      %dma_start3A_449 = arith.constant 0 : i32
      %dma_start3A_450 = tpu.memref_slice %arg4[%add3A_31, %dma_start3A_449] : memref<2097152x8xf32, #tpu.memory_space<hbm>> -> memref<2048x8xf32, #tpu.memory_space<hbm>>
      tpu.enqueue_dma source(%arg9 : memref<2048x8xf32, #tpu.memory_space<vmem>>) target(%dma_start3A_450 : memref<2048x8xf32, #tpu.memory_space<hbm>>) target_semaphore(%run_scoped3A : memref<!tpu.dma_semaphore, #tpu.memory_space<semaphore_mem>>)
      %dma_wait3A_451 = arith.constant 0 : i32
      %dma_wait3A_452 = tpu.memref_slice %arg4[%add3A_31, %dma_wait3A_451] : memref<2097152x8xf32, #tpu.memory_space<hbm>> -> memref<2048x8xf32, #tpu.memory_space<hbm>>
      %dma_wait3A_453 = arith.constant 0 : i32
      %dma_wait3A_454 = tpu.memref_slice %arg4[%add3A_31, %dma_wait3A_453] : memref<2097152x8xf32, #tpu.memory_space<hbm>> -> memref<2048x8xf32, #tpu.memory_space<hbm>>
      tpu.wait_dma2 semaphore(%run_scoped3A : memref<!tpu.dma_semaphore, #tpu.memory_space<semaphore_mem>>) src(%arg9 : memref<2048x8xf32, #tpu.memory_space<vmem>>) dst(%dma_wait3A_454 : memref<2048x8xf32, #tpu.memory_space<hbm>>)
      tpu.yield
    }) : () -> ()
    %mul3A_34 = arith.constant 65536 : i32
    %mul3A_35 = arith.muli %add3A, %mul3A_34 : i32
    %add3A_36 = arith.constant 8192 : i32
    %add3A_37 = arith.addi %mul3A_35, %add3A_36 : i32
    "tpu.region"() ({
      %run_scoped3A = tpu.sem_alloc : memref<!tpu.dma_semaphore, #tpu.memory_space<semaphore_mem>>
      %dma_start3A_447 = tpu.memref_slice %arg3[%add3A_37] : memref<2097152xi32, #tpu.memory_space<hbm>> -> memref<2048xi32, #tpu.memory_space<hbm>>
      %dma_start3A_448 = tpu.memref_slice %arg3[%add3A_37] : memref<2097152xi32, #tpu.memory_space<hbm>> -> memref<2048xi32, #tpu.memory_space<hbm>>
      tpu.enqueue_dma source(%dma_start3A_448 : memref<2048xi32, #tpu.memory_space<hbm>>) target(%arg5 : memref<2048xi32, #tpu.memory_space<vmem>>) target_semaphore(%run_scoped3A : memref<!tpu.dma_semaphore, #tpu.memory_space<semaphore_mem>>)
      %dma_wait3A_449 = tpu.memref_slice %arg3[%add3A_37] : memref<2097152xi32, #tpu.memory_space<hbm>> -> memref<2048xi32, #tpu.memory_space<hbm>>
      %dma_wait3A_450 = tpu.memref_slice %arg3[%add3A_37] : memref<2097152xi32, #tpu.memory_space<hbm>> -> memref<2048xi32, #tpu.memory_space<hbm>>
      tpu.wait_dma2 semaphore(%run_scoped3A : memref<!tpu.dma_semaphore, #tpu.memory_space<semaphore_mem>>) src(%dma_wait3A_450 : memref<2048xi32, #tpu.memory_space<hbm>>) dst(%arg5 : memref<2048xi32, #tpu.memory_space<vmem>>)
      tpu.yield
    }) : () -> ()
    %dma_start3A_38 = arith.constant 0 : i32
    %dma_start3A_39 = arith.constant 0 : i32
    %dma_start3A_40 = tpu.memref_slice %arg2[%dma_start3A_38, %dma_start3A_39] : memref<2097152x8xf32, #tpu.memory_space<hbm>> -> memref<2097152x8xf32, #tpu.memory_space<hbm>>
    tpu.enqueue_indirect_dma source(%dma_start3A_40 : memref<2097152x8xf32, #tpu.memory_space<hbm>>) target(%arg9 : memref<2048x8xf32, #tpu.memory_space<vmem>>) offsets(%arg5 : memref<2048xi32, #tpu.memory_space<vmem>>) semaphore(%arg13 : memref<!tpu.dma_semaphore, #tpu.memory_space<semaphore_mem>>)
    %mul3A_41 = arith.constant 65536 : i32
    %mul3A_42 = arith.muli %add3A, %mul3A_41 : i32
    %add3A_43 = arith.constant 2048 : i32
    %add3A_44 = arith.addi %mul3A_42, %add3A_43 : i32
    %dma_wait3A_45 = arith.constant 0 : i32
    %dma_wait3A_46 = arith.constant 0 : i32
    %dma_wait3A_47 = tpu.memref_slice %arg2[%dma_wait3A_45, %dma_wait3A_46] : memref<2097152x8xf32, #tpu.memory_space<hbm>> -> memref<2097152x8xf32, #tpu.memory_space<hbm>>
    tpu.wait_indirect_dma semaphore(%arg14 : memref<!tpu.dma_semaphore, #tpu.memory_space<semaphore_mem>>) src(%dma_wait3A_47 : memref<2097152x8xf32, #tpu.memory_space<hbm>>) dst(%arg10 : memref<2048x8xf32, #tpu.memory_space<vmem>>)
    "tpu.region"() ({
      %run_scoped3A = tpu.sem_alloc : memref<!tpu.dma_semaphore, #tpu.memory_space<semaphore_mem>>
      %dma_start3A_447 = arith.constant 0 : i32
      %dma_start3A_448 = tpu.memref_slice %arg4[%add3A_44, %dma_start3A_447] : memref<2097152x8xf32, #tpu.memory_space<hbm>> -> memref<2048x8xf32, #tpu.memory_space<hbm>>
      %dma_start3A_449 = arith.constant 0 : i32
      %dma_start3A_450 = tpu.memref_slice %arg4[%add3A_44, %dma_start3A_449] : memref<2097152x8xf32, #tpu.memory_space<hbm>> -> memref<2048x8xf32, #tpu.memory_space<hbm>>
      tpu.enqueue_dma source(%arg10 : memref<2048x8xf32, #tpu.memory_space<vmem>>) target(%dma_start3A_450 : memref<2048x8xf32, #tpu.memory_space<hbm>>) target_semaphore(%run_scoped3A : memref<!tpu.dma_semaphore, #tpu.memory_space<semaphore_mem>>)
      %dma_wait3A_451 = arith.constant 0 : i32
      %dma_wait3A_452 = tpu.memref_slice %arg4[%add3A_44, %dma_wait3A_451] : memref<2097152x8xf32, #tpu.memory_space<hbm>> -> memref<2048x8xf32, #tpu.memory_space<hbm>>
      %dma_wait3A_453 = arith.constant 0 : i32
      %dma_wait3A_454 = tpu.memref_slice %arg4[%add3A_44, %dma_wait3A_453] : memref<2097152x8xf32, #tpu.memory_space<hbm>> -> memref<2048x8xf32, #tpu.memory_space<hbm>>
      tpu.wait_dma2 semaphore(%run_scoped3A : memref<!tpu.dma_semaphore, #tpu.memory_space<semaphore_mem>>) src(%arg10 : memref<2048x8xf32, #tpu.memory_space<vmem>>) dst(%dma_wait3A_454 : memref<2048x8xf32, #tpu.memory_space<hbm>>)
      tpu.yield
    }) : () -> ()
    %mul3A_48 = arith.constant 65536 : i32
    %mul3A_49 = arith.muli %add3A, %mul3A_48 : i32
    %add3A_50 = arith.constant 10240 : i32
    %add3A_51 = arith.addi %mul3A_49, %add3A_50 : i32
    "tpu.region"() ({
      %run_scoped3A = tpu.sem_alloc : memref<!tpu.dma_semaphore, #tpu.memory_space<semaphore_mem>>
      %dma_start3A_447 = tpu.memref_slice %arg3[%add3A_51] : memref<2097152xi32, #tpu.memory_space<hbm>> -> memref<2048xi32, #tpu.memory_space<hbm>>
      %dma_start3A_448 = tpu.memref_slice %arg3[%add3A_51] : memref<2097152xi32, #tpu.memory_space<hbm>> -> memref<2048xi32, #tpu.memory_space<hbm>>
      tpu.enqueue_dma source(%dma_start3A_448 : memref<2048xi32, #tpu.memory_space<hbm>>) target(%arg6 : memref<2048xi32, #tpu.memory_space<vmem>>) target_semaphore(%run_scoped3A : memref<!tpu.dma_semaphore, #tpu.memory_space<semaphore_mem>>)
      %dma_wait3A_449 = tpu.memref_slice %arg3[%add3A_51] : memref<2097152xi32, #tpu.memory_space<hbm>> -> memref<2048xi32, #tpu.memory_space<hbm>>
      %dma_wait3A_450 = tpu.memref_slice %arg3[%add3A_51] : memref<2097152xi32, #tpu.memory_space<hbm>> -> memref<2048xi32, #tpu.memory_space<hbm>>
      tpu.wait_dma2 semaphore(%run_scoped3A : memref<!tpu.dma_semaphore, #tpu.memory_space<semaphore_mem>>) src(%dma_wait3A_450 : memref<2048xi32, #tpu.memory_space<hbm>>) dst(%arg6 : memref<2048xi32, #tpu.memory_space<vmem>>)
      tpu.yield
    }) : () -> ()
    %dma_start3A_52 = arith.constant 0 : i32
    %dma_start3A_53 = arith.constant 0 : i32
    %dma_start3A_54 = tpu.memref_slice %arg2[%dma_start3A_52, %dma_start3A_53] : memref<2097152x8xf32, #tpu.memory_space<hbm>> -> memref<2097152x8xf32, #tpu.memory_space<hbm>>
    tpu.enqueue_indirect_dma source(%dma_start3A_54 : memref<2097152x8xf32, #tpu.memory_space<hbm>>) target(%arg10 : memref<2048x8xf32, #tpu.memory_space<vmem>>) offsets(%arg6 : memref<2048xi32, #tpu.memory_space<vmem>>) semaphore(%arg14 : memref<!tpu.dma_semaphore, #tpu.memory_space<semaphore_mem>>)
    %mul3A_55 = arith.constant 65536 : i32
    %mul3A_56 = arith.muli %add3A, %mul3A_55 : i32
    %add3A_57 = arith.constant 4096 : i32
    %add3A_58 = arith.addi %mul3A_56, %add3A_57 : i32
    %dma_wait3A_59 = arith.constant 0 : i32
    %dma_wait3A_60 = arith.constant 0 : i32
    %dma_wait3A_61 = tpu.memref_slice %arg2[%dma_wait3A_59, %dma_wait3A_60] : memref<2097152x8xf32, #tpu.memory_space<hbm>> -> memref<2097152x8xf32, #tpu.memory_space<hbm>>
    tpu.wait_indirect_dma semaphore(%arg15 : memref<!tpu.dma_semaphore, #tpu.memory_space<semaphore_mem>>) src(%dma_wait3A_61 : memref<2097152x8xf32, #tpu.memory_space<hbm>>) dst(%arg11 : memref<2048x8xf32, #tpu.memory_space<vmem>>)
    "tpu.region"() ({
      %run_scoped3A = tpu.sem_alloc : memref<!tpu.dma_semaphore, #tpu.memory_space<semaphore_mem>>
      %dma_start3A_447 = arith.constant 0 : i32
      %dma_start3A_448 = tpu.memref_slice %arg4[%add3A_58, %dma_start3A_447] : memref<2097152x8xf32, #tpu.memory_space<hbm>> -> memref<2048x8xf32, #tpu.memory_space<hbm>>
      %dma_start3A_449 = arith.constant 0 : i32
      %dma_start3A_450 = tpu.memref_slice %arg4[%add3A_58, %dma_start3A_449] : memref<2097152x8xf32, #tpu.memory_space<hbm>> -> memref<2048x8xf32, #tpu.memory_space<hbm>>
      tpu.enqueue_dma source(%arg11 : memref<2048x8xf32, #tpu.memory_space<vmem>>) target(%dma_start3A_450 : memref<2048x8xf32, #tpu.memory_space<hbm>>) target_semaphore(%run_scoped3A : memref<!tpu.dma_semaphore, #tpu.memory_space<semaphore_mem>>)
      %dma_wait3A_451 = arith.constant 0 : i32
      %dma_wait3A_452 = tpu.memref_slice %arg4[%add3A_58, %dma_wait3A_451] : memref<2097152x8xf32, #tpu.memory_space<hbm>> -> memref<2048x8xf32, #tpu.memory_space<hbm>>
      %dma_wait3A_453 = arith.constant 0 : i32
      %dma_wait3A_454 = tpu.memref_slice %arg4[%add3A_58, %dma_wait3A_453] : memref<2097152x8xf32, #tpu.memory_space<hbm>> -> memref<2048x8xf32, #tpu.memory_space<hbm>>
      tpu.wait_dma2 semaphore(%run_scoped3A : memref<!tpu.dma_semaphore, #tpu.memory_space<semaphore_mem>>) src(%arg11 : memref<2048x8xf32, #tpu.memory_space<vmem>>) dst(%dma_wait3A_454 : memref<2048x8xf32, #tpu.memory_space<hbm>>)
      tpu.yield
    }) : () -> ()
    %mul3A_62 = arith.constant 65536 : i32
    %mul3A_63 = arith.muli %add3A, %mul3A_62 : i32
    %add3A_64 = arith.constant 12288 : i32
    %add3A_65 = arith.addi %mul3A_63, %add3A_64 : i32
    "tpu.region"() ({
      %run_scoped3A = tpu.sem_alloc : memref<!tpu.dma_semaphore, #tpu.memory_space<semaphore_mem>>
      %dma_start3A_447 = tpu.memref_slice %arg3[%add3A_65] : memref<2097152xi32, #tpu.memory_space<hbm>> -> memref<2048xi32, #tpu.memory_space<hbm>>
      %dma_start3A_448 = tpu.memref_slice %arg3[%add3A_65] : memref<2097152xi32, #tpu.memory_space<hbm>> -> memref<2048xi32, #tpu.memory_space<hbm>>
      tpu.enqueue_dma source(%dma_start3A_448 : memref<2048xi32, #tpu.memory_space<hbm>>) target(%arg7 : memref<2048xi32, #tpu.memory_space<vmem>>) target_semaphore(%run_scoped3A : memref<!tpu.dma_semaphore, #tpu.memory_space<semaphore_mem>>)
      %dma_wait3A_449 = tpu.memref_slice %arg3[%add3A_65] : memref<2097152xi32, #tpu.memory_space<hbm>> -> memref<2048xi32, #tpu.memory_space<hbm>>
      %dma_wait3A_450 = tpu.memref_slice %arg3[%add3A_65] : memref<2097152xi32, #tpu.memory_space<hbm>> -> memref<2048xi32, #tpu.memory_space<hbm>>
      tpu.wait_dma2 semaphore(%run_scoped3A : memref<!tpu.dma_semaphore, #tpu.memory_space<semaphore_mem>>) src(%dma_wait3A_450 : memref<2048xi32, #tpu.memory_space<hbm>>) dst(%arg7 : memref<2048xi32, #tpu.memory_space<vmem>>)
      tpu.yield
    }) : () -> ()
    %dma_start3A_66 = arith.constant 0 : i32
    %dma_start3A_67 = arith.constant 0 : i32
    %dma_start3A_68 = tpu.memref_slice %arg2[%dma_start3A_66, %dma_start3A_67] : memref<2097152x8xf32, #tpu.memory_space<hbm>> -> memref<2097152x8xf32, #tpu.memory_space<hbm>>
    tpu.enqueue_indirect_dma source(%dma_start3A_68 : memref<2097152x8xf32, #tpu.memory_space<hbm>>) target(%arg11 : memref<2048x8xf32, #tpu.memory_space<vmem>>) offsets(%arg7 : memref<2048xi32, #tpu.memory_space<vmem>>) semaphore(%arg15 : memref<!tpu.dma_semaphore, #tpu.memory_space<semaphore_mem>>)
    %mul3A_69 = arith.constant 65536 : i32
    %mul3A_70 = arith.muli %add3A, %mul3A_69 : i32
    %add3A_71 = arith.constant 6144 : i32
    %add3A_72 = arith.addi %mul3A_70, %add3A_71 : i32
    %dma_wait3A_73 = arith.constant 0 : i32
    %dma_wait3A_74 = arith.constant 0 : i32
    %dma_wait3A_75 = tpu.memref_slice %arg2[%dma_wait3A_73, %dma_wait3A_74] : memref<2097152x8xf32, #tpu.memory_space<hbm>> -> memref<2097152x8xf32, #tpu.memory_space<hbm>>
    tpu.wait_indirect_dma semaphore(%arg16 : memref<!tpu.dma_semaphore, #tpu.memory_space<semaphore_mem>>) src(%dma_wait3A_75 : memref<2097152x8xf32, #tpu.memory_space<hbm>>) dst(%arg12 : memref<2048x8xf32, #tpu.memory_space<vmem>>)
    "tpu.region"() ({
      %run_scoped3A = tpu.sem_alloc : memref<!tpu.dma_semaphore, #tpu.memory_space<semaphore_mem>>
      %dma_start3A_447 = arith.constant 0 : i32
      %dma_start3A_448 = tpu.memref_slice %arg4[%add3A_72, %dma_start3A_447] : memref<2097152x8xf32, #tpu.memory_space<hbm>> -> memref<2048x8xf32, #tpu.memory_space<hbm>>
      %dma_start3A_449 = arith.constant 0 : i32
      %dma_start3A_450 = tpu.memref_slice %arg4[%add3A_72, %dma_start3A_449] : memref<2097152x8xf32, #tpu.memory_space<hbm>> -> memref<2048x8xf32, #tpu.memory_space<hbm>>
      tpu.enqueue_dma source(%arg12 : memref<2048x8xf32, #tpu.memory_space<vmem>>) target(%dma_start3A_450 : memref<2048x8xf32, #tpu.memory_space<hbm>>) target_semaphore(%run_scoped3A : memref<!tpu.dma_semaphore, #tpu.memory_space<semaphore_mem>>)
      %dma_wait3A_451 = arith.constant 0 : i32
      %dma_wait3A_452 = tpu.memref_slice %arg4[%add3A_72, %dma_wait3A_451] : memref<2097152x8xf32, #tpu.memory_space<hbm>> -> memref<2048x8xf32, #tpu.memory_space<hbm>>
      %dma_wait3A_453 = arith.constant 0 : i32
      %dma_wait3A_454 = tpu.memref_slice %arg4[%add3A_72, %dma_wait3A_453] : memref<2097152x8xf32, #tpu.memory_space<hbm>> -> memref<2048x8xf32, #tpu.memory_space<hbm>>
      tpu.wait_dma2 semaphore(%run_scoped3A : memref<!tpu.dma_semaphore, #tpu.memory_space<semaphore_mem>>) src(%arg12 : memref<2048x8xf32, #tpu.memory_space<vmem>>) dst(%dma_wait3A_454 : memref<2048x8xf32, #tpu.memory_space<hbm>>)
      tpu.yield
    }) : () -> ()
    %mul3A_76 = arith.constant 65536 : i32
    %mul3A_77 = arith.muli %add3A, %mul3A_76 : i32
    %add3A_78 = arith.constant 14336 : i32
    %add3A_79 = arith.addi %mul3A_77, %add3A_78 : i32
    "tpu.region"() ({
      %run_scoped3A = tpu.sem_alloc : memref<!tpu.dma_semaphore, #tpu.memory_space<semaphore_mem>>
      %dma_start3A_447 = tpu.memref_slice %arg3[%add3A_79] : memref<2097152xi32, #tpu.memory_space<hbm>> -> memref<2048xi32, #tpu.memory_space<hbm>>
      %dma_start3A_448 = tpu.memref_slice %arg3[%add3A_79] : memref<2097152xi32, #tpu.memory_space<hbm>> -> memref<2048xi32, #tpu.memory_space<hbm>>
      tpu.enqueue_dma source(%dma_start3A_448 : memref<2048xi32, #tpu.memory_space<hbm>>) target(%arg8 : memref<2048xi32, #tpu.memory_space<vmem>>) target_semaphore(%run_scoped3A : memref<!tpu.dma_semaphore, #tpu.memory_space<semaphore_mem>>)
      %dma_wait3A_449 = tpu.memref_slice %arg3[%add3A_79] : memref<2097152xi32, #tpu.memory_space<hbm>> -> memref<2048xi32, #tpu.memory_space<hbm>>
      %dma_wait3A_450 = tpu.memref_slice %arg3[%add3A_79] : memref<2097152xi32, #tpu.memory_space<hbm>> -> memref<2048xi32, #tpu.memory_space<hbm>>
      tpu.wait_dma2 semaphore(%run_scoped3A : memref<!tpu.dma_semaphore, #tpu.memory_space<semaphore_mem>>) src(%dma_wait3A_450 : memref<2048xi32, #tpu.memory_space<hbm>>) dst(%arg8 : memref<2048xi32, #tpu.memory_space<vmem>>)
      tpu.yield
    }) : () -> ()
    %dma_start3A_80 = arith.constant 0 : i32
    %dma_start3A_81 = arith.constant 0 : i32
    %dma_start3A_82 = tpu.memref_slice %arg2[%dma_start3A_80, %dma_start3A_81] : memref<2097152x8xf32, #tpu.memory_space<hbm>> -> memref<2097152x8xf32, #tpu.memory_space<hbm>>
    tpu.enqueue_indirect_dma source(%dma_start3A_82 : memref<2097152x8xf32, #tpu.memory_space<hbm>>) target(%arg12 : memref<2048x8xf32, #tpu.memory_space<vmem>>) offsets(%arg8 : memref<2048xi32, #tpu.memory_space<vmem>>) semaphore(%arg16 : memref<!tpu.dma_semaphore, #tpu.memory_space<semaphore_mem>>)
    %mul3A_83 = arith.constant 65536 : i32
    %mul3A_84 = arith.muli %add3A, %mul3A_83 : i32
    %add3A_85 = arith.constant 8192 : i32
    %add3A_86 = arith.addi %mul3A_84, %add3A_85 : i32
    %dma_wait3A_87 = arith.constant 0 : i32
    %dma_wait3A_88 = arith.constant 0 : i32
    %dma_wait3A_89 = tpu.memref_slice %arg2[%dma_wait3A_87, %dma_wait3A_88] : memref<2097152x8xf32, #tpu.memory_space<hbm>> -> memref<2097152x8xf32, #tpu.memory_space<hbm>>
    tpu.wait_indirect_dma semaphore(%arg13 : memref<!tpu.dma_semaphore, #tpu.memory_space<semaphore_mem>>) src(%dma_wait3A_89 : memref<2097152x8xf32, #tpu.memory_space<hbm>>) dst(%arg9 : memref<2048x8xf32, #tpu.memory_space<vmem>>)
    "tpu.region"() ({
      %run_scoped3A = tpu.sem_alloc : memref<!tpu.dma_semaphore, #tpu.memory_space<semaphore_mem>>
      %dma_start3A_447 = arith.constant 0 : i32
      %dma_start3A_448 = tpu.memref_slice %arg4[%add3A_86, %dma_start3A_447] : memref<2097152x8xf32, #tpu.memory_space<hbm>> -> memref<2048x8xf32, #tpu.memory_space<hbm>>
      %dma_start3A_449 = arith.constant 0 : i32
      %dma_start3A_450 = tpu.memref_slice %arg4[%add3A_86, %dma_start3A_449] : memref<2097152x8xf32, #tpu.memory_space<hbm>> -> memref<2048x8xf32, #tpu.memory_space<hbm>>
      tpu.enqueue_dma source(%arg9 : memref<2048x8xf32, #tpu.memory_space<vmem>>) target(%dma_start3A_450 : memref<2048x8xf32, #tpu.memory_space<hbm>>) target_semaphore(%run_scoped3A : memref<!tpu.dma_semaphore, #tpu.memory_space<semaphore_mem>>)
      %dma_wait3A_451 = arith.constant 0 : i32
      %dma_wait3A_452 = tpu.memref_slice %arg4[%add3A_86, %dma_wait3A_451] : memref<2097152x8xf32, #tpu.memory_space<hbm>> -> memref<2048x8xf32, #tpu.memory_space<hbm>>
      %dma_wait3A_453 = arith.constant 0 : i32
      %dma_wait3A_454 = tpu.memref_slice %arg4[%add3A_86, %dma_wait3A_453] : memref<2097152x8xf32, #tpu.memory_space<hbm>> -> memref<2048x8xf32, #tpu.memory_space<hbm>>
      tpu.wait_dma2 semaphore(%run_scoped3A : memref<!tpu.dma_semaphore, #tpu.memory_space<semaphore_mem>>) src(%arg9 : memref<2048x8xf32, #tpu.memory_space<vmem>>) dst(%dma_wait3A_454 : memref<2048x8xf32, #tpu.memory_space<hbm>>)
      tpu.yield
    }) : () -> ()
    %mul3A_90 = arith.constant 65536 : i32
    %mul3A_91 = arith.muli %add3A, %mul3A_90 : i32
    %add3A_92 = arith.constant 16384 : i32
    %add3A_93 = arith.addi %mul3A_91, %add3A_92 : i32
    "tpu.region"() ({
      %run_scoped3A = tpu.sem_alloc : memref<!tpu.dma_semaphore, #tpu.memory_space<semaphore_mem>>
      %dma_start3A_447 = tpu.memref_slice %arg3[%add3A_93] : memref<2097152xi32, #tpu.memory_space<hbm>> -> memref<2048xi32, #tpu.memory_space<hbm>>
      %dma_start3A_448 = tpu.memref_slice %arg3[%add3A_93] : memref<2097152xi32, #tpu.memory_space<hbm>> -> memref<2048xi32, #tpu.memory_space<hbm>>
      tpu.enqueue_dma source(%dma_start3A_448 : memref<2048xi32, #tpu.memory_space<hbm>>) target(%arg5 : memref<2048xi32, #tpu.memory_space<vmem>>) target_semaphore(%run_scoped3A : memref<!tpu.dma_semaphore, #tpu.memory_space<semaphore_mem>>)
      %dma_wait3A_449 = tpu.memref_slice %arg3[%add3A_93] : memref<2097152xi32, #tpu.memory_space<hbm>> -> memref<2048xi32, #tpu.memory_space<hbm>>
      %dma_wait3A_450 = tpu.memref_slice %arg3[%add3A_93] : memref<2097152xi32, #tpu.memory_space<hbm>> -> memref<2048xi32, #tpu.memory_space<hbm>>
      tpu.wait_dma2 semaphore(%run_scoped3A : memref<!tpu.dma_semaphore, #tpu.memory_space<semaphore_mem>>) src(%dma_wait3A_450 : memref<2048xi32, #tpu.memory_space<hbm>>) dst(%arg5 : memref<2048xi32, #tpu.memory_space<vmem>>)
      tpu.yield
    }) : () -> ()
    %dma_start3A_94 = arith.constant 0 : i32
    %dma_start3A_95 = arith.constant 0 : i32
    %dma_start3A_96 = tpu.memref_slice %arg2[%dma_start3A_94, %dma_start3A_95] : memref<2097152x8xf32, #tpu.memory_space<hbm>> -> memref<2097152x8xf32, #tpu.memory_space<hbm>>
    tpu.enqueue_indirect_dma source(%dma_start3A_96 : memref<2097152x8xf32, #tpu.memory_space<hbm>>) target(%arg9 : memref<2048x8xf32, #tpu.memory_space<vmem>>) offsets(%arg5 : memref<2048xi32, #tpu.memory_space<vmem>>) semaphore(%arg13 : memref<!tpu.dma_semaphore, #tpu.memory_space<semaphore_mem>>)
    %mul3A_97 = arith.constant 65536 : i32
    %mul3A_98 = arith.muli %add3A, %mul3A_97 : i32
    %add3A_99 = arith.constant 10240 : i32
    %add3A_100 = arith.addi %mul3A_98, %add3A_99 : i32
    %dma_wait3A_101 = arith.constant 0 : i32
    %dma_wait3A_102 = arith.constant 0 : i32
    %dma_wait3A_103 = tpu.memref_slice %arg2[%dma_wait3A_101, %dma_wait3A_102] : memref<2097152x8xf32, #tpu.memory_space<hbm>> -> memref<2097152x8xf32, #tpu.memory_space<hbm>>
    tpu.wait_indirect_dma semaphore(%arg14 : memref<!tpu.dma_semaphore, #tpu.memory_space<semaphore_mem>>) src(%dma_wait3A_103 : memref<2097152x8xf32, #tpu.memory_space<hbm>>) dst(%arg10 : memref<2048x8xf32, #tpu.memory_space<vmem>>)
    "tpu.region"() ({
      %run_scoped3A = tpu.sem_alloc : memref<!tpu.dma_semaphore, #tpu.memory_space<semaphore_mem>>
      %dma_start3A_447 = arith.constant 0 : i32
      %dma_start3A_448 = tpu.memref_slice %arg4[%add3A_100, %dma_start3A_447] : memref<2097152x8xf32, #tpu.memory_space<hbm>> -> memref<2048x8xf32, #tpu.memory_space<hbm>>
      %dma_start3A_449 = arith.constant 0 : i32
      %dma_start3A_450 = tpu.memref_slice %arg4[%add3A_100, %dma_start3A_449] : memref<2097152x8xf32, #tpu.memory_space<hbm>> -> memref<2048x8xf32, #tpu.memory_space<hbm>>
      tpu.enqueue_dma source(%arg10 : memref<2048x8xf32, #tpu.memory_space<vmem>>) target(%dma_start3A_450 : memref<2048x8xf32, #tpu.memory_space<hbm>>) target_semaphore(%run_scoped3A : memref<!tpu.dma_semaphore, #tpu.memory_space<semaphore_mem>>)
      %dma_wait3A_451 = arith.constant 0 : i32
      %dma_wait3A_452 = tpu.memref_slice %arg4[%add3A_100, %dma_wait3A_451] : memref<2097152x8xf32, #tpu.memory_space<hbm>> -> memref<2048x8xf32, #tpu.memory_space<hbm>>
      %dma_wait3A_453 = arith.constant 0 : i32
      %dma_wait3A_454 = tpu.memref_slice %arg4[%add3A_100, %dma_wait3A_453] : memref<2097152x8xf32, #tpu.memory_space<hbm>> -> memref<2048x8xf32, #tpu.memory_space<hbm>>
      tpu.wait_dma2 semaphore(%run_scoped3A : memref<!tpu.dma_semaphore, #tpu.memory_space<semaphore_mem>>) src(%arg10 : memref<2048x8xf32, #tpu.memory_space<vmem>>) dst(%dma_wait3A_454 : memref<2048x8xf32, #tpu.memory_space<hbm>>)
      tpu.yield
    }) : () -> ()
    %mul3A_104 = arith.constant 65536 : i32
    %mul3A_105 = arith.muli %add3A, %mul3A_104 : i32
    %add3A_106 = arith.constant 18432 : i32
    %add3A_107 = arith.addi %mul3A_105, %add3A_106 : i32
    "tpu.region"() ({
      %run_scoped3A = tpu.sem_alloc : memref<!tpu.dma_semaphore, #tpu.memory_space<semaphore_mem>>
      %dma_start3A_447 = tpu.memref_slice %arg3[%add3A_107] : memref<2097152xi32, #tpu.memory_space<hbm>> -> memref<2048xi32, #tpu.memory_space<hbm>>
      %dma_start3A_448 = tpu.memref_slice %arg3[%add3A_107] : memref<2097152xi32, #tpu.memory_space<hbm>> -> memref<2048xi32, #tpu.memory_space<hbm>>
      tpu.enqueue_dma source(%dma_start3A_448 : memref<2048xi32, #tpu.memory_space<hbm>>) target(%arg6 : memref<2048xi32, #tpu.memory_space<vmem>>) target_semaphore(%run_scoped3A : memref<!tpu.dma_semaphore, #tpu.memory_space<semaphore_mem>>)
      %dma_wait3A_449 = tpu.memref_slice %arg3[%add3A_107] : memref<2097152xi32, #tpu.memory_space<hbm>> -> memref<2048xi32, #tpu.memory_space<hbm>>
      %dma_wait3A_450 = tpu.memref_slice %arg3[%add3A_107] : memref<2097152xi32, #tpu.memory_space<hbm>> -> memref<2048xi32, #tpu.memory_space<hbm>>
      tpu.wait_dma2 semaphore(%run_scoped3A : memref<!tpu.dma_semaphore, #tpu.memory_space<semaphore_mem>>) src(%dma_wait3A_450 : memref<2048xi32, #tpu.memory_space<hbm>>) dst(%arg6 : memref<2048xi32, #tpu.memory_space<vmem>>)
      tpu.yield
    }) : () -> ()
    %dma_start3A_108 = arith.constant 0 : i32
    %dma_start3A_109 = arith.constant 0 : i32
    %dma_start3A_110 = tpu.memref_slice %arg2[%dma_start3A_108, %dma_start3A_109] : memref<2097152x8xf32, #tpu.memory_space<hbm>> -> memref<2097152x8xf32, #tpu.memory_space<hbm>>
    tpu.enqueue_indirect_dma source(%dma_start3A_110 : memref<2097152x8xf32, #tpu.memory_space<hbm>>) target(%arg10 : memref<2048x8xf32, #tpu.memory_space<vmem>>) offsets(%arg6 : memref<2048xi32, #tpu.memory_space<vmem>>) semaphore(%arg14 : memref<!tpu.dma_semaphore, #tpu.memory_space<semaphore_mem>>)
    %mul3A_111 = arith.constant 65536 : i32
    %mul3A_112 = arith.muli %add3A, %mul3A_111 : i32
    %add3A_113 = arith.constant 12288 : i32
    %add3A_114 = arith.addi %mul3A_112, %add3A_113 : i32
    %dma_wait3A_115 = arith.constant 0 : i32
    %dma_wait3A_116 = arith.constant 0 : i32
    %dma_wait3A_117 = tpu.memref_slice %arg2[%dma_wait3A_115, %dma_wait3A_116] : memref<2097152x8xf32, #tpu.memory_space<hbm>> -> memref<2097152x8xf32, #tpu.memory_space<hbm>>
    tpu.wait_indirect_dma semaphore(%arg15 : memref<!tpu.dma_semaphore, #tpu.memory_space<semaphore_mem>>) src(%dma_wait3A_117 : memref<2097152x8xf32, #tpu.memory_space<hbm>>) dst(%arg11 : memref<2048x8xf32, #tpu.memory_space<vmem>>)
    "tpu.region"() ({
      %run_scoped3A = tpu.sem_alloc : memref<!tpu.dma_semaphore, #tpu.memory_space<semaphore_mem>>
      %dma_start3A_447 = arith.constant 0 : i32
      %dma_start3A_448 = tpu.memref_slice %arg4[%add3A_114, %dma_start3A_447] : memref<2097152x8xf32, #tpu.memory_space<hbm>> -> memref<2048x8xf32, #tpu.memory_space<hbm>>
      %dma_start3A_449 = arith.constant 0 : i32
      %dma_start3A_450 = tpu.memref_slice %arg4[%add3A_114, %dma_start3A_449] : memref<2097152x8xf32, #tpu.memory_space<hbm>> -> memref<2048x8xf32, #tpu.memory_space<hbm>>
      tpu.enqueue_dma source(%arg11 : memref<2048x8xf32, #tpu.memory_space<vmem>>) target(%dma_start3A_450 : memref<2048x8xf32, #tpu.memory_space<hbm>>) target_semaphore(%run_scoped3A : memref<!tpu.dma_semaphore, #tpu.memory_space<semaphore_mem>>)
      %dma_wait3A_451 = arith.constant 0 : i32
      %dma_wait3A_452 = tpu.memref_slice %arg4[%add3A_114, %dma_wait3A_451] : memref<2097152x8xf32, #tpu.memory_space<hbm>> -> memref<2048x8xf32, #tpu.memory_space<hbm>>
      %dma_wait3A_453 = arith.constant 0 : i32
      %dma_wait3A_454 = tpu.memref_slice %arg4[%add3A_114, %dma_wait3A_453] : memref<2097152x8xf32, #tpu.memory_space<hbm>> -> memref<2048x8xf32, #tpu.memory_space<hbm>>
      tpu.wait_dma2 semaphore(%run_scoped3A : memref<!tpu.dma_semaphore, #tpu.memory_space<semaphore_mem>>) src(%arg11 : memref<2048x8xf32, #tpu.memory_space<vmem>>) dst(%dma_wait3A_454 : memref<2048x8xf32, #tpu.memory_space<hbm>>)
      tpu.yield
    }) : () -> ()
    %mul3A_118 = arith.constant 65536 : i32
    %mul3A_119 = arith.muli %add3A, %mul3A_118 : i32
    %add3A_120 = arith.constant 20480 : i32
    %add3A_121 = arith.addi %mul3A_119, %add3A_120 : i32
    "tpu.region"() ({
      %run_scoped3A = tpu.sem_alloc : memref<!tpu.dma_semaphore, #tpu.memory_space<semaphore_mem>>
      %dma_start3A_447 = tpu.memref_slice %arg3[%add3A_121] : memref<2097152xi32, #tpu.memory_space<hbm>> -> memref<2048xi32, #tpu.memory_space<hbm>>
      %dma_start3A_448 = tpu.memref_slice %arg3[%add3A_121] : memref<2097152xi32, #tpu.memory_space<hbm>> -> memref<2048xi32, #tpu.memory_space<hbm>>
      tpu.enqueue_dma source(%dma_start3A_448 : memref<2048xi32, #tpu.memory_space<hbm>>) target(%arg7 : memref<2048xi32, #tpu.memory_space<vmem>>) target_semaphore(%run_scoped3A : memref<!tpu.dma_semaphore, #tpu.memory_space<semaphore_mem>>)
      %dma_wait3A_449 = tpu.memref_slice %arg3[%add3A_121] : memref<2097152xi32, #tpu.memory_space<hbm>> -> memref<2048xi32, #tpu.memory_space<hbm>>
      %dma_wait3A_450 = tpu.memref_slice %arg3[%add3A_121] : memref<2097152xi32, #tpu.memory_space<hbm>> -> memref<2048xi32, #tpu.memory_space<hbm>>
      tpu.wait_dma2 semaphore(%run_scoped3A : memref<!tpu.dma_semaphore, #tpu.memory_space<semaphore_mem>>) src(%dma_wait3A_450 : memref<2048xi32, #tpu.memory_space<hbm>>) dst(%arg7 : memref<2048xi32, #tpu.memory_space<vmem>>)
      tpu.yield
    }) : () -> ()
    %dma_start3A_122 = arith.constant 0 : i32
    %dma_start3A_123 = arith.constant 0 : i32
    %dma_start3A_124 = tpu.memref_slice %arg2[%dma_start3A_122, %dma_start3A_123] : memref<2097152x8xf32, #tpu.memory_space<hbm>> -> memref<2097152x8xf32, #tpu.memory_space<hbm>>
    tpu.enqueue_indirect_dma source(%dma_start3A_124 : memref<2097152x8xf32, #tpu.memory_space<hbm>>) target(%arg11 : memref<2048x8xf32, #tpu.memory_space<vmem>>) offsets(%arg7 : memref<2048xi32, #tpu.memory_space<vmem>>) semaphore(%arg15 : memref<!tpu.dma_semaphore, #tpu.memory_space<semaphore_mem>>)
    %mul3A_125 = arith.constant 65536 : i32
    %mul3A_126 = arith.muli %add3A, %mul3A_125 : i32
    %add3A_127 = arith.constant 14336 : i32
    %add3A_128 = arith.addi %mul3A_126, %add3A_127 : i32
    %dma_wait3A_129 = arith.constant 0 : i32
    %dma_wait3A_130 = arith.constant 0 : i32
    %dma_wait3A_131 = tpu.memref_slice %arg2[%dma_wait3A_129, %dma_wait3A_130] : memref<2097152x8xf32, #tpu.memory_space<hbm>> -> memref<2097152x8xf32, #tpu.memory_space<hbm>>
    tpu.wait_indirect_dma semaphore(%arg16 : memref<!tpu.dma_semaphore, #tpu.memory_space<semaphore_mem>>) src(%dma_wait3A_131 : memref<2097152x8xf32, #tpu.memory_space<hbm>>) dst(%arg12 : memref<2048x8xf32, #tpu.memory_space<vmem>>)
    "tpu.region"() ({
      %run_scoped3A = tpu.sem_alloc : memref<!tpu.dma_semaphore, #tpu.memory_space<semaphore_mem>>
      %dma_start3A_447 = arith.constant 0 : i32
      %dma_start3A_448 = tpu.memref_slice %arg4[%add3A_128, %dma_start3A_447] : memref<2097152x8xf32, #tpu.memory_space<hbm>> -> memref<2048x8xf32, #tpu.memory_space<hbm>>
      %dma_start3A_449 = arith.constant 0 : i32
      %dma_start3A_450 = tpu.memref_slice %arg4[%add3A_128, %dma_start3A_449] : memref<2097152x8xf32, #tpu.memory_space<hbm>> -> memref<2048x8xf32, #tpu.memory_space<hbm>>
      tpu.enqueue_dma source(%arg12 : memref<2048x8xf32, #tpu.memory_space<vmem>>) target(%dma_start3A_450 : memref<2048x8xf32, #tpu.memory_space<hbm>>) target_semaphore(%run_scoped3A : memref<!tpu.dma_semaphore, #tpu.memory_space<semaphore_mem>>)
      %dma_wait3A_451 = arith.constant 0 : i32
      %dma_wait3A_452 = tpu.memref_slice %arg4[%add3A_128, %dma_wait3A_451] : memref<2097152x8xf32, #tpu.memory_space<hbm>> -> memref<2048x8xf32, #tpu.memory_space<hbm>>
      %dma_wait3A_453 = arith.constant 0 : i32
      %dma_wait3A_454 = tpu.memref_slice %arg4[%add3A_128, %dma_wait3A_453] : memref<2097152x8xf32, #tpu.memory_space<hbm>> -> memref<2048x8xf32, #tpu.memory_space<hbm>>
      tpu.wait_dma2 semaphore(%run_scoped3A : memref<!tpu.dma_semaphore, #tpu.memory_space<semaphore_mem>>) src(%arg12 : memref<2048x8xf32, #tpu.memory_space<vmem>>) dst(%dma_wait3A_454 : memref<2048x8xf32, #tpu.memory_space<hbm>>)
      tpu.yield
    }) : () -> ()
    %mul3A_132 = arith.constant 65536 : i32
    %mul3A_133 = arith.muli %add3A, %mul3A_132 : i32
    %add3A_134 = arith.constant 22528 : i32
    %add3A_135 = arith.addi %mul3A_133, %add3A_134 : i32
    "tpu.region"() ({
      %run_scoped3A = tpu.sem_alloc : memref<!tpu.dma_semaphore, #tpu.memory_space<semaphore_mem>>
      %dma_start3A_447 = tpu.memref_slice %arg3[%add3A_135] : memref<2097152xi32, #tpu.memory_space<hbm>> -> memref<2048xi32, #tpu.memory_space<hbm>>
      %dma_start3A_448 = tpu.memref_slice %arg3[%add3A_135] : memref<2097152xi32, #tpu.memory_space<hbm>> -> memref<2048xi32, #tpu.memory_space<hbm>>
      tpu.enqueue_dma source(%dma_start3A_448 : memref<2048xi32, #tpu.memory_space<hbm>>) target(%arg8 : memref<2048xi32, #tpu.memory_space<vmem>>) target_semaphore(%run_scoped3A : memref<!tpu.dma_semaphore, #tpu.memory_space<semaphore_mem>>)
      %dma_wait3A_449 = tpu.memref_slice %arg3[%add3A_135] : memref<2097152xi32, #tpu.memory_space<hbm>> -> memref<2048xi32, #tpu.memory_space<hbm>>
      %dma_wait3A_450 = tpu.memref_slice %arg3[%add3A_135] : memref<2097152xi32, #tpu.memory_space<hbm>> -> memref<2048xi32, #tpu.memory_space<hbm>>
      tpu.wait_dma2 semaphore(%run_scoped3A : memref<!tpu.dma_semaphore, #tpu.memory_space<semaphore_mem>>) src(%dma_wait3A_450 : memref<2048xi32, #tpu.memory_space<hbm>>) dst(%arg8 : memref<2048xi32, #tpu.memory_space<vmem>>)
      tpu.yield
    }) : () -> ()
    %dma_start3A_136 = arith.constant 0 : i32
    %dma_start3A_137 = arith.constant 0 : i32
    %dma_start3A_138 = tpu.memref_slice %arg2[%dma_start3A_136, %dma_start3A_137] : memref<2097152x8xf32, #tpu.memory_space<hbm>> -> memref<2097152x8xf32, #tpu.memory_space<hbm>>
    tpu.enqueue_indirect_dma source(%dma_start3A_138 : memref<2097152x8xf32, #tpu.memory_space<hbm>>) target(%arg12 : memref<2048x8xf32, #tpu.memory_space<vmem>>) offsets(%arg8 : memref<2048xi32, #tpu.memory_space<vmem>>) semaphore(%arg16 : memref<!tpu.dma_semaphore, #tpu.memory_space<semaphore_mem>>)
    %mul3A_139 = arith.constant 65536 : i32
    %mul3A_140 = arith.muli %add3A, %mul3A_139 : i32
    %add3A_141 = arith.constant 16384 : i32
    %add3A_142 = arith.addi %mul3A_140, %add3A_141 : i32
    %dma_wait3A_143 = arith.constant 0 : i32
    %dma_wait3A_144 = arith.constant 0 : i32
    %dma_wait3A_145 = tpu.memref_slice %arg2[%dma_wait3A_143, %dma_wait3A_144] : memref<2097152x8xf32, #tpu.memory_space<hbm>> -> memref<2097152x8xf32, #tpu.memory_space<hbm>>
    tpu.wait_indirect_dma semaphore(%arg13 : memref<!tpu.dma_semaphore, #tpu.memory_space<semaphore_mem>>) src(%dma_wait3A_145 : memref<2097152x8xf32, #tpu.memory_space<hbm>>) dst(%arg9 : memref<2048x8xf32, #tpu.memory_space<vmem>>)
    "tpu.region"() ({
      %run_scoped3A = tpu.sem_alloc : memref<!tpu.dma_semaphore, #tpu.memory_space<semaphore_mem>>
      %dma_start3A_447 = arith.constant 0 : i32
      %dma_start3A_448 = tpu.memref_slice %arg4[%add3A_142, %dma_start3A_447] : memref<2097152x8xf32, #tpu.memory_space<hbm>> -> memref<2048x8xf32, #tpu.memory_space<hbm>>
      %dma_start3A_449 = arith.constant 0 : i32
      %dma_start3A_450 = tpu.memref_slice %arg4[%add3A_142, %dma_start3A_449] : memref<2097152x8xf32, #tpu.memory_space<hbm>> -> memref<2048x8xf32, #tpu.memory_space<hbm>>
      tpu.enqueue_dma source(%arg9 : memref<2048x8xf32, #tpu.memory_space<vmem>>) target(%dma_start3A_450 : memref<2048x8xf32, #tpu.memory_space<hbm>>) target_semaphore(%run_scoped3A : memref<!tpu.dma_semaphore, #tpu.memory_space<semaphore_mem>>)
      %dma_wait3A_451 = arith.constant 0 : i32
      %dma_wait3A_452 = tpu.memref_slice %arg4[%add3A_142, %dma_wait3A_451] : memref<2097152x8xf32, #tpu.memory_space<hbm>> -> memref<2048x8xf32, #tpu.memory_space<hbm>>
      %dma_wait3A_453 = arith.constant 0 : i32
      %dma_wait3A_454 = tpu.memref_slice %arg4[%add3A_142, %dma_wait3A_453] : memref<2097152x8xf32, #tpu.memory_space<hbm>> -> memref<2048x8xf32, #tpu.memory_space<hbm>>
      tpu.wait_dma2 semaphore(%run_scoped3A : memref<!tpu.dma_semaphore, #tpu.memory_space<semaphore_mem>>) src(%arg9 : memref<2048x8xf32, #tpu.memory_space<vmem>>) dst(%dma_wait3A_454 : memref<2048x8xf32, #tpu.memory_space<hbm>>)
      tpu.yield
    }) : () -> ()
    %mul3A_146 = arith.constant 65536 : i32
    %mul3A_147 = arith.muli %add3A, %mul3A_146 : i32
    %add3A_148 = arith.constant 24576 : i32
    %add3A_149 = arith.addi %mul3A_147, %add3A_148 : i32
    "tpu.region"() ({
      %run_scoped3A = tpu.sem_alloc : memref<!tpu.dma_semaphore, #tpu.memory_space<semaphore_mem>>
      %dma_start3A_447 = tpu.memref_slice %arg3[%add3A_149] : memref<2097152xi32, #tpu.memory_space<hbm>> -> memref<2048xi32, #tpu.memory_space<hbm>>
      %dma_start3A_448 = tpu.memref_slice %arg3[%add3A_149] : memref<2097152xi32, #tpu.memory_space<hbm>> -> memref<2048xi32, #tpu.memory_space<hbm>>
      tpu.enqueue_dma source(%dma_start3A_448 : memref<2048xi32, #tpu.memory_space<hbm>>) target(%arg5 : memref<2048xi32, #tpu.memory_space<vmem>>) target_semaphore(%run_scoped3A : memref<!tpu.dma_semaphore, #tpu.memory_space<semaphore_mem>>)
      %dma_wait3A_449 = tpu.memref_slice %arg3[%add3A_149] : memref<2097152xi32, #tpu.memory_space<hbm>> -> memref<2048xi32, #tpu.memory_space<hbm>>
      %dma_wait3A_450 = tpu.memref_slice %arg3[%add3A_149] : memref<2097152xi32, #tpu.memory_space<hbm>> -> memref<2048xi32, #tpu.memory_space<hbm>>
      tpu.wait_dma2 semaphore(%run_scoped3A : memref<!tpu.dma_semaphore, #tpu.memory_space<semaphore_mem>>) src(%dma_wait3A_450 : memref<2048xi32, #tpu.memory_space<hbm>>) dst(%arg5 : memref<2048xi32, #tpu.memory_space<vmem>>)
      tpu.yield
    }) : () -> ()
    %dma_start3A_150 = arith.constant 0 : i32
    %dma_start3A_151 = arith.constant 0 : i32
    %dma_start3A_152 = tpu.memref_slice %arg2[%dma_start3A_150, %dma_start3A_151] : memref<2097152x8xf32, #tpu.memory_space<hbm>> -> memref<2097152x8xf32, #tpu.memory_space<hbm>>
    tpu.enqueue_indirect_dma source(%dma_start3A_152 : memref<2097152x8xf32, #tpu.memory_space<hbm>>) target(%arg9 : memref<2048x8xf32, #tpu.memory_space<vmem>>) offsets(%arg5 : memref<2048xi32, #tpu.memory_space<vmem>>) semaphore(%arg13 : memref<!tpu.dma_semaphore, #tpu.memory_space<semaphore_mem>>)
    %mul3A_153 = arith.constant 65536 : i32
    %mul3A_154 = arith.muli %add3A, %mul3A_153 : i32
    %add3A_155 = arith.constant 18432 : i32
    %add3A_156 = arith.addi %mul3A_154, %add3A_155 : i32
    %dma_wait3A_157 = arith.constant 0 : i32
    %dma_wait3A_158 = arith.constant 0 : i32
    %dma_wait3A_159 = tpu.memref_slice %arg2[%dma_wait3A_157, %dma_wait3A_158] : memref<2097152x8xf32, #tpu.memory_space<hbm>> -> memref<2097152x8xf32, #tpu.memory_space<hbm>>
    tpu.wait_indirect_dma semaphore(%arg14 : memref<!tpu.dma_semaphore, #tpu.memory_space<semaphore_mem>>) src(%dma_wait3A_159 : memref<2097152x8xf32, #tpu.memory_space<hbm>>) dst(%arg10 : memref<2048x8xf32, #tpu.memory_space<vmem>>)
    "tpu.region"() ({
      %run_scoped3A = tpu.sem_alloc : memref<!tpu.dma_semaphore, #tpu.memory_space<semaphore_mem>>
      %dma_start3A_447 = arith.constant 0 : i32
      %dma_start3A_448 = tpu.memref_slice %arg4[%add3A_156, %dma_start3A_447] : memref<2097152x8xf32, #tpu.memory_space<hbm>> -> memref<2048x8xf32, #tpu.memory_space<hbm>>
      %dma_start3A_449 = arith.constant 0 : i32
      %dma_start3A_450 = tpu.memref_slice %arg4[%add3A_156, %dma_start3A_449] : memref<2097152x8xf32, #tpu.memory_space<hbm>> -> memref<2048x8xf32, #tpu.memory_space<hbm>>
      tpu.enqueue_dma source(%arg10 : memref<2048x8xf32, #tpu.memory_space<vmem>>) target(%dma_start3A_450 : memref<2048x8xf32, #tpu.memory_space<hbm>>) target_semaphore(%run_scoped3A : memref<!tpu.dma_semaphore, #tpu.memory_space<semaphore_mem>>)
      %dma_wait3A_451 = arith.constant 0 : i32
      %dma_wait3A_452 = tpu.memref_slice %arg4[%add3A_156, %dma_wait3A_451] : memref<2097152x8xf32, #tpu.memory_space<hbm>> -> memref<2048x8xf32, #tpu.memory_space<hbm>>
      %dma_wait3A_453 = arith.constant 0 : i32
      %dma_wait3A_454 = tpu.memref_slice %arg4[%add3A_156, %dma_wait3A_453] : memref<2097152x8xf32, #tpu.memory_space<hbm>> -> memref<2048x8xf32, #tpu.memory_space<hbm>>
      tpu.wait_dma2 semaphore(%run_scoped3A : memref<!tpu.dma_semaphore, #tpu.memory_space<semaphore_mem>>) src(%arg10 : memref<2048x8xf32, #tpu.memory_space<vmem>>) dst(%dma_wait3A_454 : memref<2048x8xf32, #tpu.memory_space<hbm>>)
      tpu.yield
    }) : () -> ()
    %mul3A_160 = arith.constant 65536 : i32
    %mul3A_161 = arith.muli %add3A, %mul3A_160 : i32
    %add3A_162 = arith.constant 26624 : i32
    %add3A_163 = arith.addi %mul3A_161, %add3A_162 : i32
    "tpu.region"() ({
      %run_scoped3A = tpu.sem_alloc : memref<!tpu.dma_semaphore, #tpu.memory_space<semaphore_mem>>
      %dma_start3A_447 = tpu.memref_slice %arg3[%add3A_163] : memref<2097152xi32, #tpu.memory_space<hbm>> -> memref<2048xi32, #tpu.memory_space<hbm>>
      %dma_start3A_448 = tpu.memref_slice %arg3[%add3A_163] : memref<2097152xi32, #tpu.memory_space<hbm>> -> memref<2048xi32, #tpu.memory_space<hbm>>
      tpu.enqueue_dma source(%dma_start3A_448 : memref<2048xi32, #tpu.memory_space<hbm>>) target(%arg6 : memref<2048xi32, #tpu.memory_space<vmem>>) target_semaphore(%run_scoped3A : memref<!tpu.dma_semaphore, #tpu.memory_space<semaphore_mem>>)
      %dma_wait3A_449 = tpu.memref_slice %arg3[%add3A_163] : memref<2097152xi32, #tpu.memory_space<hbm>> -> memref<2048xi32, #tpu.memory_space<hbm>>
      %dma_wait3A_450 = tpu.memref_slice %arg3[%add3A_163] : memref<2097152xi32, #tpu.memory_space<hbm>> -> memref<2048xi32, #tpu.memory_space<hbm>>
      tpu.wait_dma2 semaphore(%run_scoped3A : memref<!tpu.dma_semaphore, #tpu.memory_space<semaphore_mem>>) src(%dma_wait3A_450 : memref<2048xi32, #tpu.memory_space<hbm>>) dst(%arg6 : memref<2048xi32, #tpu.memory_space<vmem>>)
      tpu.yield
    }) : () -> ()
    %dma_start3A_164 = arith.constant 0 : i32
    %dma_start3A_165 = arith.constant 0 : i32
    %dma_start3A_166 = tpu.memref_slice %arg2[%dma_start3A_164, %dma_start3A_165] : memref<2097152x8xf32, #tpu.memory_space<hbm>> -> memref<2097152x8xf32, #tpu.memory_space<hbm>>
    tpu.enqueue_indirect_dma source(%dma_start3A_166 : memref<2097152x8xf32, #tpu.memory_space<hbm>>) target(%arg10 : memref<2048x8xf32, #tpu.memory_space<vmem>>) offsets(%arg6 : memref<2048xi32, #tpu.memory_space<vmem>>) semaphore(%arg14 : memref<!tpu.dma_semaphore, #tpu.memory_space<semaphore_mem>>)
    %mul3A_167 = arith.constant 65536 : i32
    %mul3A_168 = arith.muli %add3A, %mul3A_167 : i32
    %add3A_169 = arith.constant 20480 : i32
    %add3A_170 = arith.addi %mul3A_168, %add3A_169 : i32
    %dma_wait3A_171 = arith.constant 0 : i32
    %dma_wait3A_172 = arith.constant 0 : i32
    %dma_wait3A_173 = tpu.memref_slice %arg2[%dma_wait3A_171, %dma_wait3A_172] : memref<2097152x8xf32, #tpu.memory_space<hbm>> -> memref<2097152x8xf32, #tpu.memory_space<hbm>>
    tpu.wait_indirect_dma semaphore(%arg15 : memref<!tpu.dma_semaphore, #tpu.memory_space<semaphore_mem>>) src(%dma_wait3A_173 : memref<2097152x8xf32, #tpu.memory_space<hbm>>) dst(%arg11 : memref<2048x8xf32, #tpu.memory_space<vmem>>)
    "tpu.region"() ({
      %run_scoped3A = tpu.sem_alloc : memref<!tpu.dma_semaphore, #tpu.memory_space<semaphore_mem>>
      %dma_start3A_447 = arith.constant 0 : i32
      %dma_start3A_448 = tpu.memref_slice %arg4[%add3A_170, %dma_start3A_447] : memref<2097152x8xf32, #tpu.memory_space<hbm>> -> memref<2048x8xf32, #tpu.memory_space<hbm>>
      %dma_start3A_449 = arith.constant 0 : i32
      %dma_start3A_450 = tpu.memref_slice %arg4[%add3A_170, %dma_start3A_449] : memref<2097152x8xf32, #tpu.memory_space<hbm>> -> memref<2048x8xf32, #tpu.memory_space<hbm>>
      tpu.enqueue_dma source(%arg11 : memref<2048x8xf32, #tpu.memory_space<vmem>>) target(%dma_start3A_450 : memref<2048x8xf32, #tpu.memory_space<hbm>>) target_semaphore(%run_scoped3A : memref<!tpu.dma_semaphore, #tpu.memory_space<semaphore_mem>>)
      %dma_wait3A_451 = arith.constant 0 : i32
      %dma_wait3A_452 = tpu.memref_slice %arg4[%add3A_170, %dma_wait3A_451] : memref<2097152x8xf32, #tpu.memory_space<hbm>> -> memref<2048x8xf32, #tpu.memory_space<hbm>>
      %dma_wait3A_453 = arith.constant 0 : i32
      %dma_wait3A_454 = tpu.memref_slice %arg4[%add3A_170, %dma_wait3A_453] : memref<2097152x8xf32, #tpu.memory_space<hbm>> -> memref<2048x8xf32, #tpu.memory_space<hbm>>
      tpu.wait_dma2 semaphore(%run_scoped3A : memref<!tpu.dma_semaphore, #tpu.memory_space<semaphore_mem>>) src(%arg11 : memref<2048x8xf32, #tpu.memory_space<vmem>>) dst(%dma_wait3A_454 : memref<2048x8xf32, #tpu.memory_space<hbm>>)
      tpu.yield
    }) : () -> ()
    %mul3A_174 = arith.constant 65536 : i32
    %mul3A_175 = arith.muli %add3A, %mul3A_174 : i32
    %add3A_176 = arith.constant 28672 : i32
    %add3A_177 = arith.addi %mul3A_175, %add3A_176 : i32
    "tpu.region"() ({
      %run_scoped3A = tpu.sem_alloc : memref<!tpu.dma_semaphore, #tpu.memory_space<semaphore_mem>>
      %dma_start3A_447 = tpu.memref_slice %arg3[%add3A_177] : memref<2097152xi32, #tpu.memory_space<hbm>> -> memref<2048xi32, #tpu.memory_space<hbm>>
      %dma_start3A_448 = tpu.memref_slice %arg3[%add3A_177] : memref<2097152xi32, #tpu.memory_space<hbm>> -> memref<2048xi32, #tpu.memory_space<hbm>>
      tpu.enqueue_dma source(%dma_start3A_448 : memref<2048xi32, #tpu.memory_space<hbm>>) target(%arg7 : memref<2048xi32, #tpu.memory_space<vmem>>) target_semaphore(%run_scoped3A : memref<!tpu.dma_semaphore, #tpu.memory_space<semaphore_mem>>)
      %dma_wait3A_449 = tpu.memref_slice %arg3[%add3A_177] : memref<2097152xi32, #tpu.memory_space<hbm>> -> memref<2048xi32, #tpu.memory_space<hbm>>
      %dma_wait3A_450 = tpu.memref_slice %arg3[%add3A_177] : memref<2097152xi32, #tpu.memory_space<hbm>> -> memref<2048xi32, #tpu.memory_space<hbm>>
      tpu.wait_dma2 semaphore(%run_scoped3A : memref<!tpu.dma_semaphore, #tpu.memory_space<semaphore_mem>>) src(%dma_wait3A_450 : memref<2048xi32, #tpu.memory_space<hbm>>) dst(%arg7 : memref<2048xi32, #tpu.memory_space<vmem>>)
      tpu.yield
    }) : () -> ()
    %dma_start3A_178 = arith.constant 0 : i32
    %dma_start3A_179 = arith.constant 0 : i32
    %dma_start3A_180 = tpu.memref_slice %arg2[%dma_start3A_178, %dma_start3A_179] : memref<2097152x8xf32, #tpu.memory_space<hbm>> -> memref<2097152x8xf32, #tpu.memory_space<hbm>>
    tpu.enqueue_indirect_dma source(%dma_start3A_180 : memref<2097152x8xf32, #tpu.memory_space<hbm>>) target(%arg11 : memref<2048x8xf32, #tpu.memory_space<vmem>>) offsets(%arg7 : memref<2048xi32, #tpu.memory_space<vmem>>) semaphore(%arg15 : memref<!tpu.dma_semaphore, #tpu.memory_space<semaphore_mem>>)
    %mul3A_181 = arith.constant 65536 : i32
    %mul3A_182 = arith.muli %add3A, %mul3A_181 : i32
    %add3A_183 = arith.constant 22528 : i32
    %add3A_184 = arith.addi %mul3A_182, %add3A_183 : i32
    %dma_wait3A_185 = arith.constant 0 : i32
    %dma_wait3A_186 = arith.constant 0 : i32
    %dma_wait3A_187 = tpu.memref_slice %arg2[%dma_wait3A_185, %dma_wait3A_186] : memref<2097152x8xf32, #tpu.memory_space<hbm>> -> memref<2097152x8xf32, #tpu.memory_space<hbm>>
    tpu.wait_indirect_dma semaphore(%arg16 : memref<!tpu.dma_semaphore, #tpu.memory_space<semaphore_mem>>) src(%dma_wait3A_187 : memref<2097152x8xf32, #tpu.memory_space<hbm>>) dst(%arg12 : memref<2048x8xf32, #tpu.memory_space<vmem>>)
    "tpu.region"() ({
      %run_scoped3A = tpu.sem_alloc : memref<!tpu.dma_semaphore, #tpu.memory_space<semaphore_mem>>
      %dma_start3A_447 = arith.constant 0 : i32
      %dma_start3A_448 = tpu.memref_slice %arg4[%add3A_184, %dma_start3A_447] : memref<2097152x8xf32, #tpu.memory_space<hbm>> -> memref<2048x8xf32, #tpu.memory_space<hbm>>
      %dma_start3A_449 = arith.constant 0 : i32
      %dma_start3A_450 = tpu.memref_slice %arg4[%add3A_184, %dma_start3A_449] : memref<2097152x8xf32, #tpu.memory_space<hbm>> -> memref<2048x8xf32, #tpu.memory_space<hbm>>
      tpu.enqueue_dma source(%arg12 : memref<2048x8xf32, #tpu.memory_space<vmem>>) target(%dma_start3A_450 : memref<2048x8xf32, #tpu.memory_space<hbm>>) target_semaphore(%run_scoped3A : memref<!tpu.dma_semaphore, #tpu.memory_space<semaphore_mem>>)
      %dma_wait3A_451 = arith.constant 0 : i32
      %dma_wait3A_452 = tpu.memref_slice %arg4[%add3A_184, %dma_wait3A_451] : memref<2097152x8xf32, #tpu.memory_space<hbm>> -> memref<2048x8xf32, #tpu.memory_space<hbm>>
      %dma_wait3A_453 = arith.constant 0 : i32
      %dma_wait3A_454 = tpu.memref_slice %arg4[%add3A_184, %dma_wait3A_453] : memref<2097152x8xf32, #tpu.memory_space<hbm>> -> memref<2048x8xf32, #tpu.memory_space<hbm>>
      tpu.wait_dma2 semaphore(%run_scoped3A : memref<!tpu.dma_semaphore, #tpu.memory_space<semaphore_mem>>) src(%arg12 : memref<2048x8xf32, #tpu.memory_space<vmem>>) dst(%dma_wait3A_454 : memref<2048x8xf32, #tpu.memory_space<hbm>>)
      tpu.yield
    }) : () -> ()
    %mul3A_188 = arith.constant 65536 : i32
    %mul3A_189 = arith.muli %add3A, %mul3A_188 : i32
    %add3A_190 = arith.constant 30720 : i32
    %add3A_191 = arith.addi %mul3A_189, %add3A_190 : i32
    "tpu.region"() ({
      %run_scoped3A = tpu.sem_alloc : memref<!tpu.dma_semaphore, #tpu.memory_space<semaphore_mem>>
      %dma_start3A_447 = tpu.memref_slice %arg3[%add3A_191] : memref<2097152xi32, #tpu.memory_space<hbm>> -> memref<2048xi32, #tpu.memory_space<hbm>>
      %dma_start3A_448 = tpu.memref_slice %arg3[%add3A_191] : memref<2097152xi32, #tpu.memory_space<hbm>> -> memref<2048xi32, #tpu.memory_space<hbm>>
      tpu.enqueue_dma source(%dma_start3A_448 : memref<2048xi32, #tpu.memory_space<hbm>>) target(%arg8 : memref<2048xi32, #tpu.memory_space<vmem>>) target_semaphore(%run_scoped3A : memref<!tpu.dma_semaphore, #tpu.memory_space<semaphore_mem>>)
      %dma_wait3A_449 = tpu.memref_slice %arg3[%add3A_191] : memref<2097152xi32, #tpu.memory_space<hbm>> -> memref<2048xi32, #tpu.memory_space<hbm>>
      %dma_wait3A_450 = tpu.memref_slice %arg3[%add3A_191] : memref<2097152xi32, #tpu.memory_space<hbm>> -> memref<2048xi32, #tpu.memory_space<hbm>>
      tpu.wait_dma2 semaphore(%run_scoped3A : memref<!tpu.dma_semaphore, #tpu.memory_space<semaphore_mem>>) src(%dma_wait3A_450 : memref<2048xi32, #tpu.memory_space<hbm>>) dst(%arg8 : memref<2048xi32, #tpu.memory_space<vmem>>)
      tpu.yield
    }) : () -> ()
    %dma_start3A_192 = arith.constant 0 : i32
    %dma_start3A_193 = arith.constant 0 : i32
    %dma_start3A_194 = tpu.memref_slice %arg2[%dma_start3A_192, %dma_start3A_193] : memref<2097152x8xf32, #tpu.memory_space<hbm>> -> memref<2097152x8xf32, #tpu.memory_space<hbm>>
    tpu.enqueue_indirect_dma source(%dma_start3A_194 : memref<2097152x8xf32, #tpu.memory_space<hbm>>) target(%arg12 : memref<2048x8xf32, #tpu.memory_space<vmem>>) offsets(%arg8 : memref<2048xi32, #tpu.memory_space<vmem>>) semaphore(%arg16 : memref<!tpu.dma_semaphore, #tpu.memory_space<semaphore_mem>>)
    %mul3A_195 = arith.constant 65536 : i32
    %mul3A_196 = arith.muli %add3A, %mul3A_195 : i32
    %add3A_197 = arith.constant 24576 : i32
    %add3A_198 = arith.addi %mul3A_196, %add3A_197 : i32
    %dma_wait3A_199 = arith.constant 0 : i32
    %dma_wait3A_200 = arith.constant 0 : i32
    %dma_wait3A_201 = tpu.memref_slice %arg2[%dma_wait3A_199, %dma_wait3A_200] : memref<2097152x8xf32, #tpu.memory_space<hbm>> -> memref<2097152x8xf32, #tpu.memory_space<hbm>>
    tpu.wait_indirect_dma semaphore(%arg13 : memref<!tpu.dma_semaphore, #tpu.memory_space<semaphore_mem>>) src(%dma_wait3A_201 : memref<2097152x8xf32, #tpu.memory_space<hbm>>) dst(%arg9 : memref<2048x8xf32, #tpu.memory_space<vmem>>)
    "tpu.region"() ({
      %run_scoped3A = tpu.sem_alloc : memref<!tpu.dma_semaphore, #tpu.memory_space<semaphore_mem>>
      %dma_start3A_447 = arith.constant 0 : i32
      %dma_start3A_448 = tpu.memref_slice %arg4[%add3A_198, %dma_start3A_447] : memref<2097152x8xf32, #tpu.memory_space<hbm>> -> memref<2048x8xf32, #tpu.memory_space<hbm>>
      %dma_start3A_449 = arith.constant 0 : i32
      %dma_start3A_450 = tpu.memref_slice %arg4[%add3A_198, %dma_start3A_449] : memref<2097152x8xf32, #tpu.memory_space<hbm>> -> memref<2048x8xf32, #tpu.memory_space<hbm>>
      tpu.enqueue_dma source(%arg9 : memref<2048x8xf32, #tpu.memory_space<vmem>>) target(%dma_start3A_450 : memref<2048x8xf32, #tpu.memory_space<hbm>>) target_semaphore(%run_scoped3A : memref<!tpu.dma_semaphore, #tpu.memory_space<semaphore_mem>>)
      %dma_wait3A_451 = arith.constant 0 : i32
      %dma_wait3A_452 = tpu.memref_slice %arg4[%add3A_198, %dma_wait3A_451] : memref<2097152x8xf32, #tpu.memory_space<hbm>> -> memref<2048x8xf32, #tpu.memory_space<hbm>>
      %dma_wait3A_453 = arith.constant 0 : i32
      %dma_wait3A_454 = tpu.memref_slice %arg4[%add3A_198, %dma_wait3A_453] : memref<2097152x8xf32, #tpu.memory_space<hbm>> -> memref<2048x8xf32, #tpu.memory_space<hbm>>
      tpu.wait_dma2 semaphore(%run_scoped3A : memref<!tpu.dma_semaphore, #tpu.memory_space<semaphore_mem>>) src(%arg9 : memref<2048x8xf32, #tpu.memory_space<vmem>>) dst(%dma_wait3A_454 : memref<2048x8xf32, #tpu.memory_space<hbm>>)
      tpu.yield
    }) : () -> ()
    %mul3A_202 = arith.constant 65536 : i32
    %mul3A_203 = arith.muli %add3A, %mul3A_202 : i32
    %add3A_204 = arith.constant 32768 : i32
    %add3A_205 = arith.addi %mul3A_203, %add3A_204 : i32
    "tpu.region"() ({
      %run_scoped3A = tpu.sem_alloc : memref<!tpu.dma_semaphore, #tpu.memory_space<semaphore_mem>>
      %dma_start3A_447 = tpu.memref_slice %arg3[%add3A_205] : memref<2097152xi32, #tpu.memory_space<hbm>> -> memref<2048xi32, #tpu.memory_space<hbm>>
      %dma_start3A_448 = tpu.memref_slice %arg3[%add3A_205] : memref<2097152xi32, #tpu.memory_space<hbm>> -> memref<2048xi32, #tpu.memory_space<hbm>>
      tpu.enqueue_dma source(%dma_start3A_448 : memref<2048xi32, #tpu.memory_space<hbm>>) target(%arg5 : memref<2048xi32, #tpu.memory_space<vmem>>) target_semaphore(%run_scoped3A : memref<!tpu.dma_semaphore, #tpu.memory_space<semaphore_mem>>)
      %dma_wait3A_449 = tpu.memref_slice %arg3[%add3A_205] : memref<2097152xi32, #tpu.memory_space<hbm>> -> memref<2048xi32, #tpu.memory_space<hbm>>
      %dma_wait3A_450 = tpu.memref_slice %arg3[%add3A_205] : memref<2097152xi32, #tpu.memory_space<hbm>> -> memref<2048xi32, #tpu.memory_space<hbm>>
      tpu.wait_dma2 semaphore(%run_scoped3A : memref<!tpu.dma_semaphore, #tpu.memory_space<semaphore_mem>>) src(%dma_wait3A_450 : memref<2048xi32, #tpu.memory_space<hbm>>) dst(%arg5 : memref<2048xi32, #tpu.memory_space<vmem>>)
      tpu.yield
    }) : () -> ()
    %dma_start3A_206 = arith.constant 0 : i32
    %dma_start3A_207 = arith.constant 0 : i32
    %dma_start3A_208 = tpu.memref_slice %arg2[%dma_start3A_206, %dma_start3A_207] : memref<2097152x8xf32, #tpu.memory_space<hbm>> -> memref<2097152x8xf32, #tpu.memory_space<hbm>>
    tpu.enqueue_indirect_dma source(%dma_start3A_208 : memref<2097152x8xf32, #tpu.memory_space<hbm>>) target(%arg9 : memref<2048x8xf32, #tpu.memory_space<vmem>>) offsets(%arg5 : memref<2048xi32, #tpu.memory_space<vmem>>) semaphore(%arg13 : memref<!tpu.dma_semaphore, #tpu.memory_space<semaphore_mem>>)
    %mul3A_209 = arith.constant 65536 : i32
    %mul3A_210 = arith.muli %add3A, %mul3A_209 : i32
    %add3A_211 = arith.constant 26624 : i32
    %add3A_212 = arith.addi %mul3A_210, %add3A_211 : i32
    %dma_wait3A_213 = arith.constant 0 : i32
    %dma_wait3A_214 = arith.constant 0 : i32
    %dma_wait3A_215 = tpu.memref_slice %arg2[%dma_wait3A_213, %dma_wait3A_214] : memref<2097152x8xf32, #tpu.memory_space<hbm>> -> memref<2097152x8xf32, #tpu.memory_space<hbm>>
    tpu.wait_indirect_dma semaphore(%arg14 : memref<!tpu.dma_semaphore, #tpu.memory_space<semaphore_mem>>) src(%dma_wait3A_215 : memref<2097152x8xf32, #tpu.memory_space<hbm>>) dst(%arg10 : memref<2048x8xf32, #tpu.memory_space<vmem>>)
    "tpu.region"() ({
      %run_scoped3A = tpu.sem_alloc : memref<!tpu.dma_semaphore, #tpu.memory_space<semaphore_mem>>
      %dma_start3A_447 = arith.constant 0 : i32
      %dma_start3A_448 = tpu.memref_slice %arg4[%add3A_212, %dma_start3A_447] : memref<2097152x8xf32, #tpu.memory_space<hbm>> -> memref<2048x8xf32, #tpu.memory_space<hbm>>
      %dma_start3A_449 = arith.constant 0 : i32
      %dma_start3A_450 = tpu.memref_slice %arg4[%add3A_212, %dma_start3A_449] : memref<2097152x8xf32, #tpu.memory_space<hbm>> -> memref<2048x8xf32, #tpu.memory_space<hbm>>
      tpu.enqueue_dma source(%arg10 : memref<2048x8xf32, #tpu.memory_space<vmem>>) target(%dma_start3A_450 : memref<2048x8xf32, #tpu.memory_space<hbm>>) target_semaphore(%run_scoped3A : memref<!tpu.dma_semaphore, #tpu.memory_space<semaphore_mem>>)
      %dma_wait3A_451 = arith.constant 0 : i32
      %dma_wait3A_452 = tpu.memref_slice %arg4[%add3A_212, %dma_wait3A_451] : memref<2097152x8xf32, #tpu.memory_space<hbm>> -> memref<2048x8xf32, #tpu.memory_space<hbm>>
      %dma_wait3A_453 = arith.constant 0 : i32
      %dma_wait3A_454 = tpu.memref_slice %arg4[%add3A_212, %dma_wait3A_453] : memref<2097152x8xf32, #tpu.memory_space<hbm>> -> memref<2048x8xf32, #tpu.memory_space<hbm>>
      tpu.wait_dma2 semaphore(%run_scoped3A : memref<!tpu.dma_semaphore, #tpu.memory_space<semaphore_mem>>) src(%arg10 : memref<2048x8xf32, #tpu.memory_space<vmem>>) dst(%dma_wait3A_454 : memref<2048x8xf32, #tpu.memory_space<hbm>>)
      tpu.yield
    }) : () -> ()
    %mul3A_216 = arith.constant 65536 : i32
    %mul3A_217 = arith.muli %add3A, %mul3A_216 : i32
    %add3A_218 = arith.constant 34816 : i32
    %add3A_219 = arith.addi %mul3A_217, %add3A_218 : i32
    "tpu.region"() ({
      %run_scoped3A = tpu.sem_alloc : memref<!tpu.dma_semaphore, #tpu.memory_space<semaphore_mem>>
      %dma_start3A_447 = tpu.memref_slice %arg3[%add3A_219] : memref<2097152xi32, #tpu.memory_space<hbm>> -> memref<2048xi32, #tpu.memory_space<hbm>>
      %dma_start3A_448 = tpu.memref_slice %arg3[%add3A_219] : memref<2097152xi32, #tpu.memory_space<hbm>> -> memref<2048xi32, #tpu.memory_space<hbm>>
      tpu.enqueue_dma source(%dma_start3A_448 : memref<2048xi32, #tpu.memory_space<hbm>>) target(%arg6 : memref<2048xi32, #tpu.memory_space<vmem>>) target_semaphore(%run_scoped3A : memref<!tpu.dma_semaphore, #tpu.memory_space<semaphore_mem>>)
      %dma_wait3A_449 = tpu.memref_slice %arg3[%add3A_219] : memref<2097152xi32, #tpu.memory_space<hbm>> -> memref<2048xi32, #tpu.memory_space<hbm>>
      %dma_wait3A_450 = tpu.memref_slice %arg3[%add3A_219] : memref<2097152xi32, #tpu.memory_space<hbm>> -> memref<2048xi32, #tpu.memory_space<hbm>>
      tpu.wait_dma2 semaphore(%run_scoped3A : memref<!tpu.dma_semaphore, #tpu.memory_space<semaphore_mem>>) src(%dma_wait3A_450 : memref<2048xi32, #tpu.memory_space<hbm>>) dst(%arg6 : memref<2048xi32, #tpu.memory_space<vmem>>)
      tpu.yield
    }) : () -> ()
    %dma_start3A_220 = arith.constant 0 : i32
    %dma_start3A_221 = arith.constant 0 : i32
    %dma_start3A_222 = tpu.memref_slice %arg2[%dma_start3A_220, %dma_start3A_221] : memref<2097152x8xf32, #tpu.memory_space<hbm>> -> memref<2097152x8xf32, #tpu.memory_space<hbm>>
    tpu.enqueue_indirect_dma source(%dma_start3A_222 : memref<2097152x8xf32, #tpu.memory_space<hbm>>) target(%arg10 : memref<2048x8xf32, #tpu.memory_space<vmem>>) offsets(%arg6 : memref<2048xi32, #tpu.memory_space<vmem>>) semaphore(%arg14 : memref<!tpu.dma_semaphore, #tpu.memory_space<semaphore_mem>>)
    %mul3A_223 = arith.constant 65536 : i32
    %mul3A_224 = arith.muli %add3A, %mul3A_223 : i32
    %add3A_225 = arith.constant 28672 : i32
    %add3A_226 = arith.addi %mul3A_224, %add3A_225 : i32
    %dma_wait3A_227 = arith.constant 0 : i32
    %dma_wait3A_228 = arith.constant 0 : i32
    %dma_wait3A_229 = tpu.memref_slice %arg2[%dma_wait3A_227, %dma_wait3A_228] : memref<2097152x8xf32, #tpu.memory_space<hbm>> -> memref<2097152x8xf32, #tpu.memory_space<hbm>>
    tpu.wait_indirect_dma semaphore(%arg15 : memref<!tpu.dma_semaphore, #tpu.memory_space<semaphore_mem>>) src(%dma_wait3A_229 : memref<2097152x8xf32, #tpu.memory_space<hbm>>) dst(%arg11 : memref<2048x8xf32, #tpu.memory_space<vmem>>)
    "tpu.region"() ({
      %run_scoped3A = tpu.sem_alloc : memref<!tpu.dma_semaphore, #tpu.memory_space<semaphore_mem>>
      %dma_start3A_447 = arith.constant 0 : i32
      %dma_start3A_448 = tpu.memref_slice %arg4[%add3A_226, %dma_start3A_447] : memref<2097152x8xf32, #tpu.memory_space<hbm>> -> memref<2048x8xf32, #tpu.memory_space<hbm>>
      %dma_start3A_449 = arith.constant 0 : i32
      %dma_start3A_450 = tpu.memref_slice %arg4[%add3A_226, %dma_start3A_449] : memref<2097152x8xf32, #tpu.memory_space<hbm>> -> memref<2048x8xf32, #tpu.memory_space<hbm>>
      tpu.enqueue_dma source(%arg11 : memref<2048x8xf32, #tpu.memory_space<vmem>>) target(%dma_start3A_450 : memref<2048x8xf32, #tpu.memory_space<hbm>>) target_semaphore(%run_scoped3A : memref<!tpu.dma_semaphore, #tpu.memory_space<semaphore_mem>>)
      %dma_wait3A_451 = arith.constant 0 : i32
      %dma_wait3A_452 = tpu.memref_slice %arg4[%add3A_226, %dma_wait3A_451] : memref<2097152x8xf32, #tpu.memory_space<hbm>> -> memref<2048x8xf32, #tpu.memory_space<hbm>>
      %dma_wait3A_453 = arith.constant 0 : i32
      %dma_wait3A_454 = tpu.memref_slice %arg4[%add3A_226, %dma_wait3A_453] : memref<2097152x8xf32, #tpu.memory_space<hbm>> -> memref<2048x8xf32, #tpu.memory_space<hbm>>
      tpu.wait_dma2 semaphore(%run_scoped3A : memref<!tpu.dma_semaphore, #tpu.memory_space<semaphore_mem>>) src(%arg11 : memref<2048x8xf32, #tpu.memory_space<vmem>>) dst(%dma_wait3A_454 : memref<2048x8xf32, #tpu.memory_space<hbm>>)
      tpu.yield
    }) : () -> ()
    %mul3A_230 = arith.constant 65536 : i32
    %mul3A_231 = arith.muli %add3A, %mul3A_230 : i32
    %add3A_232 = arith.constant 36864 : i32
    %add3A_233 = arith.addi %mul3A_231, %add3A_232 : i32
    "tpu.region"() ({
      %run_scoped3A = tpu.sem_alloc : memref<!tpu.dma_semaphore, #tpu.memory_space<semaphore_mem>>
      %dma_start3A_447 = tpu.memref_slice %arg3[%add3A_233] : memref<2097152xi32, #tpu.memory_space<hbm>> -> memref<2048xi32, #tpu.memory_space<hbm>>
      %dma_start3A_448 = tpu.memref_slice %arg3[%add3A_233] : memref<2097152xi32, #tpu.memory_space<hbm>> -> memref<2048xi32, #tpu.memory_space<hbm>>
      tpu.enqueue_dma source(%dma_start3A_448 : memref<2048xi32, #tpu.memory_space<hbm>>) target(%arg7 : memref<2048xi32, #tpu.memory_space<vmem>>) target_semaphore(%run_scoped3A : memref<!tpu.dma_semaphore, #tpu.memory_space<semaphore_mem>>)
      %dma_wait3A_449 = tpu.memref_slice %arg3[%add3A_233] : memref<2097152xi32, #tpu.memory_space<hbm>> -> memref<2048xi32, #tpu.memory_space<hbm>>
      %dma_wait3A_450 = tpu.memref_slice %arg3[%add3A_233] : memref<2097152xi32, #tpu.memory_space<hbm>> -> memref<2048xi32, #tpu.memory_space<hbm>>
      tpu.wait_dma2 semaphore(%run_scoped3A : memref<!tpu.dma_semaphore, #tpu.memory_space<semaphore_mem>>) src(%dma_wait3A_450 : memref<2048xi32, #tpu.memory_space<hbm>>) dst(%arg7 : memref<2048xi32, #tpu.memory_space<vmem>>)
      tpu.yield
    }) : () -> ()
    %dma_start3A_234 = arith.constant 0 : i32
    %dma_start3A_235 = arith.constant 0 : i32
    %dma_start3A_236 = tpu.memref_slice %arg2[%dma_start3A_234, %dma_start3A_235] : memref<2097152x8xf32, #tpu.memory_space<hbm>> -> memref<2097152x8xf32, #tpu.memory_space<hbm>>
    tpu.enqueue_indirect_dma source(%dma_start3A_236 : memref<2097152x8xf32, #tpu.memory_space<hbm>>) target(%arg11 : memref<2048x8xf32, #tpu.memory_space<vmem>>) offsets(%arg7 : memref<2048xi32, #tpu.memory_space<vmem>>) semaphore(%arg15 : memref<!tpu.dma_semaphore, #tpu.memory_space<semaphore_mem>>)
    %mul3A_237 = arith.constant 65536 : i32
    %mul3A_238 = arith.muli %add3A, %mul3A_237 : i32
    %add3A_239 = arith.constant 30720 : i32
    %add3A_240 = arith.addi %mul3A_238, %add3A_239 : i32
    %dma_wait3A_241 = arith.constant 0 : i32
    %dma_wait3A_242 = arith.constant 0 : i32
    %dma_wait3A_243 = tpu.memref_slice %arg2[%dma_wait3A_241, %dma_wait3A_242] : memref<2097152x8xf32, #tpu.memory_space<hbm>> -> memref<2097152x8xf32, #tpu.memory_space<hbm>>
    tpu.wait_indirect_dma semaphore(%arg16 : memref<!tpu.dma_semaphore, #tpu.memory_space<semaphore_mem>>) src(%dma_wait3A_243 : memref<2097152x8xf32, #tpu.memory_space<hbm>>) dst(%arg12 : memref<2048x8xf32, #tpu.memory_space<vmem>>)
    "tpu.region"() ({
      %run_scoped3A = tpu.sem_alloc : memref<!tpu.dma_semaphore, #tpu.memory_space<semaphore_mem>>
      %dma_start3A_447 = arith.constant 0 : i32
      %dma_start3A_448 = tpu.memref_slice %arg4[%add3A_240, %dma_start3A_447] : memref<2097152x8xf32, #tpu.memory_space<hbm>> -> memref<2048x8xf32, #tpu.memory_space<hbm>>
      %dma_start3A_449 = arith.constant 0 : i32
      %dma_start3A_450 = tpu.memref_slice %arg4[%add3A_240, %dma_start3A_449] : memref<2097152x8xf32, #tpu.memory_space<hbm>> -> memref<2048x8xf32, #tpu.memory_space<hbm>>
      tpu.enqueue_dma source(%arg12 : memref<2048x8xf32, #tpu.memory_space<vmem>>) target(%dma_start3A_450 : memref<2048x8xf32, #tpu.memory_space<hbm>>) target_semaphore(%run_scoped3A : memref<!tpu.dma_semaphore, #tpu.memory_space<semaphore_mem>>)
      %dma_wait3A_451 = arith.constant 0 : i32
      %dma_wait3A_452 = tpu.memref_slice %arg4[%add3A_240, %dma_wait3A_451] : memref<2097152x8xf32, #tpu.memory_space<hbm>> -> memref<2048x8xf32, #tpu.memory_space<hbm>>
      %dma_wait3A_453 = arith.constant 0 : i32
      %dma_wait3A_454 = tpu.memref_slice %arg4[%add3A_240, %dma_wait3A_453] : memref<2097152x8xf32, #tpu.memory_space<hbm>> -> memref<2048x8xf32, #tpu.memory_space<hbm>>
      tpu.wait_dma2 semaphore(%run_scoped3A : memref<!tpu.dma_semaphore, #tpu.memory_space<semaphore_mem>>) src(%arg12 : memref<2048x8xf32, #tpu.memory_space<vmem>>) dst(%dma_wait3A_454 : memref<2048x8xf32, #tpu.memory_space<hbm>>)
      tpu.yield
    }) : () -> ()
    %mul3A_244 = arith.constant 65536 : i32
    %mul3A_245 = arith.muli %add3A, %mul3A_244 : i32
    %add3A_246 = arith.constant 38912 : i32
    %add3A_247 = arith.addi %mul3A_245, %add3A_246 : i32
    "tpu.region"() ({
      %run_scoped3A = tpu.sem_alloc : memref<!tpu.dma_semaphore, #tpu.memory_space<semaphore_mem>>
      %dma_start3A_447 = tpu.memref_slice %arg3[%add3A_247] : memref<2097152xi32, #tpu.memory_space<hbm>> -> memref<2048xi32, #tpu.memory_space<hbm>>
      %dma_start3A_448 = tpu.memref_slice %arg3[%add3A_247] : memref<2097152xi32, #tpu.memory_space<hbm>> -> memref<2048xi32, #tpu.memory_space<hbm>>
      tpu.enqueue_dma source(%dma_start3A_448 : memref<2048xi32, #tpu.memory_space<hbm>>) target(%arg8 : memref<2048xi32, #tpu.memory_space<vmem>>) target_semaphore(%run_scoped3A : memref<!tpu.dma_semaphore, #tpu.memory_space<semaphore_mem>>)
      %dma_wait3A_449 = tpu.memref_slice %arg3[%add3A_247] : memref<2097152xi32, #tpu.memory_space<hbm>> -> memref<2048xi32, #tpu.memory_space<hbm>>
      %dma_wait3A_450 = tpu.memref_slice %arg3[%add3A_247] : memref<2097152xi32, #tpu.memory_space<hbm>> -> memref<2048xi32, #tpu.memory_space<hbm>>
      tpu.wait_dma2 semaphore(%run_scoped3A : memref<!tpu.dma_semaphore, #tpu.memory_space<semaphore_mem>>) src(%dma_wait3A_450 : memref<2048xi32, #tpu.memory_space<hbm>>) dst(%arg8 : memref<2048xi32, #tpu.memory_space<vmem>>)
      tpu.yield
    }) : () -> ()
    %dma_start3A_248 = arith.constant 0 : i32
    %dma_start3A_249 = arith.constant 0 : i32
    %dma_start3A_250 = tpu.memref_slice %arg2[%dma_start3A_248, %dma_start3A_249] : memref<2097152x8xf32, #tpu.memory_space<hbm>> -> memref<2097152x8xf32, #tpu.memory_space<hbm>>
    tpu.enqueue_indirect_dma source(%dma_start3A_250 : memref<2097152x8xf32, #tpu.memory_space<hbm>>) target(%arg12 : memref<2048x8xf32, #tpu.memory_space<vmem>>) offsets(%arg8 : memref<2048xi32, #tpu.memory_space<vmem>>) semaphore(%arg16 : memref<!tpu.dma_semaphore, #tpu.memory_space<semaphore_mem>>)
    %mul3A_251 = arith.constant 65536 : i32
    %mul3A_252 = arith.muli %add3A, %mul3A_251 : i32
    %add3A_253 = arith.constant 32768 : i32
    %add3A_254 = arith.addi %mul3A_252, %add3A_253 : i32
    %dma_wait3A_255 = arith.constant 0 : i32
    %dma_wait3A_256 = arith.constant 0 : i32
    %dma_wait3A_257 = tpu.memref_slice %arg2[%dma_wait3A_255, %dma_wait3A_256] : memref<2097152x8xf32, #tpu.memory_space<hbm>> -> memref<2097152x8xf32, #tpu.memory_space<hbm>>
    tpu.wait_indirect_dma semaphore(%arg13 : memref<!tpu.dma_semaphore, #tpu.memory_space<semaphore_mem>>) src(%dma_wait3A_257 : memref<2097152x8xf32, #tpu.memory_space<hbm>>) dst(%arg9 : memref<2048x8xf32, #tpu.memory_space<vmem>>)
    "tpu.region"() ({
      %run_scoped3A = tpu.sem_alloc : memref<!tpu.dma_semaphore, #tpu.memory_space<semaphore_mem>>
      %dma_start3A_447 = arith.constant 0 : i32
      %dma_start3A_448 = tpu.memref_slice %arg4[%add3A_254, %dma_start3A_447] : memref<2097152x8xf32, #tpu.memory_space<hbm>> -> memref<2048x8xf32, #tpu.memory_space<hbm>>
      %dma_start3A_449 = arith.constant 0 : i32
      %dma_start3A_450 = tpu.memref_slice %arg4[%add3A_254, %dma_start3A_449] : memref<2097152x8xf32, #tpu.memory_space<hbm>> -> memref<2048x8xf32, #tpu.memory_space<hbm>>
      tpu.enqueue_dma source(%arg9 : memref<2048x8xf32, #tpu.memory_space<vmem>>) target(%dma_start3A_450 : memref<2048x8xf32, #tpu.memory_space<hbm>>) target_semaphore(%run_scoped3A : memref<!tpu.dma_semaphore, #tpu.memory_space<semaphore_mem>>)
      %dma_wait3A_451 = arith.constant 0 : i32
      %dma_wait3A_452 = tpu.memref_slice %arg4[%add3A_254, %dma_wait3A_451] : memref<2097152x8xf32, #tpu.memory_space<hbm>> -> memref<2048x8xf32, #tpu.memory_space<hbm>>
      %dma_wait3A_453 = arith.constant 0 : i32
      %dma_wait3A_454 = tpu.memref_slice %arg4[%add3A_254, %dma_wait3A_453] : memref<2097152x8xf32, #tpu.memory_space<hbm>> -> memref<2048x8xf32, #tpu.memory_space<hbm>>
      tpu.wait_dma2 semaphore(%run_scoped3A : memref<!tpu.dma_semaphore, #tpu.memory_space<semaphore_mem>>) src(%arg9 : memref<2048x8xf32, #tpu.memory_space<vmem>>) dst(%dma_wait3A_454 : memref<2048x8xf32, #tpu.memory_space<hbm>>)
      tpu.yield
    }) : () -> ()
    %mul3A_258 = arith.constant 65536 : i32
    %mul3A_259 = arith.muli %add3A, %mul3A_258 : i32
    %add3A_260 = arith.constant 40960 : i32
    %add3A_261 = arith.addi %mul3A_259, %add3A_260 : i32
    "tpu.region"() ({
      %run_scoped3A = tpu.sem_alloc : memref<!tpu.dma_semaphore, #tpu.memory_space<semaphore_mem>>
      %dma_start3A_447 = tpu.memref_slice %arg3[%add3A_261] : memref<2097152xi32, #tpu.memory_space<hbm>> -> memref<2048xi32, #tpu.memory_space<hbm>>
      %dma_start3A_448 = tpu.memref_slice %arg3[%add3A_261] : memref<2097152xi32, #tpu.memory_space<hbm>> -> memref<2048xi32, #tpu.memory_space<hbm>>
      tpu.enqueue_dma source(%dma_start3A_448 : memref<2048xi32, #tpu.memory_space<hbm>>) target(%arg5 : memref<2048xi32, #tpu.memory_space<vmem>>) target_semaphore(%run_scoped3A : memref<!tpu.dma_semaphore, #tpu.memory_space<semaphore_mem>>)
      %dma_wait3A_449 = tpu.memref_slice %arg3[%add3A_261] : memref<2097152xi32, #tpu.memory_space<hbm>> -> memref<2048xi32, #tpu.memory_space<hbm>>
      %dma_wait3A_450 = tpu.memref_slice %arg3[%add3A_261] : memref<2097152xi32, #tpu.memory_space<hbm>> -> memref<2048xi32, #tpu.memory_space<hbm>>
      tpu.wait_dma2 semaphore(%run_scoped3A : memref<!tpu.dma_semaphore, #tpu.memory_space<semaphore_mem>>) src(%dma_wait3A_450 : memref<2048xi32, #tpu.memory_space<hbm>>) dst(%arg5 : memref<2048xi32, #tpu.memory_space<vmem>>)
      tpu.yield
    }) : () -> ()
    %dma_start3A_262 = arith.constant 0 : i32
    %dma_start3A_263 = arith.constant 0 : i32
    %dma_start3A_264 = tpu.memref_slice %arg2[%dma_start3A_262, %dma_start3A_263] : memref<2097152x8xf32, #tpu.memory_space<hbm>> -> memref<2097152x8xf32, #tpu.memory_space<hbm>>
    tpu.enqueue_indirect_dma source(%dma_start3A_264 : memref<2097152x8xf32, #tpu.memory_space<hbm>>) target(%arg9 : memref<2048x8xf32, #tpu.memory_space<vmem>>) offsets(%arg5 : memref<2048xi32, #tpu.memory_space<vmem>>) semaphore(%arg13 : memref<!tpu.dma_semaphore, #tpu.memory_space<semaphore_mem>>)
    %mul3A_265 = arith.constant 65536 : i32
    %mul3A_266 = arith.muli %add3A, %mul3A_265 : i32
    %add3A_267 = arith.constant 34816 : i32
    %add3A_268 = arith.addi %mul3A_266, %add3A_267 : i32
    %dma_wait3A_269 = arith.constant 0 : i32
    %dma_wait3A_270 = arith.constant 0 : i32
    %dma_wait3A_271 = tpu.memref_slice %arg2[%dma_wait3A_269, %dma_wait3A_270] : memref<2097152x8xf32, #tpu.memory_space<hbm>> -> memref<2097152x8xf32, #tpu.memory_space<hbm>>
    tpu.wait_indirect_dma semaphore(%arg14 : memref<!tpu.dma_semaphore, #tpu.memory_space<semaphore_mem>>) src(%dma_wait3A_271 : memref<2097152x8xf32, #tpu.memory_space<hbm>>) dst(%arg10 : memref<2048x8xf32, #tpu.memory_space<vmem>>)
    "tpu.region"() ({
      %run_scoped3A = tpu.sem_alloc : memref<!tpu.dma_semaphore, #tpu.memory_space<semaphore_mem>>
      %dma_start3A_447 = arith.constant 0 : i32
      %dma_start3A_448 = tpu.memref_slice %arg4[%add3A_268, %dma_start3A_447] : memref<2097152x8xf32, #tpu.memory_space<hbm>> -> memref<2048x8xf32, #tpu.memory_space<hbm>>
      %dma_start3A_449 = arith.constant 0 : i32
      %dma_start3A_450 = tpu.memref_slice %arg4[%add3A_268, %dma_start3A_449] : memref<2097152x8xf32, #tpu.memory_space<hbm>> -> memref<2048x8xf32, #tpu.memory_space<hbm>>
      tpu.enqueue_dma source(%arg10 : memref<2048x8xf32, #tpu.memory_space<vmem>>) target(%dma_start3A_450 : memref<2048x8xf32, #tpu.memory_space<hbm>>) target_semaphore(%run_scoped3A : memref<!tpu.dma_semaphore, #tpu.memory_space<semaphore_mem>>)
      %dma_wait3A_451 = arith.constant 0 : i32
      %dma_wait3A_452 = tpu.memref_slice %arg4[%add3A_268, %dma_wait3A_451] : memref<2097152x8xf32, #tpu.memory_space<hbm>> -> memref<2048x8xf32, #tpu.memory_space<hbm>>
      %dma_wait3A_453 = arith.constant 0 : i32
      %dma_wait3A_454 = tpu.memref_slice %arg4[%add3A_268, %dma_wait3A_453] : memref<2097152x8xf32, #tpu.memory_space<hbm>> -> memref<2048x8xf32, #tpu.memory_space<hbm>>
      tpu.wait_dma2 semaphore(%run_scoped3A : memref<!tpu.dma_semaphore, #tpu.memory_space<semaphore_mem>>) src(%arg10 : memref<2048x8xf32, #tpu.memory_space<vmem>>) dst(%dma_wait3A_454 : memref<2048x8xf32, #tpu.memory_space<hbm>>)
      tpu.yield
    }) : () -> ()
    %mul3A_272 = arith.constant 65536 : i32
    %mul3A_273 = arith.muli %add3A, %mul3A_272 : i32
    %add3A_274 = arith.constant 43008 : i32
    %add3A_275 = arith.addi %mul3A_273, %add3A_274 : i32
    "tpu.region"() ({
      %run_scoped3A = tpu.sem_alloc : memref<!tpu.dma_semaphore, #tpu.memory_space<semaphore_mem>>
      %dma_start3A_447 = tpu.memref_slice %arg3[%add3A_275] : memref<2097152xi32, #tpu.memory_space<hbm>> -> memref<2048xi32, #tpu.memory_space<hbm>>
      %dma_start3A_448 = tpu.memref_slice %arg3[%add3A_275] : memref<2097152xi32, #tpu.memory_space<hbm>> -> memref<2048xi32, #tpu.memory_space<hbm>>
      tpu.enqueue_dma source(%dma_start3A_448 : memref<2048xi32, #tpu.memory_space<hbm>>) target(%arg6 : memref<2048xi32, #tpu.memory_space<vmem>>) target_semaphore(%run_scoped3A : memref<!tpu.dma_semaphore, #tpu.memory_space<semaphore_mem>>)
      %dma_wait3A_449 = tpu.memref_slice %arg3[%add3A_275] : memref<2097152xi32, #tpu.memory_space<hbm>> -> memref<2048xi32, #tpu.memory_space<hbm>>
      %dma_wait3A_450 = tpu.memref_slice %arg3[%add3A_275] : memref<2097152xi32, #tpu.memory_space<hbm>> -> memref<2048xi32, #tpu.memory_space<hbm>>
      tpu.wait_dma2 semaphore(%run_scoped3A : memref<!tpu.dma_semaphore, #tpu.memory_space<semaphore_mem>>) src(%dma_wait3A_450 : memref<2048xi32, #tpu.memory_space<hbm>>) dst(%arg6 : memref<2048xi32, #tpu.memory_space<vmem>>)
      tpu.yield
    }) : () -> ()
    %dma_start3A_276 = arith.constant 0 : i32
    %dma_start3A_277 = arith.constant 0 : i32
    %dma_start3A_278 = tpu.memref_slice %arg2[%dma_start3A_276, %dma_start3A_277] : memref<2097152x8xf32, #tpu.memory_space<hbm>> -> memref<2097152x8xf32, #tpu.memory_space<hbm>>
    tpu.enqueue_indirect_dma source(%dma_start3A_278 : memref<2097152x8xf32, #tpu.memory_space<hbm>>) target(%arg10 : memref<2048x8xf32, #tpu.memory_space<vmem>>) offsets(%arg6 : memref<2048xi32, #tpu.memory_space<vmem>>) semaphore(%arg14 : memref<!tpu.dma_semaphore, #tpu.memory_space<semaphore_mem>>)
    %mul3A_279 = arith.constant 65536 : i32
    %mul3A_280 = arith.muli %add3A, %mul3A_279 : i32
    %add3A_281 = arith.constant 36864 : i32
    %add3A_282 = arith.addi %mul3A_280, %add3A_281 : i32
    %dma_wait3A_283 = arith.constant 0 : i32
    %dma_wait3A_284 = arith.constant 0 : i32
    %dma_wait3A_285 = tpu.memref_slice %arg2[%dma_wait3A_283, %dma_wait3A_284] : memref<2097152x8xf32, #tpu.memory_space<hbm>> -> memref<2097152x8xf32, #tpu.memory_space<hbm>>
    tpu.wait_indirect_dma semaphore(%arg15 : memref<!tpu.dma_semaphore, #tpu.memory_space<semaphore_mem>>) src(%dma_wait3A_285 : memref<2097152x8xf32, #tpu.memory_space<hbm>>) dst(%arg11 : memref<2048x8xf32, #tpu.memory_space<vmem>>)
    "tpu.region"() ({
      %run_scoped3A = tpu.sem_alloc : memref<!tpu.dma_semaphore, #tpu.memory_space<semaphore_mem>>
      %dma_start3A_447 = arith.constant 0 : i32
      %dma_start3A_448 = tpu.memref_slice %arg4[%add3A_282, %dma_start3A_447] : memref<2097152x8xf32, #tpu.memory_space<hbm>> -> memref<2048x8xf32, #tpu.memory_space<hbm>>
      %dma_start3A_449 = arith.constant 0 : i32
      %dma_start3A_450 = tpu.memref_slice %arg4[%add3A_282, %dma_start3A_449] : memref<2097152x8xf32, #tpu.memory_space<hbm>> -> memref<2048x8xf32, #tpu.memory_space<hbm>>
      tpu.enqueue_dma source(%arg11 : memref<2048x8xf32, #tpu.memory_space<vmem>>) target(%dma_start3A_450 : memref<2048x8xf32, #tpu.memory_space<hbm>>) target_semaphore(%run_scoped3A : memref<!tpu.dma_semaphore, #tpu.memory_space<semaphore_mem>>)
      %dma_wait3A_451 = arith.constant 0 : i32
      %dma_wait3A_452 = tpu.memref_slice %arg4[%add3A_282, %dma_wait3A_451] : memref<2097152x8xf32, #tpu.memory_space<hbm>> -> memref<2048x8xf32, #tpu.memory_space<hbm>>
      %dma_wait3A_453 = arith.constant 0 : i32
      %dma_wait3A_454 = tpu.memref_slice %arg4[%add3A_282, %dma_wait3A_453] : memref<2097152x8xf32, #tpu.memory_space<hbm>> -> memref<2048x8xf32, #tpu.memory_space<hbm>>
      tpu.wait_dma2 semaphore(%run_scoped3A : memref<!tpu.dma_semaphore, #tpu.memory_space<semaphore_mem>>) src(%arg11 : memref<2048x8xf32, #tpu.memory_space<vmem>>) dst(%dma_wait3A_454 : memref<2048x8xf32, #tpu.memory_space<hbm>>)
      tpu.yield
    }) : () -> ()
    %mul3A_286 = arith.constant 65536 : i32
    %mul3A_287 = arith.muli %add3A, %mul3A_286 : i32
    %add3A_288 = arith.constant 45056 : i32
    %add3A_289 = arith.addi %mul3A_287, %add3A_288 : i32
    "tpu.region"() ({
      %run_scoped3A = tpu.sem_alloc : memref<!tpu.dma_semaphore, #tpu.memory_space<semaphore_mem>>
      %dma_start3A_447 = tpu.memref_slice %arg3[%add3A_289] : memref<2097152xi32, #tpu.memory_space<hbm>> -> memref<2048xi32, #tpu.memory_space<hbm>>
      %dma_start3A_448 = tpu.memref_slice %arg3[%add3A_289] : memref<2097152xi32, #tpu.memory_space<hbm>> -> memref<2048xi32, #tpu.memory_space<hbm>>
      tpu.enqueue_dma source(%dma_start3A_448 : memref<2048xi32, #tpu.memory_space<hbm>>) target(%arg7 : memref<2048xi32, #tpu.memory_space<vmem>>) target_semaphore(%run_scoped3A : memref<!tpu.dma_semaphore, #tpu.memory_space<semaphore_mem>>)
      %dma_wait3A_449 = tpu.memref_slice %arg3[%add3A_289] : memref<2097152xi32, #tpu.memory_space<hbm>> -> memref<2048xi32, #tpu.memory_space<hbm>>
      %dma_wait3A_450 = tpu.memref_slice %arg3[%add3A_289] : memref<2097152xi32, #tpu.memory_space<hbm>> -> memref<2048xi32, #tpu.memory_space<hbm>>
      tpu.wait_dma2 semaphore(%run_scoped3A : memref<!tpu.dma_semaphore, #tpu.memory_space<semaphore_mem>>) src(%dma_wait3A_450 : memref<2048xi32, #tpu.memory_space<hbm>>) dst(%arg7 : memref<2048xi32, #tpu.memory_space<vmem>>)
      tpu.yield
    }) : () -> ()
    %dma_start3A_290 = arith.constant 0 : i32
    %dma_start3A_291 = arith.constant 0 : i32
    %dma_start3A_292 = tpu.memref_slice %arg2[%dma_start3A_290, %dma_start3A_291] : memref<2097152x8xf32, #tpu.memory_space<hbm>> -> memref<2097152x8xf32, #tpu.memory_space<hbm>>
    tpu.enqueue_indirect_dma source(%dma_start3A_292 : memref<2097152x8xf32, #tpu.memory_space<hbm>>) target(%arg11 : memref<2048x8xf32, #tpu.memory_space<vmem>>) offsets(%arg7 : memref<2048xi32, #tpu.memory_space<vmem>>) semaphore(%arg15 : memref<!tpu.dma_semaphore, #tpu.memory_space<semaphore_mem>>)
    %mul3A_293 = arith.constant 65536 : i32
    %mul3A_294 = arith.muli %add3A, %mul3A_293 : i32
    %add3A_295 = arith.constant 38912 : i32
    %add3A_296 = arith.addi %mul3A_294, %add3A_295 : i32
    %dma_wait3A_297 = arith.constant 0 : i32
    %dma_wait3A_298 = arith.constant 0 : i32
    %dma_wait3A_299 = tpu.memref_slice %arg2[%dma_wait3A_297, %dma_wait3A_298] : memref<2097152x8xf32, #tpu.memory_space<hbm>> -> memref<2097152x8xf32, #tpu.memory_space<hbm>>
    tpu.wait_indirect_dma semaphore(%arg16 : memref<!tpu.dma_semaphore, #tpu.memory_space<semaphore_mem>>) src(%dma_wait3A_299 : memref<2097152x8xf32, #tpu.memory_space<hbm>>) dst(%arg12 : memref<2048x8xf32, #tpu.memory_space<vmem>>)
    "tpu.region"() ({
      %run_scoped3A = tpu.sem_alloc : memref<!tpu.dma_semaphore, #tpu.memory_space<semaphore_mem>>
      %dma_start3A_447 = arith.constant 0 : i32
      %dma_start3A_448 = tpu.memref_slice %arg4[%add3A_296, %dma_start3A_447] : memref<2097152x8xf32, #tpu.memory_space<hbm>> -> memref<2048x8xf32, #tpu.memory_space<hbm>>
      %dma_start3A_449 = arith.constant 0 : i32
      %dma_start3A_450 = tpu.memref_slice %arg4[%add3A_296, %dma_start3A_449] : memref<2097152x8xf32, #tpu.memory_space<hbm>> -> memref<2048x8xf32, #tpu.memory_space<hbm>>
      tpu.enqueue_dma source(%arg12 : memref<2048x8xf32, #tpu.memory_space<vmem>>) target(%dma_start3A_450 : memref<2048x8xf32, #tpu.memory_space<hbm>>) target_semaphore(%run_scoped3A : memref<!tpu.dma_semaphore, #tpu.memory_space<semaphore_mem>>)
      %dma_wait3A_451 = arith.constant 0 : i32
      %dma_wait3A_452 = tpu.memref_slice %arg4[%add3A_296, %dma_wait3A_451] : memref<2097152x8xf32, #tpu.memory_space<hbm>> -> memref<2048x8xf32, #tpu.memory_space<hbm>>
      %dma_wait3A_453 = arith.constant 0 : i32
      %dma_wait3A_454 = tpu.memref_slice %arg4[%add3A_296, %dma_wait3A_453] : memref<2097152x8xf32, #tpu.memory_space<hbm>> -> memref<2048x8xf32, #tpu.memory_space<hbm>>
      tpu.wait_dma2 semaphore(%run_scoped3A : memref<!tpu.dma_semaphore, #tpu.memory_space<semaphore_mem>>) src(%arg12 : memref<2048x8xf32, #tpu.memory_space<vmem>>) dst(%dma_wait3A_454 : memref<2048x8xf32, #tpu.memory_space<hbm>>)
      tpu.yield
    }) : () -> ()
    %mul3A_300 = arith.constant 65536 : i32
    %mul3A_301 = arith.muli %add3A, %mul3A_300 : i32
    %add3A_302 = arith.constant 47104 : i32
    %add3A_303 = arith.addi %mul3A_301, %add3A_302 : i32
    "tpu.region"() ({
      %run_scoped3A = tpu.sem_alloc : memref<!tpu.dma_semaphore, #tpu.memory_space<semaphore_mem>>
      %dma_start3A_447 = tpu.memref_slice %arg3[%add3A_303] : memref<2097152xi32, #tpu.memory_space<hbm>> -> memref<2048xi32, #tpu.memory_space<hbm>>
      %dma_start3A_448 = tpu.memref_slice %arg3[%add3A_303] : memref<2097152xi32, #tpu.memory_space<hbm>> -> memref<2048xi32, #tpu.memory_space<hbm>>
      tpu.enqueue_dma source(%dma_start3A_448 : memref<2048xi32, #tpu.memory_space<hbm>>) target(%arg8 : memref<2048xi32, #tpu.memory_space<vmem>>) target_semaphore(%run_scoped3A : memref<!tpu.dma_semaphore, #tpu.memory_space<semaphore_mem>>)
      %dma_wait3A_449 = tpu.memref_slice %arg3[%add3A_303] : memref<2097152xi32, #tpu.memory_space<hbm>> -> memref<2048xi32, #tpu.memory_space<hbm>>
      %dma_wait3A_450 = tpu.memref_slice %arg3[%add3A_303] : memref<2097152xi32, #tpu.memory_space<hbm>> -> memref<2048xi32, #tpu.memory_space<hbm>>
      tpu.wait_dma2 semaphore(%run_scoped3A : memref<!tpu.dma_semaphore, #tpu.memory_space<semaphore_mem>>) src(%dma_wait3A_450 : memref<2048xi32, #tpu.memory_space<hbm>>) dst(%arg8 : memref<2048xi32, #tpu.memory_space<vmem>>)
      tpu.yield
    }) : () -> ()
    %dma_start3A_304 = arith.constant 0 : i32
    %dma_start3A_305 = arith.constant 0 : i32
    %dma_start3A_306 = tpu.memref_slice %arg2[%dma_start3A_304, %dma_start3A_305] : memref<2097152x8xf32, #tpu.memory_space<hbm>> -> memref<2097152x8xf32, #tpu.memory_space<hbm>>
    tpu.enqueue_indirect_dma source(%dma_start3A_306 : memref<2097152x8xf32, #tpu.memory_space<hbm>>) target(%arg12 : memref<2048x8xf32, #tpu.memory_space<vmem>>) offsets(%arg8 : memref<2048xi32, #tpu.memory_space<vmem>>) semaphore(%arg16 : memref<!tpu.dma_semaphore, #tpu.memory_space<semaphore_mem>>)
    %mul3A_307 = arith.constant 65536 : i32
    %mul3A_308 = arith.muli %add3A, %mul3A_307 : i32
    %add3A_309 = arith.constant 40960 : i32
    %add3A_310 = arith.addi %mul3A_308, %add3A_309 : i32
    %dma_wait3A_311 = arith.constant 0 : i32
    %dma_wait3A_312 = arith.constant 0 : i32
    %dma_wait3A_313 = tpu.memref_slice %arg2[%dma_wait3A_311, %dma_wait3A_312] : memref<2097152x8xf32, #tpu.memory_space<hbm>> -> memref<2097152x8xf32, #tpu.memory_space<hbm>>
    tpu.wait_indirect_dma semaphore(%arg13 : memref<!tpu.dma_semaphore, #tpu.memory_space<semaphore_mem>>) src(%dma_wait3A_313 : memref<2097152x8xf32, #tpu.memory_space<hbm>>) dst(%arg9 : memref<2048x8xf32, #tpu.memory_space<vmem>>)
    "tpu.region"() ({
      %run_scoped3A = tpu.sem_alloc : memref<!tpu.dma_semaphore, #tpu.memory_space<semaphore_mem>>
      %dma_start3A_447 = arith.constant 0 : i32
      %dma_start3A_448 = tpu.memref_slice %arg4[%add3A_310, %dma_start3A_447] : memref<2097152x8xf32, #tpu.memory_space<hbm>> -> memref<2048x8xf32, #tpu.memory_space<hbm>>
      %dma_start3A_449 = arith.constant 0 : i32
      %dma_start3A_450 = tpu.memref_slice %arg4[%add3A_310, %dma_start3A_449] : memref<2097152x8xf32, #tpu.memory_space<hbm>> -> memref<2048x8xf32, #tpu.memory_space<hbm>>
      tpu.enqueue_dma source(%arg9 : memref<2048x8xf32, #tpu.memory_space<vmem>>) target(%dma_start3A_450 : memref<2048x8xf32, #tpu.memory_space<hbm>>) target_semaphore(%run_scoped3A : memref<!tpu.dma_semaphore, #tpu.memory_space<semaphore_mem>>)
      %dma_wait3A_451 = arith.constant 0 : i32
      %dma_wait3A_452 = tpu.memref_slice %arg4[%add3A_310, %dma_wait3A_451] : memref<2097152x8xf32, #tpu.memory_space<hbm>> -> memref<2048x8xf32, #tpu.memory_space<hbm>>
      %dma_wait3A_453 = arith.constant 0 : i32
      %dma_wait3A_454 = tpu.memref_slice %arg4[%add3A_310, %dma_wait3A_453] : memref<2097152x8xf32, #tpu.memory_space<hbm>> -> memref<2048x8xf32, #tpu.memory_space<hbm>>
      tpu.wait_dma2 semaphore(%run_scoped3A : memref<!tpu.dma_semaphore, #tpu.memory_space<semaphore_mem>>) src(%arg9 : memref<2048x8xf32, #tpu.memory_space<vmem>>) dst(%dma_wait3A_454 : memref<2048x8xf32, #tpu.memory_space<hbm>>)
      tpu.yield
    }) : () -> ()
    %mul3A_314 = arith.constant 65536 : i32
    %mul3A_315 = arith.muli %add3A, %mul3A_314 : i32
    %add3A_316 = arith.constant 49152 : i32
    %add3A_317 = arith.addi %mul3A_315, %add3A_316 : i32
    "tpu.region"() ({
      %run_scoped3A = tpu.sem_alloc : memref<!tpu.dma_semaphore, #tpu.memory_space<semaphore_mem>>
      %dma_start3A_447 = tpu.memref_slice %arg3[%add3A_317] : memref<2097152xi32, #tpu.memory_space<hbm>> -> memref<2048xi32, #tpu.memory_space<hbm>>
      %dma_start3A_448 = tpu.memref_slice %arg3[%add3A_317] : memref<2097152xi32, #tpu.memory_space<hbm>> -> memref<2048xi32, #tpu.memory_space<hbm>>
      tpu.enqueue_dma source(%dma_start3A_448 : memref<2048xi32, #tpu.memory_space<hbm>>) target(%arg5 : memref<2048xi32, #tpu.memory_space<vmem>>) target_semaphore(%run_scoped3A : memref<!tpu.dma_semaphore, #tpu.memory_space<semaphore_mem>>)
      %dma_wait3A_449 = tpu.memref_slice %arg3[%add3A_317] : memref<2097152xi32, #tpu.memory_space<hbm>> -> memref<2048xi32, #tpu.memory_space<hbm>>
      %dma_wait3A_450 = tpu.memref_slice %arg3[%add3A_317] : memref<2097152xi32, #tpu.memory_space<hbm>> -> memref<2048xi32, #tpu.memory_space<hbm>>
      tpu.wait_dma2 semaphore(%run_scoped3A : memref<!tpu.dma_semaphore, #tpu.memory_space<semaphore_mem>>) src(%dma_wait3A_450 : memref<2048xi32, #tpu.memory_space<hbm>>) dst(%arg5 : memref<2048xi32, #tpu.memory_space<vmem>>)
      tpu.yield
    }) : () -> ()
    %dma_start3A_318 = arith.constant 0 : i32
    %dma_start3A_319 = arith.constant 0 : i32
    %dma_start3A_320 = tpu.memref_slice %arg2[%dma_start3A_318, %dma_start3A_319] : memref<2097152x8xf32, #tpu.memory_space<hbm>> -> memref<2097152x8xf32, #tpu.memory_space<hbm>>
    tpu.enqueue_indirect_dma source(%dma_start3A_320 : memref<2097152x8xf32, #tpu.memory_space<hbm>>) target(%arg9 : memref<2048x8xf32, #tpu.memory_space<vmem>>) offsets(%arg5 : memref<2048xi32, #tpu.memory_space<vmem>>) semaphore(%arg13 : memref<!tpu.dma_semaphore, #tpu.memory_space<semaphore_mem>>)
    %mul3A_321 = arith.constant 65536 : i32
    %mul3A_322 = arith.muli %add3A, %mul3A_321 : i32
    %add3A_323 = arith.constant 43008 : i32
    %add3A_324 = arith.addi %mul3A_322, %add3A_323 : i32
    %dma_wait3A_325 = arith.constant 0 : i32
    %dma_wait3A_326 = arith.constant 0 : i32
    %dma_wait3A_327 = tpu.memref_slice %arg2[%dma_wait3A_325, %dma_wait3A_326] : memref<2097152x8xf32, #tpu.memory_space<hbm>> -> memref<2097152x8xf32, #tpu.memory_space<hbm>>
    tpu.wait_indirect_dma semaphore(%arg14 : memref<!tpu.dma_semaphore, #tpu.memory_space<semaphore_mem>>) src(%dma_wait3A_327 : memref<2097152x8xf32, #tpu.memory_space<hbm>>) dst(%arg10 : memref<2048x8xf32, #tpu.memory_space<vmem>>)
    "tpu.region"() ({
      %run_scoped3A = tpu.sem_alloc : memref<!tpu.dma_semaphore, #tpu.memory_space<semaphore_mem>>
      %dma_start3A_447 = arith.constant 0 : i32
      %dma_start3A_448 = tpu.memref_slice %arg4[%add3A_324, %dma_start3A_447] : memref<2097152x8xf32, #tpu.memory_space<hbm>> -> memref<2048x8xf32, #tpu.memory_space<hbm>>
      %dma_start3A_449 = arith.constant 0 : i32
      %dma_start3A_450 = tpu.memref_slice %arg4[%add3A_324, %dma_start3A_449] : memref<2097152x8xf32, #tpu.memory_space<hbm>> -> memref<2048x8xf32, #tpu.memory_space<hbm>>
      tpu.enqueue_dma source(%arg10 : memref<2048x8xf32, #tpu.memory_space<vmem>>) target(%dma_start3A_450 : memref<2048x8xf32, #tpu.memory_space<hbm>>) target_semaphore(%run_scoped3A : memref<!tpu.dma_semaphore, #tpu.memory_space<semaphore_mem>>)
      %dma_wait3A_451 = arith.constant 0 : i32
      %dma_wait3A_452 = tpu.memref_slice %arg4[%add3A_324, %dma_wait3A_451] : memref<2097152x8xf32, #tpu.memory_space<hbm>> -> memref<2048x8xf32, #tpu.memory_space<hbm>>
      %dma_wait3A_453 = arith.constant 0 : i32
      %dma_wait3A_454 = tpu.memref_slice %arg4[%add3A_324, %dma_wait3A_453] : memref<2097152x8xf32, #tpu.memory_space<hbm>> -> memref<2048x8xf32, #tpu.memory_space<hbm>>
      tpu.wait_dma2 semaphore(%run_scoped3A : memref<!tpu.dma_semaphore, #tpu.memory_space<semaphore_mem>>) src(%arg10 : memref<2048x8xf32, #tpu.memory_space<vmem>>) dst(%dma_wait3A_454 : memref<2048x8xf32, #tpu.memory_space<hbm>>)
      tpu.yield
    }) : () -> ()
    %mul3A_328 = arith.constant 65536 : i32
    %mul3A_329 = arith.muli %add3A, %mul3A_328 : i32
    %add3A_330 = arith.constant 51200 : i32
    %add3A_331 = arith.addi %mul3A_329, %add3A_330 : i32
    "tpu.region"() ({
      %run_scoped3A = tpu.sem_alloc : memref<!tpu.dma_semaphore, #tpu.memory_space<semaphore_mem>>
      %dma_start3A_447 = tpu.memref_slice %arg3[%add3A_331] : memref<2097152xi32, #tpu.memory_space<hbm>> -> memref<2048xi32, #tpu.memory_space<hbm>>
      %dma_start3A_448 = tpu.memref_slice %arg3[%add3A_331] : memref<2097152xi32, #tpu.memory_space<hbm>> -> memref<2048xi32, #tpu.memory_space<hbm>>
      tpu.enqueue_dma source(%dma_start3A_448 : memref<2048xi32, #tpu.memory_space<hbm>>) target(%arg6 : memref<2048xi32, #tpu.memory_space<vmem>>) target_semaphore(%run_scoped3A : memref<!tpu.dma_semaphore, #tpu.memory_space<semaphore_mem>>)
      %dma_wait3A_449 = tpu.memref_slice %arg3[%add3A_331] : memref<2097152xi32, #tpu.memory_space<hbm>> -> memref<2048xi32, #tpu.memory_space<hbm>>
      %dma_wait3A_450 = tpu.memref_slice %arg3[%add3A_331] : memref<2097152xi32, #tpu.memory_space<hbm>> -> memref<2048xi32, #tpu.memory_space<hbm>>
      tpu.wait_dma2 semaphore(%run_scoped3A : memref<!tpu.dma_semaphore, #tpu.memory_space<semaphore_mem>>) src(%dma_wait3A_450 : memref<2048xi32, #tpu.memory_space<hbm>>) dst(%arg6 : memref<2048xi32, #tpu.memory_space<vmem>>)
      tpu.yield
    }) : () -> ()
    %dma_start3A_332 = arith.constant 0 : i32
    %dma_start3A_333 = arith.constant 0 : i32
    %dma_start3A_334 = tpu.memref_slice %arg2[%dma_start3A_332, %dma_start3A_333] : memref<2097152x8xf32, #tpu.memory_space<hbm>> -> memref<2097152x8xf32, #tpu.memory_space<hbm>>
    tpu.enqueue_indirect_dma source(%dma_start3A_334 : memref<2097152x8xf32, #tpu.memory_space<hbm>>) target(%arg10 : memref<2048x8xf32, #tpu.memory_space<vmem>>) offsets(%arg6 : memref<2048xi32, #tpu.memory_space<vmem>>) semaphore(%arg14 : memref<!tpu.dma_semaphore, #tpu.memory_space<semaphore_mem>>)
    %mul3A_335 = arith.constant 65536 : i32
    %mul3A_336 = arith.muli %add3A, %mul3A_335 : i32
    %add3A_337 = arith.constant 45056 : i32
    %add3A_338 = arith.addi %mul3A_336, %add3A_337 : i32
    %dma_wait3A_339 = arith.constant 0 : i32
    %dma_wait3A_340 = arith.constant 0 : i32
    %dma_wait3A_341 = tpu.memref_slice %arg2[%dma_wait3A_339, %dma_wait3A_340] : memref<2097152x8xf32, #tpu.memory_space<hbm>> -> memref<2097152x8xf32, #tpu.memory_space<hbm>>
    tpu.wait_indirect_dma semaphore(%arg15 : memref<!tpu.dma_semaphore, #tpu.memory_space<semaphore_mem>>) src(%dma_wait3A_341 : memref<2097152x8xf32, #tpu.memory_space<hbm>>) dst(%arg11 : memref<2048x8xf32, #tpu.memory_space<vmem>>)
    "tpu.region"() ({
      %run_scoped3A = tpu.sem_alloc : memref<!tpu.dma_semaphore, #tpu.memory_space<semaphore_mem>>
      %dma_start3A_447 = arith.constant 0 : i32
      %dma_start3A_448 = tpu.memref_slice %arg4[%add3A_338, %dma_start3A_447] : memref<2097152x8xf32, #tpu.memory_space<hbm>> -> memref<2048x8xf32, #tpu.memory_space<hbm>>
      %dma_start3A_449 = arith.constant 0 : i32
      %dma_start3A_450 = tpu.memref_slice %arg4[%add3A_338, %dma_start3A_449] : memref<2097152x8xf32, #tpu.memory_space<hbm>> -> memref<2048x8xf32, #tpu.memory_space<hbm>>
      tpu.enqueue_dma source(%arg11 : memref<2048x8xf32, #tpu.memory_space<vmem>>) target(%dma_start3A_450 : memref<2048x8xf32, #tpu.memory_space<hbm>>) target_semaphore(%run_scoped3A : memref<!tpu.dma_semaphore, #tpu.memory_space<semaphore_mem>>)
      %dma_wait3A_451 = arith.constant 0 : i32
      %dma_wait3A_452 = tpu.memref_slice %arg4[%add3A_338, %dma_wait3A_451] : memref<2097152x8xf32, #tpu.memory_space<hbm>> -> memref<2048x8xf32, #tpu.memory_space<hbm>>
      %dma_wait3A_453 = arith.constant 0 : i32
      %dma_wait3A_454 = tpu.memref_slice %arg4[%add3A_338, %dma_wait3A_453] : memref<2097152x8xf32, #tpu.memory_space<hbm>> -> memref<2048x8xf32, #tpu.memory_space<hbm>>
      tpu.wait_dma2 semaphore(%run_scoped3A : memref<!tpu.dma_semaphore, #tpu.memory_space<semaphore_mem>>) src(%arg11 : memref<2048x8xf32, #tpu.memory_space<vmem>>) dst(%dma_wait3A_454 : memref<2048x8xf32, #tpu.memory_space<hbm>>)
      tpu.yield
    }) : () -> ()
    %mul3A_342 = arith.constant 65536 : i32
    %mul3A_343 = arith.muli %add3A, %mul3A_342 : i32
    %add3A_344 = arith.constant 53248 : i32
    %add3A_345 = arith.addi %mul3A_343, %add3A_344 : i32
    "tpu.region"() ({
      %run_scoped3A = tpu.sem_alloc : memref<!tpu.dma_semaphore, #tpu.memory_space<semaphore_mem>>
      %dma_start3A_447 = tpu.memref_slice %arg3[%add3A_345] : memref<2097152xi32, #tpu.memory_space<hbm>> -> memref<2048xi32, #tpu.memory_space<hbm>>
      %dma_start3A_448 = tpu.memref_slice %arg3[%add3A_345] : memref<2097152xi32, #tpu.memory_space<hbm>> -> memref<2048xi32, #tpu.memory_space<hbm>>
      tpu.enqueue_dma source(%dma_start3A_448 : memref<2048xi32, #tpu.memory_space<hbm>>) target(%arg7 : memref<2048xi32, #tpu.memory_space<vmem>>) target_semaphore(%run_scoped3A : memref<!tpu.dma_semaphore, #tpu.memory_space<semaphore_mem>>)
      %dma_wait3A_449 = tpu.memref_slice %arg3[%add3A_345] : memref<2097152xi32, #tpu.memory_space<hbm>> -> memref<2048xi32, #tpu.memory_space<hbm>>
      %dma_wait3A_450 = tpu.memref_slice %arg3[%add3A_345] : memref<2097152xi32, #tpu.memory_space<hbm>> -> memref<2048xi32, #tpu.memory_space<hbm>>
      tpu.wait_dma2 semaphore(%run_scoped3A : memref<!tpu.dma_semaphore, #tpu.memory_space<semaphore_mem>>) src(%dma_wait3A_450 : memref<2048xi32, #tpu.memory_space<hbm>>) dst(%arg7 : memref<2048xi32, #tpu.memory_space<vmem>>)
      tpu.yield
    }) : () -> ()
    %dma_start3A_346 = arith.constant 0 : i32
    %dma_start3A_347 = arith.constant 0 : i32
    %dma_start3A_348 = tpu.memref_slice %arg2[%dma_start3A_346, %dma_start3A_347] : memref<2097152x8xf32, #tpu.memory_space<hbm>> -> memref<2097152x8xf32, #tpu.memory_space<hbm>>
    tpu.enqueue_indirect_dma source(%dma_start3A_348 : memref<2097152x8xf32, #tpu.memory_space<hbm>>) target(%arg11 : memref<2048x8xf32, #tpu.memory_space<vmem>>) offsets(%arg7 : memref<2048xi32, #tpu.memory_space<vmem>>) semaphore(%arg15 : memref<!tpu.dma_semaphore, #tpu.memory_space<semaphore_mem>>)
    %mul3A_349 = arith.constant 65536 : i32
    %mul3A_350 = arith.muli %add3A, %mul3A_349 : i32
    %add3A_351 = arith.constant 47104 : i32
    %add3A_352 = arith.addi %mul3A_350, %add3A_351 : i32
    %dma_wait3A_353 = arith.constant 0 : i32
    %dma_wait3A_354 = arith.constant 0 : i32
    %dma_wait3A_355 = tpu.memref_slice %arg2[%dma_wait3A_353, %dma_wait3A_354] : memref<2097152x8xf32, #tpu.memory_space<hbm>> -> memref<2097152x8xf32, #tpu.memory_space<hbm>>
    tpu.wait_indirect_dma semaphore(%arg16 : memref<!tpu.dma_semaphore, #tpu.memory_space<semaphore_mem>>) src(%dma_wait3A_355 : memref<2097152x8xf32, #tpu.memory_space<hbm>>) dst(%arg12 : memref<2048x8xf32, #tpu.memory_space<vmem>>)
    "tpu.region"() ({
      %run_scoped3A = tpu.sem_alloc : memref<!tpu.dma_semaphore, #tpu.memory_space<semaphore_mem>>
      %dma_start3A_447 = arith.constant 0 : i32
      %dma_start3A_448 = tpu.memref_slice %arg4[%add3A_352, %dma_start3A_447] : memref<2097152x8xf32, #tpu.memory_space<hbm>> -> memref<2048x8xf32, #tpu.memory_space<hbm>>
      %dma_start3A_449 = arith.constant 0 : i32
      %dma_start3A_450 = tpu.memref_slice %arg4[%add3A_352, %dma_start3A_449] : memref<2097152x8xf32, #tpu.memory_space<hbm>> -> memref<2048x8xf32, #tpu.memory_space<hbm>>
      tpu.enqueue_dma source(%arg12 : memref<2048x8xf32, #tpu.memory_space<vmem>>) target(%dma_start3A_450 : memref<2048x8xf32, #tpu.memory_space<hbm>>) target_semaphore(%run_scoped3A : memref<!tpu.dma_semaphore, #tpu.memory_space<semaphore_mem>>)
      %dma_wait3A_451 = arith.constant 0 : i32
      %dma_wait3A_452 = tpu.memref_slice %arg4[%add3A_352, %dma_wait3A_451] : memref<2097152x8xf32, #tpu.memory_space<hbm>> -> memref<2048x8xf32, #tpu.memory_space<hbm>>
      %dma_wait3A_453 = arith.constant 0 : i32
      %dma_wait3A_454 = tpu.memref_slice %arg4[%add3A_352, %dma_wait3A_453] : memref<2097152x8xf32, #tpu.memory_space<hbm>> -> memref<2048x8xf32, #tpu.memory_space<hbm>>
      tpu.wait_dma2 semaphore(%run_scoped3A : memref<!tpu.dma_semaphore, #tpu.memory_space<semaphore_mem>>) src(%arg12 : memref<2048x8xf32, #tpu.memory_space<vmem>>) dst(%dma_wait3A_454 : memref<2048x8xf32, #tpu.memory_space<hbm>>)
      tpu.yield
    }) : () -> ()
    %mul3A_356 = arith.constant 65536 : i32
    %mul3A_357 = arith.muli %add3A, %mul3A_356 : i32
    %add3A_358 = arith.constant 55296 : i32
    %add3A_359 = arith.addi %mul3A_357, %add3A_358 : i32
    "tpu.region"() ({
      %run_scoped3A = tpu.sem_alloc : memref<!tpu.dma_semaphore, #tpu.memory_space<semaphore_mem>>
      %dma_start3A_447 = tpu.memref_slice %arg3[%add3A_359] : memref<2097152xi32, #tpu.memory_space<hbm>> -> memref<2048xi32, #tpu.memory_space<hbm>>
      %dma_start3A_448 = tpu.memref_slice %arg3[%add3A_359] : memref<2097152xi32, #tpu.memory_space<hbm>> -> memref<2048xi32, #tpu.memory_space<hbm>>
      tpu.enqueue_dma source(%dma_start3A_448 : memref<2048xi32, #tpu.memory_space<hbm>>) target(%arg8 : memref<2048xi32, #tpu.memory_space<vmem>>) target_semaphore(%run_scoped3A : memref<!tpu.dma_semaphore, #tpu.memory_space<semaphore_mem>>)
      %dma_wait3A_449 = tpu.memref_slice %arg3[%add3A_359] : memref<2097152xi32, #tpu.memory_space<hbm>> -> memref<2048xi32, #tpu.memory_space<hbm>>
      %dma_wait3A_450 = tpu.memref_slice %arg3[%add3A_359] : memref<2097152xi32, #tpu.memory_space<hbm>> -> memref<2048xi32, #tpu.memory_space<hbm>>
      tpu.wait_dma2 semaphore(%run_scoped3A : memref<!tpu.dma_semaphore, #tpu.memory_space<semaphore_mem>>) src(%dma_wait3A_450 : memref<2048xi32, #tpu.memory_space<hbm>>) dst(%arg8 : memref<2048xi32, #tpu.memory_space<vmem>>)
      tpu.yield
    }) : () -> ()
    %dma_start3A_360 = arith.constant 0 : i32
    %dma_start3A_361 = arith.constant 0 : i32
    %dma_start3A_362 = tpu.memref_slice %arg2[%dma_start3A_360, %dma_start3A_361] : memref<2097152x8xf32, #tpu.memory_space<hbm>> -> memref<2097152x8xf32, #tpu.memory_space<hbm>>
    tpu.enqueue_indirect_dma source(%dma_start3A_362 : memref<2097152x8xf32, #tpu.memory_space<hbm>>) target(%arg12 : memref<2048x8xf32, #tpu.memory_space<vmem>>) offsets(%arg8 : memref<2048xi32, #tpu.memory_space<vmem>>) semaphore(%arg16 : memref<!tpu.dma_semaphore, #tpu.memory_space<semaphore_mem>>)
    %mul3A_363 = arith.constant 65536 : i32
    %mul3A_364 = arith.muli %add3A, %mul3A_363 : i32
    %add3A_365 = arith.constant 49152 : i32
    %add3A_366 = arith.addi %mul3A_364, %add3A_365 : i32
    %dma_wait3A_367 = arith.constant 0 : i32
    %dma_wait3A_368 = arith.constant 0 : i32
    %dma_wait3A_369 = tpu.memref_slice %arg2[%dma_wait3A_367, %dma_wait3A_368] : memref<2097152x8xf32, #tpu.memory_space<hbm>> -> memref<2097152x8xf32, #tpu.memory_space<hbm>>
    tpu.wait_indirect_dma semaphore(%arg13 : memref<!tpu.dma_semaphore, #tpu.memory_space<semaphore_mem>>) src(%dma_wait3A_369 : memref<2097152x8xf32, #tpu.memory_space<hbm>>) dst(%arg9 : memref<2048x8xf32, #tpu.memory_space<vmem>>)
    "tpu.region"() ({
      %run_scoped3A = tpu.sem_alloc : memref<!tpu.dma_semaphore, #tpu.memory_space<semaphore_mem>>
      %dma_start3A_447 = arith.constant 0 : i32
      %dma_start3A_448 = tpu.memref_slice %arg4[%add3A_366, %dma_start3A_447] : memref<2097152x8xf32, #tpu.memory_space<hbm>> -> memref<2048x8xf32, #tpu.memory_space<hbm>>
      %dma_start3A_449 = arith.constant 0 : i32
      %dma_start3A_450 = tpu.memref_slice %arg4[%add3A_366, %dma_start3A_449] : memref<2097152x8xf32, #tpu.memory_space<hbm>> -> memref<2048x8xf32, #tpu.memory_space<hbm>>
      tpu.enqueue_dma source(%arg9 : memref<2048x8xf32, #tpu.memory_space<vmem>>) target(%dma_start3A_450 : memref<2048x8xf32, #tpu.memory_space<hbm>>) target_semaphore(%run_scoped3A : memref<!tpu.dma_semaphore, #tpu.memory_space<semaphore_mem>>)
      %dma_wait3A_451 = arith.constant 0 : i32
      %dma_wait3A_452 = tpu.memref_slice %arg4[%add3A_366, %dma_wait3A_451] : memref<2097152x8xf32, #tpu.memory_space<hbm>> -> memref<2048x8xf32, #tpu.memory_space<hbm>>
      %dma_wait3A_453 = arith.constant 0 : i32
      %dma_wait3A_454 = tpu.memref_slice %arg4[%add3A_366, %dma_wait3A_453] : memref<2097152x8xf32, #tpu.memory_space<hbm>> -> memref<2048x8xf32, #tpu.memory_space<hbm>>
      tpu.wait_dma2 semaphore(%run_scoped3A : memref<!tpu.dma_semaphore, #tpu.memory_space<semaphore_mem>>) src(%arg9 : memref<2048x8xf32, #tpu.memory_space<vmem>>) dst(%dma_wait3A_454 : memref<2048x8xf32, #tpu.memory_space<hbm>>)
      tpu.yield
    }) : () -> ()
    %mul3A_370 = arith.constant 65536 : i32
    %mul3A_371 = arith.muli %add3A, %mul3A_370 : i32
    %add3A_372 = arith.constant 57344 : i32
    %add3A_373 = arith.addi %mul3A_371, %add3A_372 : i32
    "tpu.region"() ({
      %run_scoped3A = tpu.sem_alloc : memref<!tpu.dma_semaphore, #tpu.memory_space<semaphore_mem>>
      %dma_start3A_447 = tpu.memref_slice %arg3[%add3A_373] : memref<2097152xi32, #tpu.memory_space<hbm>> -> memref<2048xi32, #tpu.memory_space<hbm>>
      %dma_start3A_448 = tpu.memref_slice %arg3[%add3A_373] : memref<2097152xi32, #tpu.memory_space<hbm>> -> memref<2048xi32, #tpu.memory_space<hbm>>
      tpu.enqueue_dma source(%dma_start3A_448 : memref<2048xi32, #tpu.memory_space<hbm>>) target(%arg5 : memref<2048xi32, #tpu.memory_space<vmem>>) target_semaphore(%run_scoped3A : memref<!tpu.dma_semaphore, #tpu.memory_space<semaphore_mem>>)
      %dma_wait3A_449 = tpu.memref_slice %arg3[%add3A_373] : memref<2097152xi32, #tpu.memory_space<hbm>> -> memref<2048xi32, #tpu.memory_space<hbm>>
      %dma_wait3A_450 = tpu.memref_slice %arg3[%add3A_373] : memref<2097152xi32, #tpu.memory_space<hbm>> -> memref<2048xi32, #tpu.memory_space<hbm>>
      tpu.wait_dma2 semaphore(%run_scoped3A : memref<!tpu.dma_semaphore, #tpu.memory_space<semaphore_mem>>) src(%dma_wait3A_450 : memref<2048xi32, #tpu.memory_space<hbm>>) dst(%arg5 : memref<2048xi32, #tpu.memory_space<vmem>>)
      tpu.yield
    }) : () -> ()
    %dma_start3A_374 = arith.constant 0 : i32
    %dma_start3A_375 = arith.constant 0 : i32
    %dma_start3A_376 = tpu.memref_slice %arg2[%dma_start3A_374, %dma_start3A_375] : memref<2097152x8xf32, #tpu.memory_space<hbm>> -> memref<2097152x8xf32, #tpu.memory_space<hbm>>
    tpu.enqueue_indirect_dma source(%dma_start3A_376 : memref<2097152x8xf32, #tpu.memory_space<hbm>>) target(%arg9 : memref<2048x8xf32, #tpu.memory_space<vmem>>) offsets(%arg5 : memref<2048xi32, #tpu.memory_space<vmem>>) semaphore(%arg13 : memref<!tpu.dma_semaphore, #tpu.memory_space<semaphore_mem>>)
    %mul3A_377 = arith.constant 65536 : i32
    %mul3A_378 = arith.muli %add3A, %mul3A_377 : i32
    %add3A_379 = arith.constant 51200 : i32
    %add3A_380 = arith.addi %mul3A_378, %add3A_379 : i32
    %dma_wait3A_381 = arith.constant 0 : i32
    %dma_wait3A_382 = arith.constant 0 : i32
    %dma_wait3A_383 = tpu.memref_slice %arg2[%dma_wait3A_381, %dma_wait3A_382] : memref<2097152x8xf32, #tpu.memory_space<hbm>> -> memref<2097152x8xf32, #tpu.memory_space<hbm>>
    tpu.wait_indirect_dma semaphore(%arg14 : memref<!tpu.dma_semaphore, #tpu.memory_space<semaphore_mem>>) src(%dma_wait3A_383 : memref<2097152x8xf32, #tpu.memory_space<hbm>>) dst(%arg10 : memref<2048x8xf32, #tpu.memory_space<vmem>>)
    "tpu.region"() ({
      %run_scoped3A = tpu.sem_alloc : memref<!tpu.dma_semaphore, #tpu.memory_space<semaphore_mem>>
      %dma_start3A_447 = arith.constant 0 : i32
      %dma_start3A_448 = tpu.memref_slice %arg4[%add3A_380, %dma_start3A_447] : memref<2097152x8xf32, #tpu.memory_space<hbm>> -> memref<2048x8xf32, #tpu.memory_space<hbm>>
      %dma_start3A_449 = arith.constant 0 : i32
      %dma_start3A_450 = tpu.memref_slice %arg4[%add3A_380, %dma_start3A_449] : memref<2097152x8xf32, #tpu.memory_space<hbm>> -> memref<2048x8xf32, #tpu.memory_space<hbm>>
      tpu.enqueue_dma source(%arg10 : memref<2048x8xf32, #tpu.memory_space<vmem>>) target(%dma_start3A_450 : memref<2048x8xf32, #tpu.memory_space<hbm>>) target_semaphore(%run_scoped3A : memref<!tpu.dma_semaphore, #tpu.memory_space<semaphore_mem>>)
      %dma_wait3A_451 = arith.constant 0 : i32
      %dma_wait3A_452 = tpu.memref_slice %arg4[%add3A_380, %dma_wait3A_451] : memref<2097152x8xf32, #tpu.memory_space<hbm>> -> memref<2048x8xf32, #tpu.memory_space<hbm>>
      %dma_wait3A_453 = arith.constant 0 : i32
      %dma_wait3A_454 = tpu.memref_slice %arg4[%add3A_380, %dma_wait3A_453] : memref<2097152x8xf32, #tpu.memory_space<hbm>> -> memref<2048x8xf32, #tpu.memory_space<hbm>>
      tpu.wait_dma2 semaphore(%run_scoped3A : memref<!tpu.dma_semaphore, #tpu.memory_space<semaphore_mem>>) src(%arg10 : memref<2048x8xf32, #tpu.memory_space<vmem>>) dst(%dma_wait3A_454 : memref<2048x8xf32, #tpu.memory_space<hbm>>)
      tpu.yield
    }) : () -> ()
    %mul3A_384 = arith.constant 65536 : i32
    %mul3A_385 = arith.muli %add3A, %mul3A_384 : i32
    %add3A_386 = arith.constant 59392 : i32
    %add3A_387 = arith.addi %mul3A_385, %add3A_386 : i32
    "tpu.region"() ({
      %run_scoped3A = tpu.sem_alloc : memref<!tpu.dma_semaphore, #tpu.memory_space<semaphore_mem>>
      %dma_start3A_447 = tpu.memref_slice %arg3[%add3A_387] : memref<2097152xi32, #tpu.memory_space<hbm>> -> memref<2048xi32, #tpu.memory_space<hbm>>
      %dma_start3A_448 = tpu.memref_slice %arg3[%add3A_387] : memref<2097152xi32, #tpu.memory_space<hbm>> -> memref<2048xi32, #tpu.memory_space<hbm>>
      tpu.enqueue_dma source(%dma_start3A_448 : memref<2048xi32, #tpu.memory_space<hbm>>) target(%arg6 : memref<2048xi32, #tpu.memory_space<vmem>>) target_semaphore(%run_scoped3A : memref<!tpu.dma_semaphore, #tpu.memory_space<semaphore_mem>>)
      %dma_wait3A_449 = tpu.memref_slice %arg3[%add3A_387] : memref<2097152xi32, #tpu.memory_space<hbm>> -> memref<2048xi32, #tpu.memory_space<hbm>>
      %dma_wait3A_450 = tpu.memref_slice %arg3[%add3A_387] : memref<2097152xi32, #tpu.memory_space<hbm>> -> memref<2048xi32, #tpu.memory_space<hbm>>
      tpu.wait_dma2 semaphore(%run_scoped3A : memref<!tpu.dma_semaphore, #tpu.memory_space<semaphore_mem>>) src(%dma_wait3A_450 : memref<2048xi32, #tpu.memory_space<hbm>>) dst(%arg6 : memref<2048xi32, #tpu.memory_space<vmem>>)
      tpu.yield
    }) : () -> ()
    %dma_start3A_388 = arith.constant 0 : i32
    %dma_start3A_389 = arith.constant 0 : i32
    %dma_start3A_390 = tpu.memref_slice %arg2[%dma_start3A_388, %dma_start3A_389] : memref<2097152x8xf32, #tpu.memory_space<hbm>> -> memref<2097152x8xf32, #tpu.memory_space<hbm>>
    tpu.enqueue_indirect_dma source(%dma_start3A_390 : memref<2097152x8xf32, #tpu.memory_space<hbm>>) target(%arg10 : memref<2048x8xf32, #tpu.memory_space<vmem>>) offsets(%arg6 : memref<2048xi32, #tpu.memory_space<vmem>>) semaphore(%arg14 : memref<!tpu.dma_semaphore, #tpu.memory_space<semaphore_mem>>)
    %mul3A_391 = arith.constant 65536 : i32
    %mul3A_392 = arith.muli %add3A, %mul3A_391 : i32
    %add3A_393 = arith.constant 53248 : i32
    %add3A_394 = arith.addi %mul3A_392, %add3A_393 : i32
    %dma_wait3A_395 = arith.constant 0 : i32
    %dma_wait3A_396 = arith.constant 0 : i32
    %dma_wait3A_397 = tpu.memref_slice %arg2[%dma_wait3A_395, %dma_wait3A_396] : memref<2097152x8xf32, #tpu.memory_space<hbm>> -> memref<2097152x8xf32, #tpu.memory_space<hbm>>
    tpu.wait_indirect_dma semaphore(%arg15 : memref<!tpu.dma_semaphore, #tpu.memory_space<semaphore_mem>>) src(%dma_wait3A_397 : memref<2097152x8xf32, #tpu.memory_space<hbm>>) dst(%arg11 : memref<2048x8xf32, #tpu.memory_space<vmem>>)
    "tpu.region"() ({
      %run_scoped3A = tpu.sem_alloc : memref<!tpu.dma_semaphore, #tpu.memory_space<semaphore_mem>>
      %dma_start3A_447 = arith.constant 0 : i32
      %dma_start3A_448 = tpu.memref_slice %arg4[%add3A_394, %dma_start3A_447] : memref<2097152x8xf32, #tpu.memory_space<hbm>> -> memref<2048x8xf32, #tpu.memory_space<hbm>>
      %dma_start3A_449 = arith.constant 0 : i32
      %dma_start3A_450 = tpu.memref_slice %arg4[%add3A_394, %dma_start3A_449] : memref<2097152x8xf32, #tpu.memory_space<hbm>> -> memref<2048x8xf32, #tpu.memory_space<hbm>>
      tpu.enqueue_dma source(%arg11 : memref<2048x8xf32, #tpu.memory_space<vmem>>) target(%dma_start3A_450 : memref<2048x8xf32, #tpu.memory_space<hbm>>) target_semaphore(%run_scoped3A : memref<!tpu.dma_semaphore, #tpu.memory_space<semaphore_mem>>)
      %dma_wait3A_451 = arith.constant 0 : i32
      %dma_wait3A_452 = tpu.memref_slice %arg4[%add3A_394, %dma_wait3A_451] : memref<2097152x8xf32, #tpu.memory_space<hbm>> -> memref<2048x8xf32, #tpu.memory_space<hbm>>
      %dma_wait3A_453 = arith.constant 0 : i32
      %dma_wait3A_454 = tpu.memref_slice %arg4[%add3A_394, %dma_wait3A_453] : memref<2097152x8xf32, #tpu.memory_space<hbm>> -> memref<2048x8xf32, #tpu.memory_space<hbm>>
      tpu.wait_dma2 semaphore(%run_scoped3A : memref<!tpu.dma_semaphore, #tpu.memory_space<semaphore_mem>>) src(%arg11 : memref<2048x8xf32, #tpu.memory_space<vmem>>) dst(%dma_wait3A_454 : memref<2048x8xf32, #tpu.memory_space<hbm>>)
      tpu.yield
    }) : () -> ()
    %mul3A_398 = arith.constant 65536 : i32
    %mul3A_399 = arith.muli %add3A, %mul3A_398 : i32
    %add3A_400 = arith.constant 61440 : i32
    %add3A_401 = arith.addi %mul3A_399, %add3A_400 : i32
    "tpu.region"() ({
      %run_scoped3A = tpu.sem_alloc : memref<!tpu.dma_semaphore, #tpu.memory_space<semaphore_mem>>
      %dma_start3A_447 = tpu.memref_slice %arg3[%add3A_401] : memref<2097152xi32, #tpu.memory_space<hbm>> -> memref<2048xi32, #tpu.memory_space<hbm>>
      %dma_start3A_448 = tpu.memref_slice %arg3[%add3A_401] : memref<2097152xi32, #tpu.memory_space<hbm>> -> memref<2048xi32, #tpu.memory_space<hbm>>
      tpu.enqueue_dma source(%dma_start3A_448 : memref<2048xi32, #tpu.memory_space<hbm>>) target(%arg7 : memref<2048xi32, #tpu.memory_space<vmem>>) target_semaphore(%run_scoped3A : memref<!tpu.dma_semaphore, #tpu.memory_space<semaphore_mem>>)
      %dma_wait3A_449 = tpu.memref_slice %arg3[%add3A_401] : memref<2097152xi32, #tpu.memory_space<hbm>> -> memref<2048xi32, #tpu.memory_space<hbm>>
      %dma_wait3A_450 = tpu.memref_slice %arg3[%add3A_401] : memref<2097152xi32, #tpu.memory_space<hbm>> -> memref<2048xi32, #tpu.memory_space<hbm>>
      tpu.wait_dma2 semaphore(%run_scoped3A : memref<!tpu.dma_semaphore, #tpu.memory_space<semaphore_mem>>) src(%dma_wait3A_450 : memref<2048xi32, #tpu.memory_space<hbm>>) dst(%arg7 : memref<2048xi32, #tpu.memory_space<vmem>>)
      tpu.yield
    }) : () -> ()
    %dma_start3A_402 = arith.constant 0 : i32
    %dma_start3A_403 = arith.constant 0 : i32
    %dma_start3A_404 = tpu.memref_slice %arg2[%dma_start3A_402, %dma_start3A_403] : memref<2097152x8xf32, #tpu.memory_space<hbm>> -> memref<2097152x8xf32, #tpu.memory_space<hbm>>
    tpu.enqueue_indirect_dma source(%dma_start3A_404 : memref<2097152x8xf32, #tpu.memory_space<hbm>>) target(%arg11 : memref<2048x8xf32, #tpu.memory_space<vmem>>) offsets(%arg7 : memref<2048xi32, #tpu.memory_space<vmem>>) semaphore(%arg15 : memref<!tpu.dma_semaphore, #tpu.memory_space<semaphore_mem>>)
    %mul3A_405 = arith.constant 65536 : i32
    %mul3A_406 = arith.muli %add3A, %mul3A_405 : i32
    %add3A_407 = arith.constant 55296 : i32
    %add3A_408 = arith.addi %mul3A_406, %add3A_407 : i32
    %dma_wait3A_409 = arith.constant 0 : i32
    %dma_wait3A_410 = arith.constant 0 : i32
    %dma_wait3A_411 = tpu.memref_slice %arg2[%dma_wait3A_409, %dma_wait3A_410] : memref<2097152x8xf32, #tpu.memory_space<hbm>> -> memref<2097152x8xf32, #tpu.memory_space<hbm>>
    tpu.wait_indirect_dma semaphore(%arg16 : memref<!tpu.dma_semaphore, #tpu.memory_space<semaphore_mem>>) src(%dma_wait3A_411 : memref<2097152x8xf32, #tpu.memory_space<hbm>>) dst(%arg12 : memref<2048x8xf32, #tpu.memory_space<vmem>>)
    "tpu.region"() ({
      %run_scoped3A = tpu.sem_alloc : memref<!tpu.dma_semaphore, #tpu.memory_space<semaphore_mem>>
      %dma_start3A_447 = arith.constant 0 : i32
      %dma_start3A_448 = tpu.memref_slice %arg4[%add3A_408, %dma_start3A_447] : memref<2097152x8xf32, #tpu.memory_space<hbm>> -> memref<2048x8xf32, #tpu.memory_space<hbm>>
      %dma_start3A_449 = arith.constant 0 : i32
      %dma_start3A_450 = tpu.memref_slice %arg4[%add3A_408, %dma_start3A_449] : memref<2097152x8xf32, #tpu.memory_space<hbm>> -> memref<2048x8xf32, #tpu.memory_space<hbm>>
      tpu.enqueue_dma source(%arg12 : memref<2048x8xf32, #tpu.memory_space<vmem>>) target(%dma_start3A_450 : memref<2048x8xf32, #tpu.memory_space<hbm>>) target_semaphore(%run_scoped3A : memref<!tpu.dma_semaphore, #tpu.memory_space<semaphore_mem>>)
      %dma_wait3A_451 = arith.constant 0 : i32
      %dma_wait3A_452 = tpu.memref_slice %arg4[%add3A_408, %dma_wait3A_451] : memref<2097152x8xf32, #tpu.memory_space<hbm>> -> memref<2048x8xf32, #tpu.memory_space<hbm>>
      %dma_wait3A_453 = arith.constant 0 : i32
      %dma_wait3A_454 = tpu.memref_slice %arg4[%add3A_408, %dma_wait3A_453] : memref<2097152x8xf32, #tpu.memory_space<hbm>> -> memref<2048x8xf32, #tpu.memory_space<hbm>>
      tpu.wait_dma2 semaphore(%run_scoped3A : memref<!tpu.dma_semaphore, #tpu.memory_space<semaphore_mem>>) src(%arg12 : memref<2048x8xf32, #tpu.memory_space<vmem>>) dst(%dma_wait3A_454 : memref<2048x8xf32, #tpu.memory_space<hbm>>)
      tpu.yield
    }) : () -> ()
    %mul3A_412 = arith.constant 65536 : i32
    %mul3A_413 = arith.muli %add3A, %mul3A_412 : i32
    %add3A_414 = arith.constant 63488 : i32
    %add3A_415 = arith.addi %mul3A_413, %add3A_414 : i32
    "tpu.region"() ({
      %run_scoped3A = tpu.sem_alloc : memref<!tpu.dma_semaphore, #tpu.memory_space<semaphore_mem>>
      %dma_start3A_447 = tpu.memref_slice %arg3[%add3A_415] : memref<2097152xi32, #tpu.memory_space<hbm>> -> memref<2048xi32, #tpu.memory_space<hbm>>
      %dma_start3A_448 = tpu.memref_slice %arg3[%add3A_415] : memref<2097152xi32, #tpu.memory_space<hbm>> -> memref<2048xi32, #tpu.memory_space<hbm>>
      tpu.enqueue_dma source(%dma_start3A_448 : memref<2048xi32, #tpu.memory_space<hbm>>) target(%arg8 : memref<2048xi32, #tpu.memory_space<vmem>>) target_semaphore(%run_scoped3A : memref<!tpu.dma_semaphore, #tpu.memory_space<semaphore_mem>>)
      %dma_wait3A_449 = tpu.memref_slice %arg3[%add3A_415] : memref<2097152xi32, #tpu.memory_space<hbm>> -> memref<2048xi32, #tpu.memory_space<hbm>>
      %dma_wait3A_450 = tpu.memref_slice %arg3[%add3A_415] : memref<2097152xi32, #tpu.memory_space<hbm>> -> memref<2048xi32, #tpu.memory_space<hbm>>
      tpu.wait_dma2 semaphore(%run_scoped3A : memref<!tpu.dma_semaphore, #tpu.memory_space<semaphore_mem>>) src(%dma_wait3A_450 : memref<2048xi32, #tpu.memory_space<hbm>>) dst(%arg8 : memref<2048xi32, #tpu.memory_space<vmem>>)
      tpu.yield
    }) : () -> ()
    %dma_start3A_416 = arith.constant 0 : i32
    %dma_start3A_417 = arith.constant 0 : i32
    %dma_start3A_418 = tpu.memref_slice %arg2[%dma_start3A_416, %dma_start3A_417] : memref<2097152x8xf32, #tpu.memory_space<hbm>> -> memref<2097152x8xf32, #tpu.memory_space<hbm>>
    tpu.enqueue_indirect_dma source(%dma_start3A_418 : memref<2097152x8xf32, #tpu.memory_space<hbm>>) target(%arg12 : memref<2048x8xf32, #tpu.memory_space<vmem>>) offsets(%arg8 : memref<2048xi32, #tpu.memory_space<vmem>>) semaphore(%arg16 : memref<!tpu.dma_semaphore, #tpu.memory_space<semaphore_mem>>)
    %mul3A_419 = arith.constant 65536 : i32
    %mul3A_420 = arith.muli %add3A, %mul3A_419 : i32
    %add3A_421 = arith.constant 57344 : i32
    %add3A_422 = arith.addi %mul3A_420, %add3A_421 : i32
    %dma_wait3A_423 = arith.constant 0 : i32
    %dma_wait3A_424 = arith.constant 0 : i32
    %dma_wait3A_425 = tpu.memref_slice %arg2[%dma_wait3A_423, %dma_wait3A_424] : memref<2097152x8xf32, #tpu.memory_space<hbm>> -> memref<2097152x8xf32, #tpu.memory_space<hbm>>
    tpu.wait_indirect_dma semaphore(%arg13 : memref<!tpu.dma_semaphore, #tpu.memory_space<semaphore_mem>>) src(%dma_wait3A_425 : memref<2097152x8xf32, #tpu.memory_space<hbm>>) dst(%arg9 : memref<2048x8xf32, #tpu.memory_space<vmem>>)
    "tpu.region"() ({
      %run_scoped3A = tpu.sem_alloc : memref<!tpu.dma_semaphore, #tpu.memory_space<semaphore_mem>>
      %dma_start3A_447 = arith.constant 0 : i32
      %dma_start3A_448 = tpu.memref_slice %arg4[%add3A_422, %dma_start3A_447] : memref<2097152x8xf32, #tpu.memory_space<hbm>> -> memref<2048x8xf32, #tpu.memory_space<hbm>>
      %dma_start3A_449 = arith.constant 0 : i32
      %dma_start3A_450 = tpu.memref_slice %arg4[%add3A_422, %dma_start3A_449] : memref<2097152x8xf32, #tpu.memory_space<hbm>> -> memref<2048x8xf32, #tpu.memory_space<hbm>>
      tpu.enqueue_dma source(%arg9 : memref<2048x8xf32, #tpu.memory_space<vmem>>) target(%dma_start3A_450 : memref<2048x8xf32, #tpu.memory_space<hbm>>) target_semaphore(%run_scoped3A : memref<!tpu.dma_semaphore, #tpu.memory_space<semaphore_mem>>)
      %dma_wait3A_451 = arith.constant 0 : i32
      %dma_wait3A_452 = tpu.memref_slice %arg4[%add3A_422, %dma_wait3A_451] : memref<2097152x8xf32, #tpu.memory_space<hbm>> -> memref<2048x8xf32, #tpu.memory_space<hbm>>
      %dma_wait3A_453 = arith.constant 0 : i32
      %dma_wait3A_454 = tpu.memref_slice %arg4[%add3A_422, %dma_wait3A_453] : memref<2097152x8xf32, #tpu.memory_space<hbm>> -> memref<2048x8xf32, #tpu.memory_space<hbm>>
      tpu.wait_dma2 semaphore(%run_scoped3A : memref<!tpu.dma_semaphore, #tpu.memory_space<semaphore_mem>>) src(%arg9 : memref<2048x8xf32, #tpu.memory_space<vmem>>) dst(%dma_wait3A_454 : memref<2048x8xf32, #tpu.memory_space<hbm>>)
      tpu.yield
    }) : () -> ()
    %mul3A_426 = arith.constant 65536 : i32
    %mul3A_427 = arith.muli %add3A, %mul3A_426 : i32
    %add3A_428 = arith.constant 59392 : i32
    %add3A_429 = arith.addi %mul3A_427, %add3A_428 : i32
    %dma_wait3A_430 = arith.constant 0 : i32
    %dma_wait3A_431 = arith.constant 0 : i32
    %dma_wait3A_432 = tpu.memref_slice %arg2[%dma_wait3A_430, %dma_wait3A_431] : memref<2097152x8xf32, #tpu.memory_space<hbm>> -> memref<2097152x8xf32, #tpu.memory_space<hbm>>
    tpu.wait_indirect_dma semaphore(%arg14 : memref<!tpu.dma_semaphore, #tpu.memory_space<semaphore_mem>>) src(%dma_wait3A_432 : memref<2097152x8xf32, #tpu.memory_space<hbm>>) dst(%arg10 : memref<2048x8xf32, #tpu.memory_space<vmem>>)
    "tpu.region"() ({
      %run_scoped3A = tpu.sem_alloc : memref<!tpu.dma_semaphore, #tpu.memory_space<semaphore_mem>>
      %dma_start3A_447 = arith.constant 0 : i32
      %dma_start3A_448 = tpu.memref_slice %arg4[%add3A_429, %dma_start3A_447] : memref<2097152x8xf32, #tpu.memory_space<hbm>> -> memref<2048x8xf32, #tpu.memory_space<hbm>>
      %dma_start3A_449 = arith.constant 0 : i32
      %dma_start3A_450 = tpu.memref_slice %arg4[%add3A_429, %dma_start3A_449] : memref<2097152x8xf32, #tpu.memory_space<hbm>> -> memref<2048x8xf32, #tpu.memory_space<hbm>>
      tpu.enqueue_dma source(%arg10 : memref<2048x8xf32, #tpu.memory_space<vmem>>) target(%dma_start3A_450 : memref<2048x8xf32, #tpu.memory_space<hbm>>) target_semaphore(%run_scoped3A : memref<!tpu.dma_semaphore, #tpu.memory_space<semaphore_mem>>)
      %dma_wait3A_451 = arith.constant 0 : i32
      %dma_wait3A_452 = tpu.memref_slice %arg4[%add3A_429, %dma_wait3A_451] : memref<2097152x8xf32, #tpu.memory_space<hbm>> -> memref<2048x8xf32, #tpu.memory_space<hbm>>
      %dma_wait3A_453 = arith.constant 0 : i32
      %dma_wait3A_454 = tpu.memref_slice %arg4[%add3A_429, %dma_wait3A_453] : memref<2097152x8xf32, #tpu.memory_space<hbm>> -> memref<2048x8xf32, #tpu.memory_space<hbm>>
      tpu.wait_dma2 semaphore(%run_scoped3A : memref<!tpu.dma_semaphore, #tpu.memory_space<semaphore_mem>>) src(%arg10 : memref<2048x8xf32, #tpu.memory_space<vmem>>) dst(%dma_wait3A_454 : memref<2048x8xf32, #tpu.memory_space<hbm>>)
      tpu.yield
    }) : () -> ()
    %mul3A_433 = arith.constant 65536 : i32
    %mul3A_434 = arith.muli %add3A, %mul3A_433 : i32
    %add3A_435 = arith.constant 61440 : i32
    %add3A_436 = arith.addi %mul3A_434, %add3A_435 : i32
    %dma_wait3A_437 = arith.constant 0 : i32
    %dma_wait3A_438 = arith.constant 0 : i32
    %dma_wait3A_439 = tpu.memref_slice %arg2[%dma_wait3A_437, %dma_wait3A_438] : memref<2097152x8xf32, #tpu.memory_space<hbm>> -> memref<2097152x8xf32, #tpu.memory_space<hbm>>
    tpu.wait_indirect_dma semaphore(%arg15 : memref<!tpu.dma_semaphore, #tpu.memory_space<semaphore_mem>>) src(%dma_wait3A_439 : memref<2097152x8xf32, #tpu.memory_space<hbm>>) dst(%arg11 : memref<2048x8xf32, #tpu.memory_space<vmem>>)
    "tpu.region"() ({
      %run_scoped3A = tpu.sem_alloc : memref<!tpu.dma_semaphore, #tpu.memory_space<semaphore_mem>>
      %dma_start3A_447 = arith.constant 0 : i32
      %dma_start3A_448 = tpu.memref_slice %arg4[%add3A_436, %dma_start3A_447] : memref<2097152x8xf32, #tpu.memory_space<hbm>> -> memref<2048x8xf32, #tpu.memory_space<hbm>>
      %dma_start3A_449 = arith.constant 0 : i32
      %dma_start3A_450 = tpu.memref_slice %arg4[%add3A_436, %dma_start3A_449] : memref<2097152x8xf32, #tpu.memory_space<hbm>> -> memref<2048x8xf32, #tpu.memory_space<hbm>>
      tpu.enqueue_dma source(%arg11 : memref<2048x8xf32, #tpu.memory_space<vmem>>) target(%dma_start3A_450 : memref<2048x8xf32, #tpu.memory_space<hbm>>) target_semaphore(%run_scoped3A : memref<!tpu.dma_semaphore, #tpu.memory_space<semaphore_mem>>)
      %dma_wait3A_451 = arith.constant 0 : i32
      %dma_wait3A_452 = tpu.memref_slice %arg4[%add3A_436, %dma_wait3A_451] : memref<2097152x8xf32, #tpu.memory_space<hbm>> -> memref<2048x8xf32, #tpu.memory_space<hbm>>
      %dma_wait3A_453 = arith.constant 0 : i32
      %dma_wait3A_454 = tpu.memref_slice %arg4[%add3A_436, %dma_wait3A_453] : memref<2097152x8xf32, #tpu.memory_space<hbm>> -> memref<2048x8xf32, #tpu.memory_space<hbm>>
      tpu.wait_dma2 semaphore(%run_scoped3A : memref<!tpu.dma_semaphore, #tpu.memory_space<semaphore_mem>>) src(%arg11 : memref<2048x8xf32, #tpu.memory_space<vmem>>) dst(%dma_wait3A_454 : memref<2048x8xf32, #tpu.memory_space<hbm>>)
      tpu.yield
    }) : () -> ()
    %mul3A_440 = arith.constant 65536 : i32
    %mul3A_441 = arith.muli %add3A, %mul3A_440 : i32
    %add3A_442 = arith.constant 63488 : i32
    %add3A_443 = arith.addi %mul3A_441, %add3A_442 : i32
    %dma_wait3A_444 = arith.constant 0 : i32
    %dma_wait3A_445 = arith.constant 0 : i32
    %dma_wait3A_446 = tpu.memref_slice %arg2[%dma_wait3A_444, %dma_wait3A_445] : memref<2097152x8xf32, #tpu.memory_space<hbm>> -> memref<2097152x8xf32, #tpu.memory_space<hbm>>
    tpu.wait_indirect_dma semaphore(%arg16 : memref<!tpu.dma_semaphore, #tpu.memory_space<semaphore_mem>>) src(%dma_wait3A_446 : memref<2097152x8xf32, #tpu.memory_space<hbm>>) dst(%arg12 : memref<2048x8xf32, #tpu.memory_space<vmem>>)
    "tpu.region"() ({
      %run_scoped3A = tpu.sem_alloc : memref<!tpu.dma_semaphore, #tpu.memory_space<semaphore_mem>>
      %dma_start3A_447 = arith.constant 0 : i32
      %dma_start3A_448 = tpu.memref_slice %arg4[%add3A_443, %dma_start3A_447] : memref<2097152x8xf32, #tpu.memory_space<hbm>> -> memref<2048x8xf32, #tpu.memory_space<hbm>>
      %dma_start3A_449 = arith.constant 0 : i32
      %dma_start3A_450 = tpu.memref_slice %arg4[%add3A_443, %dma_start3A_449] : memref<2097152x8xf32, #tpu.memory_space<hbm>> -> memref<2048x8xf32, #tpu.memory_space<hbm>>
      tpu.enqueue_dma source(%arg12 : memref<2048x8xf32, #tpu.memory_space<vmem>>) target(%dma_start3A_450 : memref<2048x8xf32, #tpu.memory_space<hbm>>) target_semaphore(%run_scoped3A : memref<!tpu.dma_semaphore, #tpu.memory_space<semaphore_mem>>)
      %dma_wait3A_451 = arith.constant 0 : i32
      %dma_wait3A_452 = tpu.memref_slice %arg4[%add3A_443, %dma_wait3A_451] : memref<2097152x8xf32, #tpu.memory_space<hbm>> -> memref<2048x8xf32, #tpu.memory_space<hbm>>
      %dma_wait3A_453 = arith.constant 0 : i32
      %dma_wait3A_454 = tpu.memref_slice %arg4[%add3A_443, %dma_wait3A_453] : memref<2097152x8xf32, #tpu.memory_space<hbm>> -> memref<2048x8xf32, #tpu.memory_space<hbm>>
      tpu.wait_dma2 semaphore(%run_scoped3A : memref<!tpu.dma_semaphore, #tpu.memory_space<semaphore_mem>>) src(%arg12 : memref<2048x8xf32, #tpu.memory_space<vmem>>) dst(%dma_wait3A_454 : memref<2048x8xf32, #tpu.memory_space<hbm>>)
      tpu.yield
    }) : () -> ()
    return
  }
}

module attributes {stable_mosaic.version = 14 : i64} {
  func.func @_proj_body(%arg0: i32, %arg1: memref<4096x448xf32, #tpu.memory_space<vmem>>, %arg2: memref<448x128xf32, #tpu.memory_space<vmem>>, %arg3: memref<1x128xf32, #tpu.memory_space<vmem>>, %arg4: memref<4096x128xf32, #tpu.memory_space<vmem>>) attributes {dimension_semantics = [#tpu.dimension_semantics<arbitrary>], iteration_bounds = array<i64: 32>, scalar_prefetch = 0 : i64, scratch_operands = 0 : i64, tpu.core_type = #tpu.core_type<tc>, window_params = [{transform_indices = @transform_0, window_bounds = array<i64: 4096, 448>}, {pipeline_mode = #tpu.pipeline_mode<synchronous>, transform_indices = @transform_1, window_bounds = array<i64: 448, 128>}, {pipeline_mode = #tpu.pipeline_mode<synchronous>, transform_indices = @transform_2, window_bounds = array<i64: 1, 128>}, {transform_indices = @transform_3, window_bounds = array<i64: 4096, 128>}]} {
    %get3A = arith.constant 0 : index
    %get3A_0 = arith.constant 0 : index
    %get3A_1 = vector.load %arg1[%get3A, %get3A_0] : memref<4096x448xf32, #tpu.memory_space<vmem>>, vector<4096x448xf32>
    %get3A_2 = arith.constant 0 : index
    %get3A_3 = arith.constant 0 : index
    %get3A_4 = vector.load %arg2[%get3A_2, %get3A_3] : memref<448x128xf32, #tpu.memory_space<vmem>>, vector<448x128xf32>
    %dot_general3A = arith.constant dense<0.000000e+00> : vector<4096x128xf32>
    %dot_general3A_5 = tpu.matmul %get3A_1, %get3A_4, %dot_general3A {dimension_numbers = #tpu.dot_dimension_numbers<[1], [0], [0], [1], [0, 0, 1, 1], [], []>, transpose_lhs_hint = false} : vector<4096x448xf32>, vector<448x128xf32>, vector<4096x128xf32> -> vector<4096x128xf32>
    %get3A_6 = arith.constant 0 : index
    %get3A_7 = arith.constant 0 : index
    %get3A_8 = vector.load %arg3[%get3A_6, %get3A_7] : memref<1x128xf32, #tpu.memory_space<vmem>>, vector<1x128xf32>
    %add3A = vector.broadcast %get3A_8 : vector<1x128xf32> to vector<4096x128xf32>
    %add3A_9 = arith.addf %dot_general3A_5, %add3A : vector<4096x128xf32>
    %swap3A = arith.constant 0 : index
    %swap3A_10 = arith.constant 0 : index
    %swap3A_11 = vector.load %arg4[%swap3A, %swap3A_10] : memref<4096x128xf32, #tpu.memory_space<vmem>>, vector<4096x128xf32>
    tpu.vector_store %arg4[%swap3A, %swap3A_10], %add3A_9 {strides = array<i32>} : memref<4096x128xf32, #tpu.memory_space<vmem>>, vector<4096x128xf32>,
    return
  }
  func.func @transform_0(%arg0: i32) -> (i32, i32) {
    %c0_i32 = arith.constant 0 : i32
    %c0_i32_0 = arith.constant 0 : i32
    return %arg0, %c0_i32 : i32, i32
  }
  func.func @transform_1(%arg0: i32) -> (i32, i32) {
    %c0_i32 = arith.constant 0 : i32
    %c0_i32_0 = arith.constant 0 : i32
    %c0_i32_1 = arith.constant 0 : i32
    return %c0_i32, %c0_i32_0 : i32, i32
  }
  func.func @transform_2(%arg0: i32) -> (i32, i32) {
    %c0_i32 = arith.constant 0 : i32
    %c0_i32_0 = arith.constant 0 : i32
    %c0_i32_1 = arith.constant 0 : i32
    return %c0_i32, %c0_i32_0 : i32, i32
  }
  func.func @transform_3(%arg0: i32) -> (i32, i32) {
    %c0_i32 = arith.constant 0 : i32
    %c0_i32_0 = arith.constant 0 : i32
    return %arg0, %c0_i32 : i32, i32
  }
}

module attributes {stable_mosaic.version = 14 : i64} {
  func.func @_fused_body(%arg0: i32, %arg1: memref<4096x128xf32, #tpu.memory_space<vmem>>, %arg2: memref<4096x16xf32, #tpu.memory_space<vmem>>, %arg3: memref<16x128xf32, #tpu.memory_space<vmem>>, %arg4: memref<128x128xf32, #tpu.memory_space<vmem>>, %arg5: memref<128x128xf32, #tpu.memory_space<vmem>>, %arg6: memref<128x128xf32, #tpu.memory_space<vmem>>, %arg7: memref<128x128xf32, #tpu.memory_space<vmem>>, %arg8: memref<128x3xf32, #tpu.memory_space<vmem>>, %arg9: memref<128x4096xf32, #tpu.memory_space<vmem>>, %arg10: memref<128x3xf32, #tpu.memory_space<vmem>>) attributes {dimension_semantics = [#tpu.dimension_semantics<arbitrary>], iteration_bounds = array<i64: 32>, scalar_prefetch = 0 : i64, scratch_operands = 0 : i64, tpu.core_type = #tpu.core_type<tc>, window_params = [{transform_indices = @transform_0, window_bounds = array<i64: 4096, 128>}, {transform_indices = @transform_1, window_bounds = array<i64: 4096, 16>}, {pipeline_mode = #tpu.pipeline_mode<synchronous>, transform_indices = @transform_2, window_bounds = array<i64: 16, 128>}, {pipeline_mode = #tpu.pipeline_mode<synchronous>, transform_indices = @transform_3, window_bounds = array<i64: 128, 128>}, {pipeline_mode = #tpu.pipeline_mode<synchronous>, transform_indices = @transform_4, window_bounds = array<i64: 128, 128>}, {pipeline_mode = #tpu.pipeline_mode<synchronous>, transform_indices = @transform_5, window_bounds = array<i64: 128, 128>}, {pipeline_mode = #tpu.pipeline_mode<synchronous>, transform_indices = @transform_6, window_bounds = array<i64: 128, 128>}, {pipeline_mode = #tpu.pipeline_mode<synchronous>, transform_indices = @transform_7, window_bounds = array<i64: 128, 3>}, {pipeline_mode = #tpu.pipeline_mode<synchronous>, transform_indices = @transform_8, window_bounds = array<i64: 128, 4096>}, {transform_indices = @transform_9, window_bounds = array<i64: 128, 3>}]} {
    %get3A = arith.constant 0 : index
    %get3A_0 = arith.constant 0 : index
    %get3A_1 = vector.load %arg1[%get3A, %get3A_0] : memref<4096x128xf32, #tpu.memory_space<vmem>>, vector<4096x128xf32>
    %get3A_2 = arith.constant 0 : index
    %get3A_3 = arith.constant 0 : index
    %get3A_4 = vector.load %arg2[%get3A_2, %get3A_3] : memref<4096x16xf32, #tpu.memory_space<vmem>>, vector<4096x16xf32>
    %get3A_5 = arith.constant 0 : index
    %get3A_6 = arith.constant 0 : index
    %get3A_7 = vector.load %arg3[%get3A_5, %get3A_6] : memref<16x128xf32, #tpu.memory_space<vmem>>, vector<16x128xf32>
    %dot_general3A = arith.constant dense<0.000000e+00> : vector<4096x128xf32>
    %dot_general3A_8 = tpu.matmul %get3A_4, %get3A_7, %dot_general3A {dimension_numbers = #tpu.dot_dimension_numbers<[1], [0], [0], [1], [0, 0, 1, 1], [], []>, transpose_lhs_hint = false} : vector<4096x16xf32>, vector<16x128xf32>, vector<4096x128xf32> -> vector<4096x128xf32>
    %mul3A = arith.mulf %get3A_1, %dot_general3A_8 : vector<4096x128xf32>
    %roll3A = arith.constant 4092 : i32
    %roll3A_9 = tpu.dynamic_rotate %mul3A by %roll3A dim 0 : vector<4096x128xf32>, i32 -> vector<4096x128xf32>
    %add3A = arith.addf %mul3A, %roll3A_9 : vector<4096x128xf32>
    %roll3A_10 = arith.constant 4088 : i32
    %roll3A_11 = tpu.dynamic_rotate %add3A by %roll3A_10 dim 0 : vector<4096x128xf32>, i32 -> vector<4096x128xf32>
    %add3A_12 = arith.addf %add3A, %roll3A_11 : vector<4096x128xf32>
    %roll3A_13 = arith.constant 4080 : i32
    %roll3A_14 = tpu.dynamic_rotate %add3A_12 by %roll3A_13 dim 0 : vector<4096x128xf32>, i32 -> vector<4096x128xf32>
    %add3A_15 = arith.addf %add3A_12, %roll3A_14 : vector<4096x128xf32>
    %get3A_16 = arith.constant 0 : index
    %get3A_17 = arith.constant 0 : index
    %get3A_18 = vector.load %arg4[%get3A_16, %get3A_17] : memref<128x128xf32, #tpu.memory_space<vmem>>, vector<128x128xf32>
    %dot_general3A_19 = arith.constant dense<0.000000e+00> : vector<4096x128xf32>
    %dot_general3A_20 = tpu.matmul %add3A_15, %get3A_18, %dot_general3A_19 {dimension_numbers = #tpu.dot_dimension_numbers<[1], [0], [0], [1], [0, 0, 1, 1], [], []>, transpose_lhs_hint = false} : vector<4096x128xf32>, vector<128x128xf32>, vector<4096x128xf32> -> vector<4096x128xf32>
    %div3A = arith.divf %add3A_15, %dot_general3A_20 : vector<4096x128xf32>
    %iota3A = tpu.iota {dimensions = array<i32: 0>} : vector<4096x128xi32>
    %iota3A_21 = tpu.iota {dimensions = array<i32: 1>} : vector<4096x128xi32>
    %jit3A = arith.constant 8 : i32
    %eq3A = arith.constant 0 : i32
    %eq3A_22 = arith.cmpi eq, %jit3A, %eq3A : i32
    %jit3A_23 = arith.constant 1 : i32
    %select_n3A = arith.select %eq3A_22, %jit3A_23, %jit3A : i32
    %rem3A = vector.broadcast %select_n3A : i32 to vector<4096x128xi32>
    %rem3A_24 = arith.remsi %iota3A_21, %rem3A : vector<4096x128xi32>
    %ne3A = arith.constant 0 : i32
    %ne3A_25 = vector.broadcast %ne3A : i32 to vector<4096x128xi32>
    %ne3A_26 = arith.cmpi ne, %rem3A_24, %ne3A_25 : vector<4096x128xi32>
    %lt3A = arith.constant 0 : i32
    %lt3A_27 = vector.broadcast %lt3A : i32 to vector<4096x128xi32>
    %lt3A_28 = arith.cmpi slt, %rem3A_24, %lt3A_27 : vector<4096x128xi32>
    %lt3A_29 = arith.constant 0 : i32
    %lt3A_30 = arith.cmpi slt, %select_n3A, %lt3A_29 : i32
    %ne3A_31 = vector.broadcast %lt3A_30 : i1 to vector<4096x128xi1>
    %ne3A_32 = vector.broadcast %ne3A_31 : vector<4096x128xi1> to vector<4096x128xi1>
    %ne3A_33 = arith.xori %lt3A_28, %ne3A_32 : vector<4096x128xi1>
    %and3A = arith.andi %ne3A_33, %ne3A_26 : vector<4096x128xi1>
    %add3A_34 = vector.broadcast %select_n3A : i32 to vector<4096x128xi32>
    %add3A_35 = arith.addi %rem3A_24, %add3A_34 : vector<4096x128xi32>
    %select_n3A_36 = arith.select %and3A, %add3A_35, %rem3A_24 : vector<4096x128xi1>, vector<4096x128xi32>
    %eq3A_37 = arith.constant 0 : i32
    %eq3A_38 = vector.broadcast %eq3A_37 : i32 to vector<4096x128xi32>
    %eq3A_39 = arith.cmpi eq, %select_n3A_36, %eq3A_38 : vector<4096x128xi32>
    %convert_element_type3A = arith.extui %eq3A_39 : vector<4096x128xi1> to vector<4096x128xi32>
    %convert_element_type3A_40 = arith.sitofp %convert_element_type3A : vector<4096x128xi32> to vector<4096x128xf32>
    %max3A = arith.constant 0.000000e+00 : f32
    %max3A_41 = vector.broadcast %max3A : f32 to vector<4096x128xf32>
    %max3A_42 = arith.maximumf %div3A, %max3A_41 : vector<4096x128xf32>
    %mul3A_43 = arith.mulf %max3A_42, %convert_element_type3A_40 : vector<4096x128xf32>
    %mul3A_44 = arith.constant 2.000000e+00 : f32
    %mul3A_45 = vector.broadcast %mul3A_44 : f32 to vector<4096x128xf32>
    %mul3A_46 = arith.mulf %mul3A_43, %mul3A_45 : vector<4096x128xf32>
    %get3A_47 = arith.constant 0 : index
    %get3A_48 = arith.constant 0 : index
    %get3A_49 = vector.load %arg5[%get3A_47, %get3A_48] : memref<128x128xf32, #tpu.memory_space<vmem>>, vector<128x128xf32>
    %dot_general3A_50 = arith.constant dense<0.000000e+00> : vector<4096x128xf32>
    %dot_general3A_51 = tpu.matmul %mul3A_46, %get3A_49, %dot_general3A_50 {dimension_numbers = #tpu.dot_dimension_numbers<[1], [0], [0], [1], [0, 0, 1, 1], [], []>, transpose_lhs_hint = false} : vector<4096x128xf32>, vector<128x128xf32>, vector<4096x128xf32> -> vector<4096x128xf32>
    %sub3A = arith.subf %dot_general3A_51, %mul3A_46 : vector<4096x128xf32>
    %get3A_52 = arith.constant 0 : index
    %get3A_53 = arith.constant 0 : index
    %get3A_54 = vector.load %arg6[%get3A_52, %get3A_53] : memref<128x128xf32, #tpu.memory_space<vmem>>, vector<128x128xf32>
    %dot_general3A_55 = arith.constant dense<0.000000e+00> : vector<4096x128xf32>
    %dot_general3A_56 = tpu.matmul %mul3A_46, %get3A_54, %dot_general3A_55 {dimension_numbers = #tpu.dot_dimension_numbers<[1], [0], [0], [1], [0, 0, 1, 1], [], []>, transpose_lhs_hint = false} : vector<4096x128xf32>, vector<128x128xf32>, vector<4096x128xf32> -> vector<4096x128xf32>
    %broadcast_in_dim3A = arith.constant 0.000000e+00 : f32
    %broadcast_in_dim3A_57 = vector.broadcast %broadcast_in_dim3A : f32 to vector<4096x128xf32>
    %jit3A_58 = arith.constant 32 : i32
    %eq3A_59 = arith.constant 0 : i32
    %eq3A_60 = arith.cmpi eq, %jit3A_58, %eq3A_59 : i32
    %jit3A_61 = arith.constant 1 : i32
    %select_n3A_62 = arith.select %eq3A_60, %jit3A_61, %jit3A_58 : i32
    %rem3A_63 = vector.broadcast %select_n3A_62 : i32 to vector<4096x128xi32>
    %rem3A_64 = arith.remsi %iota3A, %rem3A_63 : vector<4096x128xi32>
    %ne3A_65 = arith.constant 0 : i32
    %ne3A_66 = vector.broadcast %ne3A_65 : i32 to vector<4096x128xi32>
    %ne3A_67 = arith.cmpi ne, %rem3A_64, %ne3A_66 : vector<4096x128xi32>
    %lt3A_68 = arith.constant 0 : i32
    %lt3A_69 = vector.broadcast %lt3A_68 : i32 to vector<4096x128xi32>
    %lt3A_70 = arith.cmpi slt, %rem3A_64, %lt3A_69 : vector<4096x128xi32>
    %lt3A_71 = arith.constant 0 : i32
    %lt3A_72 = arith.cmpi slt, %select_n3A_62, %lt3A_71 : i32
    %ne3A_73 = vector.broadcast %lt3A_72 : i1 to vector<4096x128xi1>
    %ne3A_74 = vector.broadcast %ne3A_73 : vector<4096x128xi1> to vector<4096x128xi1>
    %ne3A_75 = arith.xori %lt3A_70, %ne3A_74 : vector<4096x128xi1>
    %and3A_76 = arith.andi %ne3A_75, %ne3A_67 : vector<4096x128xi1>
    %add3A_77 = vector.broadcast %select_n3A_62 : i32 to vector<4096x128xi32>
    %add3A_78 = arith.addi %rem3A_64, %add3A_77 : vector<4096x128xi32>
    %select_n3A_79 = arith.select %and3A_76, %add3A_78, %rem3A_64 : vector<4096x128xi1>, vector<4096x128xi32>
    %ge3A = arith.constant 1 : i32
    %ge3A_80 = vector.broadcast %ge3A : i32 to vector<4096x128xi32>
    %ge3A_81 = arith.cmpi sge, %select_n3A_79, %ge3A_80 : vector<4096x128xi32>
    %convert_element_type3A_82 = arith.extui %ge3A_81 : vector<4096x128xi1> to vector<4096x128xi32>
    %convert_element_type3A_83 = arith.sitofp %convert_element_type3A_82 : vector<4096x128xi32> to vector<4096x128xf32>
    %roll3A_84 = arith.constant 1 : i32
    %roll3A_85 = tpu.dynamic_rotate %dot_general3A_56 by %roll3A_84 dim 0 : vector<4096x128xf32>, i32 -> vector<4096x128xf32>
    %mul3A_86 = arith.mulf %roll3A_85, %convert_element_type3A_83 : vector<4096x128xf32>
    %add3A_87 = arith.addf %broadcast_in_dim3A_57, %mul3A_86 : vector<4096x128xf32>
    %jit3A_88 = arith.constant 32 : i32
    %eq3A_89 = arith.constant 0 : i32
    %eq3A_90 = arith.cmpi eq, %jit3A_88, %eq3A_89 : i32
    %jit3A_91 = arith.constant 1 : i32
    %select_n3A_92 = arith.select %eq3A_90, %jit3A_91, %jit3A_88 : i32
    %rem3A_93 = vector.broadcast %select_n3A_92 : i32 to vector<4096x128xi32>
    %rem3A_94 = arith.remsi %iota3A, %rem3A_93 : vector<4096x128xi32>
    %ne3A_95 = arith.constant 0 : i32
    %ne3A_96 = vector.broadcast %ne3A_95 : i32 to vector<4096x128xi32>
    %ne3A_97 = arith.cmpi ne, %rem3A_94, %ne3A_96 : vector<4096x128xi32>
    %lt3A_98 = arith.constant 0 : i32
    %lt3A_99 = vector.broadcast %lt3A_98 : i32 to vector<4096x128xi32>
    %lt3A_100 = arith.cmpi slt, %rem3A_94, %lt3A_99 : vector<4096x128xi32>
    %lt3A_101 = arith.constant 0 : i32
    %lt3A_102 = arith.cmpi slt, %select_n3A_92, %lt3A_101 : i32
    %ne3A_103 = vector.broadcast %lt3A_102 : i1 to vector<4096x128xi1>
    %ne3A_104 = vector.broadcast %ne3A_103 : vector<4096x128xi1> to vector<4096x128xi1>
    %ne3A_105 = arith.xori %lt3A_100, %ne3A_104 : vector<4096x128xi1>
    %and3A_106 = arith.andi %ne3A_105, %ne3A_97 : vector<4096x128xi1>
    %add3A_107 = vector.broadcast %select_n3A_92 : i32 to vector<4096x128xi32>
    %add3A_108 = arith.addi %rem3A_94, %add3A_107 : vector<4096x128xi32>
    %select_n3A_109 = arith.select %and3A_106, %add3A_108, %rem3A_94 : vector<4096x128xi1>, vector<4096x128xi32>
    %ge3A_110 = arith.constant 2 : i32
    %ge3A_111 = vector.broadcast %ge3A_110 : i32 to vector<4096x128xi32>
    %ge3A_112 = arith.cmpi sge, %select_n3A_109, %ge3A_111 : vector<4096x128xi32>
    %convert_element_type3A_113 = arith.extui %ge3A_112 : vector<4096x128xi1> to vector<4096x128xi32>
    %convert_element_type3A_114 = arith.sitofp %convert_element_type3A_113 : vector<4096x128xi32> to vector<4096x128xf32>
    %roll3A_115 = arith.constant 2 : i32
    %roll3A_116 = tpu.dynamic_rotate %dot_general3A_56 by %roll3A_115 dim 0 : vector<4096x128xf32>, i32 -> vector<4096x128xf32>
    %mul3A_117 = arith.mulf %roll3A_116, %convert_element_type3A_114 : vector<4096x128xf32>
    %add3A_118 = arith.addf %add3A_87, %mul3A_117 : vector<4096x128xf32>
    %jit3A_119 = arith.constant 32 : i32
    %eq3A_120 = arith.constant 0 : i32
    %eq3A_121 = arith.cmpi eq, %jit3A_119, %eq3A_120 : i32
    %jit3A_122 = arith.constant 1 : i32
    %select_n3A_123 = arith.select %eq3A_121, %jit3A_122, %jit3A_119 : i32
    %rem3A_124 = vector.broadcast %select_n3A_123 : i32 to vector<4096x128xi32>
    %rem3A_125 = arith.remsi %iota3A, %rem3A_124 : vector<4096x128xi32>
    %ne3A_126 = arith.constant 0 : i32
    %ne3A_127 = vector.broadcast %ne3A_126 : i32 to vector<4096x128xi32>
    %ne3A_128 = arith.cmpi ne, %rem3A_125, %ne3A_127 : vector<4096x128xi32>
    %lt3A_129 = arith.constant 0 : i32
    %lt3A_130 = vector.broadcast %lt3A_129 : i32 to vector<4096x128xi32>
    %lt3A_131 = arith.cmpi slt, %rem3A_125, %lt3A_130 : vector<4096x128xi32>
    %lt3A_132 = arith.constant 0 : i32
    %lt3A_133 = arith.cmpi slt, %select_n3A_123, %lt3A_132 : i32
    %ne3A_134 = vector.broadcast %lt3A_133 : i1 to vector<4096x128xi1>
    %ne3A_135 = vector.broadcast %ne3A_134 : vector<4096x128xi1> to vector<4096x128xi1>
    %ne3A_136 = arith.xori %lt3A_131, %ne3A_135 : vector<4096x128xi1>
    %and3A_137 = arith.andi %ne3A_136, %ne3A_128 : vector<4096x128xi1>
    %add3A_138 = vector.broadcast %select_n3A_123 : i32 to vector<4096x128xi32>
    %add3A_139 = arith.addi %rem3A_125, %add3A_138 : vector<4096x128xi32>
    %select_n3A_140 = arith.select %and3A_137, %add3A_139, %rem3A_125 : vector<4096x128xi1>, vector<4096x128xi32>
    %ge3A_141 = arith.constant 3 : i32
    %ge3A_142 = vector.broadcast %ge3A_141 : i32 to vector<4096x128xi32>
    %ge3A_143 = arith.cmpi sge, %select_n3A_140, %ge3A_142 : vector<4096x128xi32>
    %convert_element_type3A_144 = arith.extui %ge3A_143 : vector<4096x128xi1> to vector<4096x128xi32>
    %convert_element_type3A_145 = arith.sitofp %convert_element_type3A_144 : vector<4096x128xi32> to vector<4096x128xf32>
    %roll3A_146 = arith.constant 3 : i32
    %roll3A_147 = tpu.dynamic_rotate %dot_general3A_56 by %roll3A_146 dim 0 : vector<4096x128xf32>, i32 -> vector<4096x128xf32>
    %mul3A_148 = arith.mulf %roll3A_147, %convert_element_type3A_145 : vector<4096x128xf32>
    %add3A_149 = arith.addf %add3A_118, %mul3A_148 : vector<4096x128xf32>
    %add3A_150 = arith.addf %sub3A, %add3A_149 : vector<4096x128xf32>
    %neg3A = arith.constant 0.000000e+00 : f32
    %neg3A_151 = vector.broadcast %neg3A : f32 to vector<4096x128xf32>
    %neg3A_152 = arith.subf %neg3A_151, %add3A_150 : vector<4096x128xf32>
    %exp3A = math.exp %neg3A_152 : vector<4096x128xf32>
    %neg3A_153 = arith.constant 0.000000e+00 : f32
    %neg3A_154 = vector.broadcast %neg3A_153 : f32 to vector<4096x128xf32>
    %neg3A_155 = arith.subf %neg3A_154, %mul3A_46 : vector<4096x128xf32>
    %exp3A_156 = math.exp %neg3A_155 : vector<4096x128xf32>
    %sub3A_157 = arith.constant 1.000000e+00 : f32
    %sub3A_158 = vector.broadcast %sub3A_157 : f32 to vector<4096x128xf32>
    %sub3A_159 = arith.subf %sub3A_158, %exp3A_156 : vector<4096x128xf32>
    %mul3A_160 = arith.mulf %exp3A, %sub3A_159 : vector<4096x128xf32>
    %mul3A_161 = arith.mulf %mul3A_160, %convert_element_type3A_40 : vector<4096x128xf32>
    %get3A_162 = arith.constant 0 : index
    %get3A_163 = arith.constant 0 : index
    %get3A_164 = vector.load %arg7[%get3A_162, %get3A_163] : memref<128x128xf32, #tpu.memory_space<vmem>>, vector<128x128xf32>
    %dot_general3A_165 = arith.constant dense<0.000000e+00> : vector<4096x128xf32>
    %dot_general3A_166 = tpu.matmul %mul3A_161, %get3A_164, %dot_general3A_165 {dimension_numbers = #tpu.dot_dimension_numbers<[1], [0], [0], [1], [0, 0, 1, 1], [], []>, transpose_lhs_hint = false} : vector<4096x128xf32>, vector<128x128xf32>, vector<4096x128xf32> -> vector<4096x128xf32>
    %jit3A_167 = arith.constant 32 : i32
    %eq3A_168 = arith.constant 0 : i32
    %eq3A_169 = arith.cmpi eq, %jit3A_167, %eq3A_168 : i32
    %jit3A_170 = arith.constant 1 : i32
    %select_n3A_171 = arith.select %eq3A_169, %jit3A_170, %jit3A_167 : i32
    %rem3A_172 = vector.broadcast %select_n3A_171 : i32 to vector<4096x128xi32>
    %rem3A_173 = arith.remsi %iota3A, %rem3A_172 : vector<4096x128xi32>
    %ne3A_174 = arith.constant 0 : i32
    %ne3A_175 = vector.broadcast %ne3A_174 : i32 to vector<4096x128xi32>
    %ne3A_176 = arith.cmpi ne, %rem3A_173, %ne3A_175 : vector<4096x128xi32>
    %lt3A_177 = arith.constant 0 : i32
    %lt3A_178 = vector.broadcast %lt3A_177 : i32 to vector<4096x128xi32>
    %lt3A_179 = arith.cmpi slt, %rem3A_173, %lt3A_178 : vector<4096x128xi32>
    %lt3A_180 = arith.constant 0 : i32
    %lt3A_181 = arith.cmpi slt, %select_n3A_171, %lt3A_180 : i32
    %ne3A_182 = vector.broadcast %lt3A_181 : i1 to vector<4096x128xi1>
    %ne3A_183 = vector.broadcast %ne3A_182 : vector<4096x128xi1> to vector<4096x128xi1>
    %ne3A_184 = arith.xori %lt3A_179, %ne3A_183 : vector<4096x128xi1>
    %and3A_185 = arith.andi %ne3A_184, %ne3A_176 : vector<4096x128xi1>
    %add3A_186 = vector.broadcast %select_n3A_171 : i32 to vector<4096x128xi32>
    %add3A_187 = arith.addi %rem3A_173, %add3A_186 : vector<4096x128xi32>
    %select_n3A_188 = arith.select %and3A_185, %add3A_187, %rem3A_173 : vector<4096x128xi1>, vector<4096x128xi32>
    %mul3A_189 = arith.constant 16 : i32
    %mul3A_190 = vector.broadcast %mul3A_189 : i32 to vector<4096x128xi32>
    %mul3A_191 = arith.muli %select_n3A_188, %mul3A_190 : vector<4096x128xi32>
    %jit3A_192 = arith.constant 8 : i32
    %div3A_193 = vector.broadcast %jit3A_192 : i32 to vector<4096x128xi32>
    %div3A_194 = arith.divsi %iota3A_21, %div3A_193 : vector<4096x128xi32>
    %sign3A = arith.constant 0 : i32
    %sign3A_195 = vector.broadcast %sign3A : i32 to vector<4096x128xi32>
    %sign3A_196 = arith.cmpi sgt, %iota3A_21, %sign3A_195 : vector<4096x128xi32>
    %sign3A_197 = arith.extui %sign3A_196 : vector<4096x128xi1> to vector<4096x128xi32>
    %sign3A_198 = arith.constant 0 : i32
    %sign3A_199 = vector.broadcast %sign3A_198 : i32 to vector<4096x128xi32>
    %sign3A_200 = arith.cmpi slt, %iota3A_21, %sign3A_199 : vector<4096x128xi32>
    %sign3A_201 = arith.extui %sign3A_200 : vector<4096x128xi1> to vector<4096x128xi32>
    %sign3A_202 = arith.subi %sign3A_197, %sign3A_201 : vector<4096x128xi32>
    %sign3A_203 = arith.constant 0 : i32
    %sign3A_204 = arith.cmpi sgt, %jit3A_192, %sign3A_203 : i32
    %sign3A_205 = arith.extui %sign3A_204 : i1 to i32
    %sign3A_206 = arith.constant 0 : i32
    %sign3A_207 = arith.cmpi slt, %jit3A_192, %sign3A_206 : i32
    %sign3A_208 = arith.extui %sign3A_207 : i1 to i32
    %sign3A_209 = arith.subi %sign3A_205, %sign3A_208 : i32
    %ne3A_210 = vector.broadcast %sign3A_209 : i32 to vector<4096x128xi32>
    %ne3A_211 = arith.cmpi ne, %sign3A_202, %ne3A_210 : vector<4096x128xi32>
    %rem3A_212 = vector.broadcast %jit3A_192 : i32 to vector<4096x128xi32>
    %rem3A_213 = arith.remsi %iota3A_21, %rem3A_212 : vector<4096x128xi32>
    %ne3A_214 = arith.constant 0 : i32
    %ne3A_215 = vector.broadcast %ne3A_214 : i32 to vector<4096x128xi32>
    %ne3A_216 = arith.cmpi ne, %rem3A_213, %ne3A_215 : vector<4096x128xi32>
    %and3A_217 = arith.andi %ne3A_211, %ne3A_216 : vector<4096x128xi1>
    %sub3A_218 = arith.constant 1 : i32
    %sub3A_219 = vector.broadcast %sub3A_218 : i32 to vector<4096x128xi32>
    %sub3A_220 = arith.subi %div3A_194, %sub3A_219 : vector<4096x128xi32>
    %select_n3A_221 = arith.select %and3A_217, %sub3A_220, %div3A_194 : vector<4096x128xi1>, vector<4096x128xi32>
    %add3A_222 = arith.addi %mul3A_191, %select_n3A_221 : vector<4096x128xi32>
    %lt3A_223 = arith.constant 50 : i32
    %lt3A_224 = vector.broadcast %lt3A_223 : i32 to vector<4096x128xi32>
    %lt3A_225 = arith.cmpi slt, %add3A_222, %lt3A_224 : vector<4096x128xi32>
    %convert_element_type3A_226 = arith.extui %lt3A_225 : vector<4096x128xi1> to vector<4096x128xi32>
    %convert_element_type3A_227 = arith.sitofp %convert_element_type3A_226 : vector<4096x128xi32> to vector<4096x128xf32>
    %mul3A_228 = arith.mulf %div3A, %dot_general3A_166 : vector<4096x128xf32>
    %mul3A_229 = arith.mulf %mul3A_228, %convert_element_type3A_227 : vector<4096x128xf32>
    %get3A_230 = arith.constant 0 : index
    %get3A_231 = arith.constant 0 : index
    %get3A_232 = vector.load %arg8[%get3A_230, %get3A_231] : memref<128x3xf32, #tpu.memory_space<vmem>>, vector<128x3xf32>
    %dot_general3A_233 = arith.constant dense<0.000000e+00> : vector<4096x3xf32>
    %dot_general3A_234 = tpu.matmul %mul3A_229, %get3A_232, %dot_general3A_233 {dimension_numbers = #tpu.dot_dimension_numbers<[1], [0], [0], [1], [0, 0, 1, 1], [], []>, transpose_lhs_hint = false} : vector<4096x128xf32>, vector<128x3xf32>, vector<4096x3xf32> -> vector<4096x3xf32>
    %get3A_235 = arith.constant 0 : index
    %get3A_236 = arith.constant 0 : index
    %get3A_237 = vector.load %arg9[%get3A_235, %get3A_236] : memref<128x4096xf32, #tpu.memory_space<vmem>>, vector<128x4096xf32>
    %dot_general3A_238 = arith.constant dense<0.000000e+00> : vector<128x3xf32>
    %dot_general3A_239 = tpu.matmul %get3A_237, %dot_general3A_234, %dot_general3A_238 {dimension_numbers = #tpu.dot_dimension_numbers<[1], [0], [0], [1], [0, 0, 1, 1], [], []>, transpose_lhs_hint = false} : vector<128x4096xf32>, vector<4096x3xf32>, vector<128x3xf32> -> vector<128x3xf32>
    %swap3A = arith.constant 0 : index
    %swap3A_240 = arith.constant 0 : index
    %swap3A_241 = vector.load %arg10[%swap3A, %swap3A_240] : memref<128x3xf32, #tpu.memory_space<vmem>>, vector<128x3xf32>
    tpu.vector_store %arg10[%swap3A, %swap3A_240], %dot_general3A_239 {strides = array<i32>} : memref<128x3xf32, #tpu.memory_space<vmem>>, vector<128x3xf32>,
    return
  }
  func.func @transform_0(%arg0: i32) -> (i32, i32) {
    %c0_i32 = arith.constant 0 : i32
    %c0_i32_0 = arith.constant 0 : i32
    return %arg0, %c0_i32 : i32, i32
  }
  func.func @transform_1(%arg0: i32) -> (i32, i32) {
    %c0_i32 = arith.constant 0 : i32
    %c0_i32_0 = arith.constant 0 : i32
    return %arg0, %c0_i32 : i32, i32
  }
  func.func @transform_2(%arg0: i32) -> (i32, i32) {
    %c0_i32 = arith.constant 0 : i32
    %c0_i32_0 = arith.constant 0 : i32
    %c0_i32_1 = arith.constant 0 : i32
    return %c0_i32, %c0_i32_0 : i32, i32
  }
  func.func @transform_3(%arg0: i32) -> (i32, i32) {
    %c0_i32 = arith.constant 0 : i32
    %c0_i32_0 = arith.constant 0 : i32
    %c0_i32_1 = arith.constant 0 : i32
    return %c0_i32, %c0_i32_0 : i32, i32
  }
  func.func @transform_4(%arg0: i32) -> (i32, i32) {
    %c0_i32 = arith.constant 0 : i32
    %c0_i32_0 = arith.constant 0 : i32
    %c0_i32_1 = arith.constant 0 : i32
    return %c0_i32, %c0_i32_0 : i32, i32
  }
  func.func @transform_5(%arg0: i32) -> (i32, i32) {
    %c0_i32 = arith.constant 0 : i32
    %c0_i32_0 = arith.constant 0 : i32
    %c0_i32_1 = arith.constant 0 : i32
    return %c0_i32, %c0_i32_0 : i32, i32
  }
  func.func @transform_6(%arg0: i32) -> (i32, i32) {
    %c0_i32 = arith.constant 0 : i32
    %c0_i32_0 = arith.constant 0 : i32
    %c0_i32_1 = arith.constant 0 : i32
    return %c0_i32, %c0_i32_0 : i32, i32
  }
  func.func @transform_7(%arg0: i32) -> (i32, i32) {
    %c0_i32 = arith.constant 0 : i32
    %c0_i32_0 = arith.constant 0 : i32
    %c0_i32_1 = arith.constant 0 : i32
    return %c0_i32, %c0_i32_0 : i32, i32
  }
  func.func @transform_8(%arg0: i32) -> (i32, i32) {
    %c0_i32 = arith.constant 0 : i32
    %c0_i32_0 = arith.constant 0 : i32
    %c0_i32_1 = arith.constant 0 : i32
    return %c0_i32, %c0_i32_0 : i32, i32
  }
  func.func @transform_9(%arg0: i32) -> (i32, i32) {
    %c0_i32 = arith.constant 0 : i32
    %c0_i32_0 = arith.constant 0 : i32
    return %arg0, %c0_i32 : i32, i32
  }
}

</mosaic_0001>

<sc_bundles>
// kernel: kernel.5.cloned.1.call-start
scs
__scs_entry_jumppad:
0x0: {  	(pc) =	sbr.rel $0x88, $3  }
0x1: {  	(tag) =	ssettag $0x0;
	lr =	simm.s32 $0x1  }
0x2: {  	[smem:$0x3F9E] =	sst lr;
	_ =	strace $0xD0000000  }
0x3: {  	_ = 	snop  }
0x4: {  	_ = 	snop  }
0x5: {  	_ = 	snop  }
0x6: {  	_ = 	snop  }
0x7: {  	_ = 	snop  }
__scs_overlays_trampoline_lowered:
0x8: {  	[smem:$0x3FAD] =	sst s0  }
0x9: {  	[smem:$0x3FAE] =	sst s1  }
0xa: {  	[smem:$0x3FAF] =	sst s2  }
0xb: {  	[smem:$0x3FB0] =	sst s3  }
0xc: {  	[smem:$0x3FB1] =	sst s4  }
0xd: {  	[smem:$0x3FB2] =	sst s5  }
0xe: {  	[smem:$0x3FB3] =	sst s6  }
0xf: {  	[smem:$0x3FB4] =	sst s7  }
0x10: {  	[smem:$0x3FB5] =	sst s8  }
0x11: {  	[smem:$0x3FB6] =	sst s9;
	s0 =	simm.s32 @!p0 $0x0  }
0x12: {  	s1 =	sld [smem:$0x3F9C];
	s0 =	simm.s32 @p0 $0x1  }
0x13: {  	[smem:$0x3FB7] =	sst s0;
	s0 =	simm.s32 @!p1 $0x0  }
0x14: {  	s2 =	sld [smem:$0x3F9B];
	s0 =	simm.s32 @p1 $0x1  }
0x15: {  	[smem:$0x3FB8] =	sst s0;
	s0 =	simm.s32 @!p2 $0x0  }
0x16: {  	s3 =	sld [smem:$0x3FDB];
	s0 =	simm.s32 @p2 $0x1  }
0x17: {  	s4 =	simm.s32 $0x1BF5;
	[smem:$0x3FBA] =	sst s0  }
0x18: {  	s0 =	sld [smem:$0x3F9D];
	_ =	swait.ge [sflag:s4], $0x0  }
0x19: {  	s7 =	sld [smem:$0x3F9E]  }
0x1a: {  	s8 =	sadd.s32 $0xFFFFE003, lr  }
0x1b: {  	s9 =	sadd.s32 $0xFFFFFEF7, lr;
	s5 =	simm.s32 $0xFFFFFFFF;
	p2 =	slt.u32 s8, $0xFFFFF086  }
0x1c: {  	p1 =	slt.u32 s9, $0xF7A;
	s5 =	simm.s32 @!p2 $0x0  }
0x1d: {  	s5 =	simm.s32 @p1 $0x1;
	p0 =	seq.s32 s7, s2  }
0x1e: {  	s7 =	smul.u32 @!p0 $0xF7A, s2;
	p2 =	seq.s32 @!p0 s5, $0x0  }
0x1f: {  	s9 =	smul.u32 $0xF7A, s1;
	s8 =	simm.s32 @!p0 $0x1BF5;
	p2 =	por !p2, p0  }
0x20: {  	[sflag:s8] =	ssyncset.s32 @!p0 $0xFFFFF086;
	s6 =	sadd.s32 @!p0 s3, s7;
	s7 =	simm.s32 @!p0 $0x108  }
0x21: {  	s3 =	sadd.s32 s3, s9;
	s6 =	sadd.s32 @!p0 $0x88, s6;
	s7 =	simm.s32 @p2 $0x1082  }
0x22: {  	[simem:s7], [sflag:s8] =	dma.local @!p0 [hbm:s6], $0xF7A  }
0x23: {  	s9 =	sor.u32 $0xD0000000, s2;
	s6 =	simm.s32 $0x108;
	_ =	swait.ge @!p0 [sflag:s8], $0x0  }
0x24: {  	s3 =	sadd.s32 $0x88, s3;
	s6 =	simm.s32 @!p1 $0x1082;
	[sflag:s4] =	ssyncset.s32 $0xFFFFF086  }
0x25: {  	[simem:s6], [sflag:s4] =	dma.local [hbm:s3], $0xF7A  }
0x26: {  	[smem:$0x3F9E] =	sst s1;
	(tag) =	ssettag s2;
	_ =	strace s9  }
0x27: {  	s1 =	sld [smem:$0x3FAE]  }
0x28: {  	s2 =	sld [smem:$0x3FAF]  }
0x29: {  	s4 =	sld [smem:$0x3FB1]  }
0x2a: {  	p0 =	seq.s32 s5, $0x0;
	s5 =	sld [smem:$0x3FB2]  }
0x2b: {  	s6 =	sld [smem:$0x3FB3]  }
0x2c: {  	s7 =	sld [smem:$0x3FB4]  }
0x2d: {  	s3 =	simm.s32 $0x108;
	s8 =	sld [smem:$0x3FB5]  }
0x2e: {  	s3 =	simm.s32 @!p0 $0x1082;
	s9 =	sld [smem:$0x3FB6]  }
0x2f: {  	lr =	sadd.s32 s0, s3;
	s0 =	sld [smem:$0x3FAD]  }
0x30: {  	s3 =	sld [smem:$0x3FB0]  }
0x31: {  	[smem:$0x3FB9] =	sst s10  }
0x32: {  	s10 =	sld [smem:$0x3FB7];
	_ =	sdelay $0x3  }
0x33: {  	p0 =	seq.s32 s10, $0x1;
	s10 =	sld [smem:$0x3FB9];
	_ =	sdelay $0x3  }
0x34: {  	[smem:$0x3FB9] =	sst s10  }
0x35: {  	s10 =	sld [smem:$0x3FB8];
	_ =	sdelay $0x3  }
0x36: {  	p1 =	seq.s32 s10, $0x1;
	s10 =	sld [smem:$0x3FB9];
	_ =	sdelay $0x3  }
0x37: {  	[smem:$0x3FB9] =	sst s10  }
0x38: {  	s10 =	sld [smem:$0x3FBA]  }
0x39: {  	_ = 	snop;
	(pc) =	sbr.ind lr, $3  }
0x3a: {  	_ = 	snop  }
0x3b: {  	_ = 	snop  }
0x3c: {  	p2 =	seq.s32 s10, $0x1;
	s10 =	sld [smem:$0x3FB9]  }
0x3d: {  	_ =	shalt  }
0x3e: {  	_ =	shalt  }
0x3f: {  	_ =	shalt  }
0x40: {  	_ =	shalt  }
0x41: {  	_ =	shalt  }
0x42: {  	_ =	shalt  }
0x43: {  	_ =	shalt  }
0x44: {  	_ =	shalt  }
0x45: {  	_ =	shalt  }
0x46: {  	_ =	shalt  }
0x47: {  	_ =	shalt  }
0x48: {  	_ =	shalt  }
0x49: {  	_ =	shalt  }
0x4a: {  	_ =	shalt  }
0x4b: {  	_ =	shalt  }
0x4c: {  	_ =	shalt  }
0x4d: {  	_ =	shalt  }
0x4e: {  	_ =	shalt  }
0x4f: {  	_ =	shalt  }
0x50: {  	_ =	shalt  }
0x51: {  	_ =	shalt  }
0x52: {  	_ =	shalt  }
0x53: {  	_ =	shalt  }
0x54: {  	_ =	shalt  }
0x55: {  	_ =	shalt  }
0x56: {  	_ =	shalt  }
0x57: {  	_ =	shalt  }
0x58: {  	_ =	shalt  }
0x59: {  	_ =	shalt  }
0x5a: {  	_ =	shalt  }
0x5b: {  	_ =	shalt  }
0x5c: {  	_ =	shalt  }
0x5d: {  	_ =	shalt  }
0x5e: {  	_ =	shalt  }
0x5f: {  	_ =	shalt  }
0x60: {  	_ =	shalt  }
0x61: {  	_ =	shalt  }
0x62: {  	_ =	shalt  }
0x63: {  	_ =	shalt  }
0x64: {  	_ =	shalt  }
0x65: {  	_ =	shalt  }
0x66: {  	_ =	shalt  }
0x67: {  	_ =	shalt  }
0x68: {  	_ =	shalt  }
0x69: {  	_ =	shalt  }
0x6a: {  	_ =	shalt  }
0x6b: {  	_ =	shalt  }
0x6c: {  	_ =	shalt  }
0x6d: {  	_ =	shalt  }
0x6e: {  	_ =	shalt  }
0x6f: {  	_ =	shalt  }
0x70: {  	_ =	shalt  }
0x71: {  	_ =	shalt  }
0x72: {  	_ =	shalt  }
0x73: {  	_ =	shalt  }
0x74: {  	_ =	shalt  }
0x75: {  	_ =	shalt  }
0x76: {  	_ =	shalt  }
0x77: {  	_ =	shalt  }
0x78: {  	_ =	shalt  }
0x79: {  	_ =	shalt  }
0x7a: {  	_ =	shalt  }
0x7b: {  	_ =	shalt  }
0x7c: {  	_ =	shalt  }
0x7d: {  	_ =	shalt  }
0x7e: {  	_ =	shalt  }
0x7f: {  	_ =	shalt  }
0x80: {  	_ =	shalt  }
0x81: {  	_ =	shalt  }
0x82: {  	_ =	shalt  }
0x83: {  	_ =	shalt  }
0x84: {  	_ =	shalt  }
0x85: {  	_ =	shalt  }
0x86: {  	_ =	shalt  }
0x87: {  	_ =	shalt  }
.Lfunc_end0:
.L_simem_size_0:
called_computation_lowered:
.L_overlay_start_0:
0x88: {  	s2 =	sld [smem:$0x3FD9]  }
0x89: {  	s3 =	sld [smem:$0x3FFE];
	_ =	sdelay $0x1  }
0x8a: {  	s1 =	srdreg.scid  }
0x8b: {  	s0 =	sand.u32 $0x1, s1  }
0x8c: {  	s16 =	sshll.u32 s0, $0xA;
	s2 =	sadd.s32 s3, s2  }
0x8d: {  	s2 =	sadd.s32 s2, s16  }
0x8e: {  	[smem:$0x3FC5] =	sst s2  }
0x8f: {  	_ = 	snop  }
0x90: {  	(tm) =	ssettm $0x1  }
0x91: {  	s17 =	sld [smem:$0x3FFB];
	_ =	sdelay $0x3  }
0x92: {  	_ =	strace s17  }
0x93: {  	s2 =	sld [smem:$0x3FFC];
	_ =	sdelay $0x3  }
0x94: {  	_ =	strace s2  }
0x95: {  	s2 =	sld [smem:$0x3FFD];
	_ =	sdelay $0x3  }
0x96: {  	_ =	strace s2  }
0x97: {  	_ =	strace $0x8FFFFFFF  }
0x98: {  	s18 =	sld [smem:$0x3FDB];
	_ =	sdelay $0x1  }
0x99: {  	s19 =	simm.s32 $_scs_section_size  }
0x9a: {  	s4 =	simm.s32 $_size__tile_overlayer_lowered;
	s5 =	simm.s32 $_tile_overlayer_lowered  }
0x9b: {  	s22 =	simm.s32 $0x1BFF;
	s21 =	sshll.u32 s5, $0x1;
	s2 =	sadd.s32 s19, s18  }
0x9c: {  	s6 =	simm.s32 $0x0;
	s20 =	sshll.u32 s4, $0x1;
	s4 =	sadd.s32 s21, s2  }
0x9d: {  	[timem:s6], [sflag:s22] =	dma.local [hbm:s4], s20  }
0x9e: {  	_ =	swait.ge [sflag:s22], s20  }
0x9f: {  	s3 =	ssub.s32 $0x0, s20;
	[sflag:s22] =	ssyncset.done $0x0  }
0xa0: {  	[sflag:s22] =	ssyncadd.s32 s3;
	_ =	sdelay $0x1  }
0xa1: {  	s23 =	simm.s32 $0x1B8B  }
0xa2: {  	_ =	swait.ge [sflag:s23], $0x1  }
0xa3: {  	[sflag:s23] =	ssyncset.done $0x0  }
0xa4: {  	s25 =	simm.s32 $0x1B8E;
	s24 =	sld [smem:$0x3FFE];
	[sflag:s23] =	ssyncadd.s32 $0xFFFFFFFF  }
0xa5: {  	s26 =	simm.s32 $execute0_lowered;
	[smem:$0x3FD2] =	sst s25  }
0xa6: {  	s4 =	sshll.u32 s26, $0x1;
	_ =	strace $0x80000046;
	[dreg:$0x1] =	wrdreg $0xFFFFFFFF  }
0xa7: {  	s28 =	simm.s32 $_size_execute0_lowered;
	s2 =	sadd.s32 s2, s4;
	[dreg:$0x0] =	wrdreg $0x0  }
0xa8: {  	s4 =	sshll.u32 s28, $0x1;
	[dreg:$0x2] =	wrdreg s2  }
0xa9: {  	[dreg:$0x3] =	wrdreg s4  }
0xaa: {  	[dreg:$0x4] =	wrdreg $0xC0  }
0xab: {  	_ =	task [dreg:s6], $0x5FFFF  }
0xac: {  	[dreg:$0x1] =	wrdreg $0xFFFFFFFF  }
0xad: {  	[dreg:$0x0] =	wrdreg $0x60  }
0xae: {  	[dreg:$0x2] =	wrdreg s24  }
0xaf: {  	[dreg:$0x3] =	wrdreg $0x9  }
0xb0: {  	_ =	task.clear_ibuf [dreg:s6], $0x4FFFF;
	_ =	strace $0x90000046  }
0xb1: {  	s29 =	simm.s32 $0x9;
	_ =	strace $0x80000048  }
0xb2: {  	_ =	swait.ge [sflag:s29], $0x1  }
0xb3: {  	[sflag:s29] =	ssyncadd.s32 $0xFFFFFFFF  }
0xb4: {  	_ =	strace $0x90000048  }
0xb5: {  	_ =	sfence  }
0xb6: {  	s30 =	sld [smem:$0x0];
	_ =	sdelay $0x2  }
0xb7: {  	s31 =	sshll.u32 s1, $0xD;
	s1 =	sshrl.u32 s1, $0x2  }
0xb8: {  	s3 =	sand.u32 $0x4000, s31;
	s1 =	sadd.s32 s1, s30  }
0xb9: {  	s0 =	sor.u32 s3, s0;
	s1 =	sshll.u32 s1, $0x11  }
0xba: {  	s0 =	sor.u32 s1, s0  }
0xbb: {  	s0 =	sadd.s32 $0x8F2B, s0  }
0xbc: {  	[sflag:s0] =	ssyncadd.remote.s32 $0x1  }
0xbd: {  	_ =	sfence.sel $0xFFFF  }
0xbe: {  	[dreg:$0x0] =	wrdreg $0xFFFFFFFF;
	(pc) =	sbr.abs _section_cstart, $3  }
0xbf: {  	[dreg:$0x1] =	wrdreg $0xFFFFFFFF  }
0xc0: {  	_ =	task.clear_ibuf [dreg:s6], $0x2FFFF;
	_ =	strace $0x9FFFFFFF  }
0xc1: {  	(tm) =	ssettm $0x7FFFFFFF  }
tec
execute0_lowered:
.L_overlay_start_1:
0x0: {  	(tag) =	ssettag $0x1  }
0x1: {  	s0 =	rddreg [dreg:$0x0];
	s1 =	srdreg.scid;
	s2 =	simm.s32 $0x0  }
0x2: {  	s3 =	stileid.u32;
	p0 =	por $0x0, $0x0;
	s1 =	sand.u32 $0x1, s1  }
0x3: {  	[smem:$0x7FF] =	sst s2;
	s4 =	sshll.u32 s3, $0x11;
	s3 =	sadd.s32 $0x41A00, s0  }
0x4: {  	s5 =	sshll.u32 s1, $0x10;
	_ =	strace $0x80000047;
	s6 =	ssub.s32 $0x2, s1  }
0x5: {  	s5 =	sor.u32 s5, s4;
	s4 =	sadd.s32 $0x1A00, s0;
	s0 =	sadd.s32 $0x241A00, s0  }
0x6: {  	s7 =	sshrl.u32 s5, $0x3;
	s14 =	sor.u32 $0x800, s5;
	s8 =	sor.u32 $0x1000, s5  }
0x7: {  	s10 =	sor.u32 $0x1800, s5;
	s19 =	sor.u32 $0x2000, s5;
	s20 =	sadd.s32 s0, s5  }
0x8: {  	s22 =	sor.u32 $0x2800, s5;
	s13 =	sadd.s32 s4, s7;
	[dreg:$0x6] =	wrdreg s20  }
0x9: {  	s26 =	sor.u32 $0x3000, s5;
	s23 =	sadd.s32 s0, s14;
	[dreg:$0x2] =	wrdreg s13  }
0xa: {  	s9 =	sshrl.u32 s8, $0x3;
	s8 =	sadd.s32 s0, s8;
	[dreg:$0x8] =	wrdreg s23  }
0xb: {  	s15 =	sshrl.u32 s14, $0x3;
	s14 =	sadd.s32 s0, s10;
	[dreg:$0xa] =	wrdreg s8  }
0xc: {  	s24 =	sshrl.u32 s22, $0x3;
	s22 =	sadd.s32 s0, s22;
	[dreg:$0xc] =	wrdreg s14  }
0xd: {  	s17 =	sshrl.u32 s10, $0x3;
	s1 =	sadd.s32 s4, s15;
	[dreg:$0x10] =	wrdreg s22  }
0xe: {  	s11 =	sshrl.u32 s19, $0x3;
	s16 =	sadd.s32 s4, s9;
	[dreg:$0x3] =	wrdreg s1  }
0xf: {  	s12 =	sshrl.u32 s26, $0x3;
	s18 =	sadd.s32 s4, s17;
	[dreg:$0x4] =	wrdreg s16  }
0x10: {  	s10 =	simm.s32 $0x4;
	s21 =	sadd.s32 s4, s11;
	[dreg:$0x5] =	wrdreg s18  }
0x11: {  	s25 =	sadd.s32 s4, s24;
	s13 =	sadd.s32 s4, s12;
	[dreg:$0x7] =	wrdreg s21  }
0x12: {  	s8 =	sor.u32 $0x3800, s5;
	s17 =	sor.u32 $0x4000, s5;
	[dreg:$0x9] =	wrdreg s25  }
0x13: {  	s11 =	sor.u32 $0x5000, s5;
	s9 =	sor.u32 $0x9800, s5;
	[dreg:$0xb] =	wrdreg s13  }
0x14: {  	s15 =	sshrl.u32 s8, $0x3;
	s18 =	sadd.s32 s0, s19;
	s1 =	rddreg [dreg:$0x2]  }
0x15: {  	s19 =	sshrl.u32 s17, $0x3;
	s25 =	sadd.s32 s0, s26;
	[dreg:$0xe] =	wrdreg s18  }
0x16: {  	s21 =	sor.u32 $0x4800, s5;
	s14 =	sadd.s32 s0, s8;
	[dreg:$0x12] =	wrdreg s25  }
0x17: {  	s26 =	sshrl.u32 s11, $0x3;
	s17 =	sadd.s32 s0, s17;
	[dreg:$0x14] =	wrdreg s14  }
0x18: {  	s13 =	sor.u32 $0x5800, s5;
	s16 =	sadd.s32 s4, s15;
	[dreg:$0x16] =	wrdreg s17  }
0x19: {  	s8 =	sor.u32 $0x6000, s5;
	s20 =	sadd.s32 s4, s19;
	[dreg:$0xd] =	wrdreg s16  }
0x1a: {  	s23 =	sshrl.u32 s21, $0x3;
	s12 =	sadd.s32 s4, s26;
	[dreg:$0xf] =	wrdreg s20  }
0x1b: {  	s15 =	sshrl.u32 s13, $0x3;
	s21 =	sadd.s32 s0, s21;
	[dreg:$0x13] =	wrdreg s12  }
0x1c: {  	s18 =	sshrl.u32 s8, $0x3;
	s25 =	sadd.s32 s0, s11;
	[dreg:$0x18] =	wrdreg s21  }
0x1d: {  	s13 =	sadd.s32 s0, s13;
	s17 =	sadd.s32 s0, s8;
	[dreg:$0x1a] =	wrdreg s25  }
0x1e: {  	s8 =	sor.u32 $0x8800, s5;
	s24 =	sadd.s32 s4, s23;
	[dreg:$0x1c] =	wrdreg s13  }
0x1f: {  	s16 =	sadd.s32 s4, s15;
	s19 =	sadd.s32 s4, s18;
	[dreg:$0x1e] =	wrdreg s17  }
0x20: {  	s20 =	sor.u32 $0x6800, s5;
	s12 =	sor.u32 $0x7800, s5;
	[dreg:$0x11] =	wrdreg s24  }
0x21: {  	s21 =	sshrl.u32 s8, $0x3;
	s13 =	sshrl.u32 s9, $0x3;
	[dreg:$0x15] =	wrdreg s16  }
0x22: {  	s9 =	sadd.s32 s0, s9;
	[dreg:$0x17] =	wrdreg s19;
	s22 =	sshrl.u32 s20, $0x3  }
0x23: {  	s24 =	sor.u32 $0x7000, s5;
	s20 =	sadd.s32 s0, s20;
	[smem:$0x7F7] =	sst s9  }
0x24: {  	s14 =	sshrl.u32 s12, $0x3;
	s12 =	sadd.s32 s0, s12;
	[smem:$0x7EB] =	sst s20  }
0x25: {  	s16 =	sor.u32 $0x8000, s5;
	s23 =	sadd.s32 s4, s22;
	[smem:$0x7EF] =	sst s12  }
0x26: {  	s9 =	simm.s32 $0xA000;
	s15 =	sadd.s32 s4, s14;
	[dreg:$0x19] =	wrdreg s23  }
0x27: {  	s26 =	sshrl.u32 s24, $0x3;
	s22 =	sadd.s32 s4, s21;
	[dreg:$0x1d] =	wrdreg s15  }
0x28: {  	s18 =	sshrl.u32 s16, $0x3;
	s24 =	sadd.s32 s0, s24;
	[smem:$0x7EC] =	sst s22  }
0x29: {  	s14 =	sadd.s32 s4, s13;
	s16 =	sadd.s32 s0, s16;
	[smem:$0x7ED] =	sst s24  }
0x2a: {  	s20 =	sadd.s32 s0, s8;
	s8 =	sor.u32 $0xB000, s5;
	[smem:$0x7F0] =	sst s14  }
0x2b: {  	s11 =	sadd.s32 s4, s26;
	s19 =	sadd.s32 s4, s18;
	[smem:$0x7F1] =	sst s16  }
0x2c: {  	s23 =	sor.u32 $0x9000, s5;
	s15 =	sor.u32 $0xA000, s5;
	[smem:$0x7F3] =	sst s20  }
0x2d: {  	s24 =	sshrl.u32 s8, $0x3;
	s14 =	sor.u32 $0xC000, s5;
	[dreg:$0x1b] =	wrdreg s11  }
0x2e: {  	[dreg:$0x1f] =	wrdreg s19;
	s25 =	sshrl.u32 s23, $0x3;
	s17 =	sshrl.u32 s15, $0x3  }
0x2f: {  	s19 =	sor.u32 $0xA800, s5;
	s23 =	sadd.s32 s0, s23;
	s15 =	sadd.s32 s0, s15  }
0x30: {  	s16 =	sshrl.u32 s14, $0x3;
	s28 =	sadd.s32 s0, s14;
	[smem:$0x7F5] =	sst s23  }
0x31: {  	s26 =	sadd.s32 s4, s25;
	s18 =	sadd.s32 s4, s17;
	[smem:$0x7F9] =	sst s15  }
0x32: {  	s21 =	sshrl.u32 s19, $0x3;
	s25 =	sadd.s32 s4, s24;
	[smem:$0x7EE] =	sst s26  }
0x33: {  	s17 =	sadd.s32 s4, s16;
	s19 =	sadd.s32 s0, s19;
	[smem:$0x7F2] =	sst s18  }
0x34: {  	s23 =	sadd.s32 s0, s8;
	s15 =	sor.u32 $0xE800, s5;
	[smem:$0x7F6] =	sst s25  }
0x35: {  	s8 =	simm.s32 $0xE000;
	s22 =	sadd.s32 s4, s21;
	[smem:$0x7FA] =	sst s17  }
0x36: {  	s26 =	sor.u32 $0xB800, s5;
	s18 =	sor.u32 $0xC800, s5;
	[smem:$0x7FB] =	sst s19  }
0x37: {  	s25 =	sor.u32 $0xD800, s5;
	[smem:$0x7FD] =	sst s23;
	s17 =	sshrl.u32 s15, $0x3  }
0x38: {  	[smem:$0x7F4] =	sst s22;
	s12 =	sshrl.u32 s26, $0x3;
	s20 =	sshrl.u32 s18, $0x3  }
0x39: {  	s22 =	sor.u32 $0xD000, s5;
	s7 =	sshrl.u32 s25, $0x3;
	s30 =	sadd.s32 s0, s26  }
0x3a: {  	s23 =	sadd.s32 s4, s17;
	s16 =	sadd.s32 s0, s25;
	s17 =	simm.s32 $0x800  }
0x3b: {  	s25 =	simm.s32 $0x1000;
	s13 =	sadd.s32 s4, s12;
	s12 =	sshrl.u32 s6, $0x1  }
0x3c: {  	s21 =	sadd.s32 s4, s20;
	s24 =	sshrl.u32 s22, $0x3;
	s29 =	sadd.s32 s4, s7  }
0x3d: {  	s7 =	sadd.s32 s0, s15;
	s15 =	simm.s32 $0x2000;
	[smem:$0x7F8] =	sst s13  }
0x3e: {  	s12 =	ssub.s32 s6, s12;
	[smem:$0x7FC] =	sst s21;
	s31 =	sadd.s32 s4, s24  }
0x3f: {  	s13 =	sor.u32 $0xE000, s5;
	s24 =	sadd.s32 s0, s18;
	s18 =	sor.u32 $0xF000, s5  }
0x40: {  	s5 =	sor.u32 $0xF800, s5;
	s21 =	sadd.s32 s0, s22;
	s22 =	smax.u32 s12, $0x1  }
0x41: {  	s14 =	sshrl.u32 s13, $0x3;
	s19 =	sshrl.u32 s18, $0x3;
	p1 =	sne.s32 s22, $0x1  }
.Ltmp0:
0x42: {  	s20 =	sshrl.u32 s5, $0x3;
	s11 =	sadd.s32 s0, s13;
	(pc) =	sbr.rel @!p1 .LBB2_3-.Ltmp0, $4  }
0x43: {  	s6 =	sadd.s32 s0, s18;
	s5 =	sadd.s32 s0, s5;
	s12 =	simm.s32 $0x6000  }
0x44: {  	s18 =	simm.s32 $0x2;
	s13 =	simm.s32 $0x3;
	s26 =	sadd.s32 s4, s14  }
0x45: {  	s19 =	sadd.s32 s4, s19;
	s14 =	sadd.s32 s4, s20;
	s4 =	simm.s32 $0x5  }
0x46: {  	s0 =	sadd.s32 $0xFFFFFFFF, s22;
	s22 =	simm.s32 $0x1800;
	s20 =	simm.s32 $0x1  }
0x47: {  	[tilespmem:s2], [sflag:$0x5] =	stream.linear.gather [hbm4b:s1+s2], $0x800, $0x38;
	[tilespmem:$0x12000] =	vst v63  }
0x48: {  	_ =	swait.ge [sflag:s4], $0x800  }
0x49: {  	[sflag:s4] =	ssyncset.done $0x0  }
0x4a: {  	[sflag:s4] =	ssyncadd.s32 $0xFFFFF800  }
0x4b: {  	[tilespmem:s15], [sflag:$0x1] =	stream.indirect.gather [hbm4b:s3+s17], $0x8, s2, s17, $0xb8;
	[tilespmem:$0x12000] =	vst v63  }
0x4c: {  	s1 =	rddreg [dreg:$0x3]  }
0x4d: {  	[tilespmem:s17], [sflag:$0x5] =	stream.linear.gather [hbm4b:s1+s2], $0x800, $0x38;
	[tilespmem:$0x12000] =	vst v63  }
0x4e: {  	_ =	swait.ge [sflag:s4], $0x800  }
0x4f: {  	[sflag:s4] =	ssyncset.done $0x0  }
0x50: {  	[sflag:s4] =	ssyncadd.s32 $0xFFFFF800  }
0x51: {  	[tilespmem:s12], [sflag:$0x2] =	stream.indirect.gather [hbm4b:s3+s17], $0x8, s17, s17, $0xb8;
	[tilespmem:$0x12000] =	vst v63  }
0x52: {  	s1 =	rddreg [dreg:$0x4]  }
0x53: {  	[tilespmem:s25], [sflag:$0x5] =	stream.linear.gather [hbm4b:s1+s2], $0x800, $0x38;
	[tilespmem:$0x12000] =	vst v63  }
0x54: {  	_ =	swait.ge [sflag:s4], $0x800  }
0x55: {  	[sflag:s4] =	ssyncset.done $0x0  }
0x56: {  	[sflag:s4] =	ssyncadd.s32 $0xFFFFF800  }
0x57: {  	[tilespmem:s9], [sflag:$0x3] =	stream.indirect.gather [hbm4b:s3+s17], $0x8, s25, s17, $0xb8;
	[tilespmem:$0x12000] =	vst v63  }
0x58: {  	s1 =	rddreg [dreg:$0x5]  }
0x59: {  	[tilespmem:s22], [sflag:$0x5] =	stream.linear.gather [hbm4b:s1+s2], $0x800, $0x38;
	[tilespmem:$0x12000] =	vst v63  }
0x5a: {  	_ =	swait.ge [sflag:s4], $0x800  }
0x5b: {  	[sflag:s4] =	ssyncset.done $0x0  }
0x5c: {  	[sflag:s4] =	ssyncadd.s32 $0xFFFFF800  }
0x5d: {  	[tilespmem:s8], [sflag:$0x4] =	stream.indirect.gather [hbm4b:s3+s17], $0x8, s22, s17, $0xb8;
	[tilespmem:$0x12000] =	vst v63  }
0x5e: {  	_ =	swait.ge [sflag:s20], $0x4000  }
0x5f: {  	[sflag:s20] =	ssyncset.done $0x0  }
0x60: {  	s1 =	rddreg [dreg:$0x6];
	[sflag:s20] =	ssyncadd.s32 $0xFFFFC000  }
0x61: {  	[hbm4b:s1+s2] =	stream.linear.scatter [tilespmem:s15], [sflag:$0x5], $0x4000, $0x38;
	[tilespmem:$0x12000] =	vst v63  }
0x62: {  	_ =	swait.ge [sflag:s4], $0x4000  }
0x63: {  	[sflag:s4] =	ssyncset.done $0x0  }
0x64: {  	s1 =	rddreg [dreg:$0x7];
	[sflag:s4] =	ssyncadd.s32 $0xFFFFC000  }
0x65: {  	[tilespmem:s2], [sflag:$0x5] =	stream.linear.gather [hbm4b:s1+s2], $0x800, $0x38;
	[tilespmem:$0x12000] =	vst v63  }
0x66: {  	_ =	swait.ge [sflag:s4], $0x800  }
0x67: {  	[sflag:s4] =	ssyncset.done $0x0  }
0x68: {  	[sflag:s4] =	ssyncadd.s32 $0xFFFFF800  }
0x69: {  	[tilespmem:s15], [sflag:$0x1] =	stream.indirect.gather [hbm4b:s3+s17], $0x8, s2, s17, $0xb8;
	[tilespmem:$0x12000] =	vst v63  }
0x6a: {  	_ =	swait.ge [sflag:s18], $0x4000  }
0x6b: {  	[sflag:s18] =	ssyncset.done $0x0  }
0x6c: {  	s1 =	rddreg [dreg:$0x8];
	[sflag:s18] =	ssyncadd.s32 $0xFFFFC000  }
0x6d: {  	[hbm4b:s1+s2] =	stream.linear.scatter [tilespmem:s12], [sflag:$0x5], $0x4000, $0x38;
	[tilespmem:$0x12000] =	vst v63  }
0x6e: {  	_ =	swait.ge [sflag:s4], $0x4000  }
0x6f: {  	[sflag:s4] =	ssyncset.done $0x0  }
0x70: {  	s1 =	rddreg [dreg:$0x9];
	[sflag:s4] =	ssyncadd.s32 $0xFFFFC000  }
0x71: {  	[tilespmem:s17], [sflag:$0x5] =	stream.linear.gather [hbm4b:s1+s2], $0x800, $0x38;
	[tilespmem:$0x12000] =	vst v63  }
0x72: {  	_ =	swait.ge [sflag:s4], $0x800  }
0x73: {  	[sflag:s4] =	ssyncset.done $0x0  }
0x74: {  	[sflag:s4] =	ssyncadd.s32 $0xFFFFF800  }
0x75: {  	[tilespmem:s12], [sflag:$0x2] =	stream.indirect.gather [hbm4b:s3+s17], $0x8, s17, s17, $0xb8;
	[tilespmem:$0x12000] =	vst v63  }
0x76: {  	_ =	swait.ge [sflag:s13], $0x4000  }
0x77: {  	[sflag:s13] =	ssyncset.done $0x0  }
0x78: {  	s1 =	rddreg [dreg:$0xa];
	[sflag:s13] =	ssyncadd.s32 $0xFFFFC000  }
0x79: {  	[hbm4b:s1+s2] =	stream.linear.scatter [tilespmem:s9], [sflag:$0x5], $0x4000, $0x38;
	[tilespmem:$0x12000] =	vst v63  }
0x7a: {  	_ =	swait.ge [sflag:s4], $0x4000  }
0x7b: {  	[sflag:s4] =	ssyncset.done $0x0  }
0x7c: {  	s1 =	rddreg [dreg:$0xb];
	[sflag:s4] =	ssyncadd.s32 $0xFFFFC000  }
0x7d: {  	[tilespmem:s25], [sflag:$0x5] =	stream.linear.gather [hbm4b:s1+s2], $0x800, $0x38;
	[tilespmem:$0x12000] =	vst v63  }
0x7e: {  	_ =	swait.ge [sflag:s4], $0x800  }
0x7f: {  	[sflag:s4] =	ssyncset.done $0x0  }
0x80: {  	[sflag:s4] =	ssyncadd.s32 $0xFFFFF800  }
0x81: {  	[tilespmem:s9], [sflag:$0x3] =	stream.indirect.gather [hbm4b:s3+s17], $0x8, s25, s17, $0xb8;
	[tilespmem:$0x12000] =	vst v63  }
0x82: {  	_ =	swait.ge [sflag:s10], $0x4000  }
0x83: {  	[sflag:s10] =	ssyncset.done $0x0  }
0x84: {  	s1 =	rddreg [dreg:$0xc];
	[sflag:s10] =	ssyncadd.s32 $0xFFFFC000  }
0x85: {  	[hbm4b:s1+s2] =	stream.linear.scatter [tilespmem:s8], [sflag:$0x5], $0x4000, $0x38;
	[tilespmem:$0x12000] =	vst v63  }
0x86: {  	_ =	swait.ge [sflag:s4], $0x4000  }
0x87: {  	[sflag:s4] =	ssyncset.done $0x0  }
0x88: {  	s1 =	rddreg [dreg:$0xd];
	[sflag:s4] =	ssyncadd.s32 $0xFFFFC000  }
0x89: {  	[tilespmem:s22], [sflag:$0x5] =	stream.linear.gather [hbm4b:s1+s2], $0x800, $0x38;
	[tilespmem:$0x12000] =	vst v63  }
0x8a: {  	_ =	swait.ge [sflag:s4], $0x800  }
0x8b: {  	[sflag:s4] =	ssyncset.done $0x0  }
0x8c: {  	[sflag:s4] =	ssyncadd.s32 $0xFFFFF800  }
0x8d: {  	[tilespmem:s8], [sflag:$0x4] =	stream.indirect.gather [hbm4b:s3+s17], $0x8, s22, s17, $0xb8;
	[tilespmem:$0x12000] =	vst v63  }
0x8e: {  	_ =	swait.ge [sflag:s20], $0x4000  }
0x8f: {  	[sflag:s20] =	ssyncset.done $0x0  }
0x90: {  	s1 =	rddreg [dreg:$0xe];
	[sflag:s20] =	ssyncadd.s32 $0xFFFFC000  }
0x91: {  	[hbm4b:s1+s2] =	stream.linear.scatter [tilespmem:s15], [sflag:$0x5], $0x4000, $0x38;
	[tilespmem:$0x12000] =	vst v63  }
0x92: {  	_ =	swait.ge [sflag:s4], $0x4000  }
0x93: {  	[sflag:s4] =	ssyncset.done $0x0  }
0x94: {  	s1 =	rddreg [dreg:$0xf];
	[sflag:s4] =	ssyncadd.s32 $0xFFFFC000  }
0x95: {  	[tilespmem:s2], [sflag:$0x5] =	stream.linear.gather [hbm4b:s1+s2], $0x800, $0x38;
	[tilespmem:$0x12000] =	vst v63  }
0x96: {  	_ =	swait.ge [sflag:s4], $0x800  }
0x97: {  	[sflag:s4] =	ssyncset.done $0x0  }
0x98: {  	[sflag:s4] =	ssyncadd.s32 $0xFFFFF800  }
0x99: {  	[tilespmem:s15], [sflag:$0x1] =	stream.indirect.gather [hbm4b:s3+s17], $0x8, s2, s17, $0xb8;
	[tilespmem:$0x12000] =	vst v63  }
0x9a: {  	_ =	swait.ge [sflag:s18], $0x4000  }
0x9b: {  	[sflag:s18] =	ssyncset.done $0x0  }
0x9c: {  	s1 =	rddreg [dreg:$0x10];
	[sflag:s18] =	ssyncadd.s32 $0xFFFFC000  }
0x9d: {  	[hbm4b:s1+s2] =	stream.linear.scatter [tilespmem:s12], [sflag:$0x5], $0x4000, $0x38;
	[tilespmem:$0x12000] =	vst v63  }
0x9e: {  	_ =	swait.ge [sflag:s4], $0x4000  }
0x9f: {  	[sflag:s4] =	ssyncset.done $0x0  }
0xa0: {  	s1 =	rddreg [dreg:$0x11];
	[sflag:s4] =	ssyncadd.s32 $0xFFFFC000  }
0xa1: {  	[tilespmem:s17], [sflag:$0x5] =	stream.linear.gather [hbm4b:s1+s2], $0x800, $0x38;
	[tilespmem:$0x12000] =	vst v63  }
0xa2: {  	_ =	swait.ge [sflag:s4], $0x800  }
0xa3: {  	[sflag:s4] =	ssyncset.done $0x0  }
0xa4: {  	[sflag:s4] =	ssyncadd.s32 $0xFFFFF800  }
0xa5: {  	[tilespmem:s12], [sflag:$0x2] =	stream.indirect.gather [hbm4b:s3+s17], $0x8, s17, s17, $0xb8;
	[tilespmem:$0x12000] =	vst v63  }
0xa6: {  	_ =	swait.ge [sflag:s13], $0x4000  }
0xa7: {  	[sflag:s13] =	ssyncset.done $0x0  }
0xa8: {  	s1 =	rddreg [dreg:$0x12];
	[sflag:s13] =	ssyncadd.s32 $0xFFFFC000  }
0xa9: {  	[hbm4b:s1+s2] =	stream.linear.scatter [tilespmem:s9], [sflag:$0x5], $0x4000, $0x38;
	[tilespmem:$0x12000] =	vst v63  }
0xaa: {  	_ =	swait.ge [sflag:s4], $0x4000  }
0xab: {  	[sflag:s4] =	ssyncset.done $0x0  }
0xac: {  	s1 =	rddreg [dreg:$0x13];
	[sflag:s4] =	ssyncadd.s32 $0xFFFFC000  }
0xad: {  	[tilespmem:s25], [sflag:$0x5] =	stream.linear.gather [hbm4b:s1+s2], $0x800, $0x38;
	[tilespmem:$0x12000] =	vst v63  }
0xae: {  	_ =	swait.ge [sflag:s4], $0x800  }
0xaf: {  	[sflag:s4] =	ssyncset.done $0x0  }
0xb0: {  	[sflag:s4] =	ssyncadd.s32 $0xFFFFF800  }
0xb1: {  	[tilespmem:s9], [sflag:$0x3] =	stream.indirect.gather [hbm4b:s3+s17], $0x8, s25, s17, $0xb8;
	[tilespmem:$0x12000] =	vst v63  }
0xb2: {  	_ =	swait.ge [sflag:s10], $0x4000  }
0xb3: {  	[sflag:s10] =	ssyncset.done $0x0  }
0xb4: {  	s1 =	rddreg [dreg:$0x14];
	[sflag:s10] =	ssyncadd.s32 $0xFFFFC000  }
0xb5: {  	[hbm4b:s1+s2] =	stream.linear.scatter [tilespmem:s8], [sflag:$0x5], $0x4000, $0x38;
	[tilespmem:$0x12000] =	vst v63  }
0xb6: {  	_ =	swait.ge [sflag:s4], $0x4000  }
0xb7: {  	[sflag:s4] =	ssyncset.done $0x0  }
0xb8: {  	s1 =	rddreg [dreg:$0x15];
	[sflag:s4] =	ssyncadd.s32 $0xFFFFC000  }
0xb9: {  	[tilespmem:s22], [sflag:$0x5] =	stream.linear.gather [hbm4b:s1+s2], $0x800, $0x38;
	[tilespmem:$0x12000] =	vst v63  }
0xba: {  	_ =	swait.ge [sflag:s4], $0x800  }
0xbb: {  	[sflag:s4] =	ssyncset.done $0x0  }
0xbc: {  	[sflag:s4] =	ssyncadd.s32 $0xFFFFF800  }
0xbd: {  	[tilespmem:s8], [sflag:$0x4] =	stream.indirect.gather [hbm4b:s3+s17], $0x8, s22, s17, $0xb8;
	[tilespmem:$0x12000] =	vst v63  }
0xbe: {  	_ =	swait.ge [sflag:s20], $0x4000  }
0xbf: {  	[sflag:s20] =	ssyncset.done $0x0  }
0xc0: {  	s1 =	rddreg [dreg:$0x16];
	[sflag:s20] =	ssyncadd.s32 $0xFFFFC000  }
0xc1: {  	[hbm4b:s1+s2] =	stream.linear.scatter [tilespmem:s15], [sflag:$0x5], $0x4000, $0x38;
	[tilespmem:$0x12000] =	vst v63  }
0xc2: {  	_ =	swait.ge [sflag:s4], $0x4000  }
0xc3: {  	[sflag:s4] =	ssyncset.done $0x0  }
0xc4: {  	s1 =	rddreg [dreg:$0x17];
	[sflag:s4] =	ssyncadd.s32 $0xFFFFC000  }
0xc5: {  	[tilespmem:s2], [sflag:$0x5] =	stream.linear.gather [hbm4b:s1+s2], $0x800, $0x38;
	[tilespmem:$0x12000] =	vst v63  }
0xc6: {  	_ =	swait.ge [sflag:s4], $0x800  }
0xc7: {  	[sflag:s4] =	ssyncset.done $0x0  }
0xc8: {  	[sflag:s4] =	ssyncadd.s32 $0xFFFFF800  }
0xc9: {  	[tilespmem:s15], [sflag:$0x1] =	stream.indirect.gather [hbm4b:s3+s17], $0x8, s2, s17, $0xb8;
	[tilespmem:$0x12000] =	vst v63  }
0xca: {  	_ =	swait.ge [sflag:s18], $0x4000  }
0xcb: {  	[sflag:s18] =	ssyncset.done $0x0  }
0xcc: {  	s1 =	rddreg [dreg:$0x18];
	[sflag:s18] =	ssyncadd.s32 $0xFFFFC000  }
0xcd: {  	[hbm4b:s1+s2] =	stream.linear.scatter [tilespmem:s12], [sflag:$0x5], $0x4000, $0x38;
	[tilespmem:$0x12000] =	vst v63  }
0xce: {  	_ =	swait.ge [sflag:s4], $0x4000  }
0xcf: {  	[sflag:s4] =	ssyncset.done $0x0  }
0xd0: {  	s1 =	rddreg [dreg:$0x19];
	[sflag:s4] =	ssyncadd.s32 $0xFFFFC000  }
0xd1: {  	[tilespmem:s17], [sflag:$0x5] =	stream.linear.gather [hbm4b:s1+s2], $0x800, $0x38;
	[tilespmem:$0x12000] =	vst v63  }
0xd2: {  	_ =	swait.ge [sflag:s4], $0x800  }
0xd3: {  	[sflag:s4] =	ssyncset.done $0x0  }
0xd4: {  	[sflag:s4] =	ssyncadd.s32 $0xFFFFF800  }
0xd5: {  	[tilespmem:s12], [sflag:$0x2] =	stream.indirect.gather [hbm4b:s3+s17], $0x8, s17, s17, $0xb8;
	[tilespmem:$0x12000] =	vst v63  }
0xd6: {  	_ =	swait.ge [sflag:s13], $0x4000  }
0xd7: {  	[sflag:s13] =	ssyncset.done $0x0  }
0xd8: {  	s1 =	rddreg [dreg:$0x1a];
	[sflag:s13] =	ssyncadd.s32 $0xFFFFC000  }
0xd9: {  	[hbm4b:s1+s2] =	stream.linear.scatter [tilespmem:s9], [sflag:$0x5], $0x4000, $0x38;
	[tilespmem:$0x12000] =	vst v63  }
0xda: {  	_ =	swait.ge [sflag:s4], $0x4000  }
0xdb: {  	[sflag:s4] =	ssyncset.done $0x0  }
0xdc: {  	s1 =	rddreg [dreg:$0x1b];
	[sflag:s4] =	ssyncadd.s32 $0xFFFFC000  }
0xdd: {  	[tilespmem:s25], [sflag:$0x5] =	stream.linear.gather [hbm4b:s1+s2], $0x800, $0x38;
	[tilespmem:$0x12000] =	vst v63  }
0xde: {  	_ =	swait.ge [sflag:s4], $0x800  }
0xdf: {  	[sflag:s4] =	ssyncset.done $0x0  }
0xe0: {  	[sflag:s4] =	ssyncadd.s32 $0xFFFFF800  }
0xe1: {  	[tilespmem:s9], [sflag:$0x3] =	stream.indirect.gather [hbm4b:s3+s17], $0x8, s25, s17, $0xb8;
	[tilespmem:$0x12000] =	vst v63  }
0xe2: {  	_ =	swait.ge [sflag:s10], $0x4000  }
0xe3: {  	[sflag:s10] =	ssyncset.done $0x0  }
0xe4: {  	s1 =	rddreg [dreg:$0x1c];
	[sflag:s10] =	ssyncadd.s32 $0xFFFFC000  }
0xe5: {  	[hbm4b:s1+s2] =	stream.linear.scatter [tilespmem:s8], [sflag:$0x5], $0x4000, $0x38;
	[tilespmem:$0x12000] =	vst v63  }
0xe6: {  	_ =	swait.ge [sflag:s4], $0x4000  }
0xe7: {  	[sflag:s4] =	ssyncset.done $0x0  }
0xe8: {  	s1 =	rddreg [dreg:$0x1d];
	[sflag:s4] =	ssyncadd.s32 $0xFFFFC000  }
0xe9: {  	[tilespmem:s22], [sflag:$0x5] =	stream.linear.gather [hbm4b:s1+s2], $0x800, $0x38;
	[tilespmem:$0x12000] =	vst v63  }
0xea: {  	_ =	swait.ge [sflag:s4], $0x800  }
0xeb: {  	[sflag:s4] =	ssyncset.done $0x0  }
0xec: {  	[sflag:s4] =	ssyncadd.s32 $0xFFFFF800  }
0xed: {  	[tilespmem:s8], [sflag:$0x4] =	stream.indirect.gather [hbm4b:s3+s17], $0x8, s22, s17, $0xb8;
	[tilespmem:$0x12000] =	vst v63  }
0xee: {  	_ =	swait.ge [sflag:s20], $0x4000  }
0xef: {  	[sflag:s20] =	ssyncset.done $0x0  }
0xf0: {  	s1 =	rddreg [dreg:$0x1e];
	[sflag:s20] =	ssyncadd.s32 $0xFFFFC000  }
0xf1: {  	[hbm4b:s1+s2] =	stream.linear.scatter [tilespmem:s15], [sflag:$0x5], $0x4000, $0x38;
	[tilespmem:$0x12000] =	vst v63  }
0xf2: {  	_ =	swait.ge [sflag:s4], $0x4000  }
0xf3: {  	[sflag:s4] =	ssyncset.done $0x0  }
0xf4: {  	s1 =	rddreg [dreg:$0x1f];
	[sflag:s4] =	ssyncadd.s32 $0xFFFFC000  }
0xf5: {  	[tilespmem:s2], [sflag:$0x5] =	stream.linear.gather [hbm4b:s1+s2], $0x800, $0x38;
	[tilespmem:$0x12000] =	vst v63  }
0xf6: {  	_ =	swait.ge [sflag:s4], $0x800  }
0xf7: {  	[sflag:s4] =	ssyncset.done $0x0  }
0xf8: {  	[sflag:s4] =	ssyncadd.s32 $0xFFFFF800  }
0xf9: {  	[tilespmem:s15], [sflag:$0x1] =	stream.indirect.gather [hbm4b:s3+s17], $0x8, s2, s17, $0xb8;
	[tilespmem:$0x12000] =	vst v63  }
0xfa: {  	_ =	swait.ge [sflag:s18], $0x4000  }
0xfb: {  	s1 =	sld [smem:$0x7EB]  }
0xfc: {  	[sflag:s18] =	ssyncset.done $0x0  }
0xfd: {  	[sflag:s18] =	ssyncadd.s32 $0xFFFFC000  }
0xfe: {  	[hbm4b:s1+s2] =	stream.linear.scatter [tilespmem:s12], [sflag:$0x5], $0x4000, $0x38;
	[tilespmem:$0x12000] =	vst v63  }
0xff: {  	_ =	swait.ge [sflag:s4], $0x4000  }
0x100: {  	s1 =	sld [smem:$0x7EC]  }
0x101: {  	[sflag:s4] =	ssyncset.done $0x0  }
0x102: {  	[sflag:s4] =	ssyncadd.s32 $0xFFFFC000  }
0x103: {  	[tilespmem:s17], [sflag:$0x5] =	stream.linear.gather [hbm4b:s1+s2], $0x800, $0x38;
	[tilespmem:$0x12000] =	vst v63  }
0x104: {  	_ =	swait.ge [sflag:s4], $0x800  }
0x105: {  	[sflag:s4] =	ssyncset.done $0x0  }
0x106: {  	[sflag:s4] =	ssyncadd.s32 $0xFFFFF800  }
0x107: {  	[tilespmem:s12], [sflag:$0x2] =	stream.indirect.gather [hbm4b:s3+s17], $0x8, s17, s17, $0xb8;
	[tilespmem:$0x12000] =	vst v63  }
0x108: {  	_ =	swait.ge [sflag:s13], $0x4000  }
0x109: {  	s1 =	sld [smem:$0x7ED]  }
0x10a: {  	[sflag:s13] =	ssyncset.done $0x0  }
0x10b: {  	[sflag:s13] =	ssyncadd.s32 $0xFFFFC000  }
0x10c: {  	[hbm4b:s1+s2] =	stream.linear.scatter [tilespmem:s9], [sflag:$0x5], $0x4000, $0x38;
	[tilespmem:$0x12000] =	vst v63  }
0x10d: {  	_ =	swait.ge [sflag:s4], $0x4000  }
0x10e: {  	s1 =	sld [smem:$0x7EE]  }
0x10f: {  	[sflag:s4] =	ssyncset.done $0x0  }
0x110: {  	[sflag:s4] =	ssyncadd.s32 $0xFFFFC000  }
0x111: {  	[tilespmem:s25], [sflag:$0x5] =	stream.linear.gather [hbm4b:s1+s2], $0x800, $0x38;
	[tilespmem:$0x12000] =	vst v63  }
0x112: {  	_ =	swait.ge [sflag:s4], $0x800  }
0x113: {  	[sflag:s4] =	ssyncset.done $0x0  }
0x114: {  	[sflag:s4] =	ssyncadd.s32 $0xFFFFF800  }
0x115: {  	[tilespmem:s9], [sflag:$0x3] =	stream.indirect.gather [hbm4b:s3+s17], $0x8, s25, s17, $0xb8;
	[tilespmem:$0x12000] =	vst v63  }
0x116: {  	_ =	swait.ge [sflag:s10], $0x4000  }
0x117: {  	s1 =	sld [smem:$0x7EF]  }
0x118: {  	[sflag:s10] =	ssyncset.done $0x0  }
0x119: {  	[sflag:s10] =	ssyncadd.s32 $0xFFFFC000  }
0x11a: {  	[hbm4b:s1+s2] =	stream.linear.scatter [tilespmem:s8], [sflag:$0x5], $0x4000, $0x38;
	[tilespmem:$0x12000] =	vst v63  }
0x11b: {  	_ =	swait.ge [sflag:s4], $0x4000  }
0x11c: {  	s1 =	sld [smem:$0x7F0]  }
0x11d: {  	[sflag:s4] =	ssyncset.done $0x0  }
0x11e: {  	[sflag:s4] =	ssyncadd.s32 $0xFFFFC000  }
0x11f: {  	[tilespmem:s22], [sflag:$0x5] =	stream.linear.gather [hbm4b:s1+s2], $0x800, $0x38;
	[tilespmem:$0x12000] =	vst v63  }
0x120: {  	_ =	swait.ge [sflag:s4], $0x800  }
0x121: {  	[sflag:s4] =	ssyncset.done $0x0  }
0x122: {  	[sflag:s4] =	ssyncadd.s32 $0xFFFFF800  }
0x123: {  	[tilespmem:s8], [sflag:$0x4] =	stream.indirect.gather [hbm4b:s3+s17], $0x8, s22, s17, $0xb8;
	[tilespmem:$0x12000] =	vst v63  }
0x124: {  	_ =	swait.ge [sflag:s20], $0x4000  }
0x125: {  	s1 =	sld [smem:$0x7F1]  }
0x126: {  	[sflag:s20] =	ssyncset.done $0x0  }
0x127: {  	[sflag:s20] =	ssyncadd.s32 $0xFFFFC000  }
0x128: {  	[hbm4b:s1+s2] =	stream.linear.scatter [tilespmem:s15], [sflag:$0x5], $0x4000, $0x38;
	[tilespmem:$0x12000] =	vst v63  }
0x129: {  	_ =	swait.ge [sflag:s4], $0x4000  }
0x12a: {  	s1 =	sld [smem:$0x7F2]  }
0x12b: {  	[sflag:s4] =	ssyncset.done $0x0  }
0x12c: {  	[sflag:s4] =	ssyncadd.s32 $0xFFFFC000  }
0x12d: {  	[tilespmem:s2], [sflag:$0x5] =	stream.linear.gather [hbm4b:s1+s2], $0x800, $0x38;
	[tilespmem:$0x12000] =	vst v63  }
0x12e: {  	_ =	swait.ge [sflag:s4], $0x800  }
0x12f: {  	[sflag:s4] =	ssyncset.done $0x0  }
0x130: {  	[sflag:s4] =	ssyncadd.s32 $0xFFFFF800  }
0x131: {  	[tilespmem:s15], [sflag:$0x1] =	stream.indirect.gather [hbm4b:s3+s17], $0x8, s2, s17, $0xb8;
	[tilespmem:$0x12000] =	vst v63  }
0x132: {  	_ =	swait.ge [sflag:s18], $0x4000  }
0x133: {  	s1 =	sld [smem:$0x7F3]  }
0x134: {  	[sflag:s18] =	ssyncset.done $0x0  }
0x135: {  	[sflag:s18] =	ssyncadd.s32 $0xFFFFC000  }
0x136: {  	[hbm4b:s1+s2] =	stream.linear.scatter [tilespmem:s12], [sflag:$0x5], $0x4000, $0x38;
	[tilespmem:$0x12000] =	vst v63  }
0x137: {  	_ =	swait.ge [sflag:s4], $0x4000  }
0x138: {  	s1 =	sld [smem:$0x7F4]  }
0x139: {  	[sflag:s4] =	ssyncset.done $0x0  }
0x13a: {  	[sflag:s4] =	ssyncadd.s32 $0xFFFFC000  }
0x13b: {  	[tilespmem:s17], [sflag:$0x5] =	stream.linear.gather [hbm4b:s1+s2], $0x800, $0x38;
	[tilespmem:$0x12000] =	vst v63  }
0x13c: {  	_ =	swait.ge [sflag:s4], $0x800  }
0x13d: {  	[sflag:s4] =	ssyncset.done $0x0  }
0x13e: {  	[sflag:s4] =	ssyncadd.s32 $0xFFFFF800  }
0x13f: {  	[tilespmem:s12], [sflag:$0x2] =	stream.indirect.gather [hbm4b:s3+s17], $0x8, s17, s17, $0xb8;
	[tilespmem:$0x12000] =	vst v63  }
0x140: {  	_ =	swait.ge [sflag:s13], $0x4000  }
0x141: {  	s1 =	sld [smem:$0x7F5]  }
0x142: {  	[sflag:s13] =	ssyncset.done $0x0  }
0x143: {  	[sflag:s13] =	ssyncadd.s32 $0xFFFFC000  }
0x144: {  	[hbm4b:s1+s2] =	stream.linear.scatter [tilespmem:s9], [sflag:$0x5], $0x4000, $0x38;
	[tilespmem:$0x12000] =	vst v63  }
0x145: {  	_ =	swait.ge [sflag:s4], $0x4000  }
0x146: {  	s1 =	sld [smem:$0x7F6]  }
0x147: {  	[sflag:s4] =	ssyncset.done $0x0  }
0x148: {  	[sflag:s4] =	ssyncadd.s32 $0xFFFFC000  }
0x149: {  	[tilespmem:s25], [sflag:$0x5] =	stream.linear.gather [hbm4b:s1+s2], $0x800, $0x38;
	[tilespmem:$0x12000] =	vst v63  }
0x14a: {  	_ =	swait.ge [sflag:s4], $0x800  }
0x14b: {  	[sflag:s4] =	ssyncset.done $0x0  }
0x14c: {  	[sflag:s4] =	ssyncadd.s32 $0xFFFFF800  }
0x14d: {  	[tilespmem:s9], [sflag:$0x3] =	stream.indirect.gather [hbm4b:s3+s17], $0x8, s25, s17, $0xb8;
	[tilespmem:$0x12000] =	vst v63  }
0x14e: {  	_ =	swait.ge [sflag:s10], $0x4000  }
0x14f: {  	s1 =	sld [smem:$0x7F7]  }
0x150: {  	[sflag:s10] =	ssyncset.done $0x0  }
0x151: {  	[sflag:s10] =	ssyncadd.s32 $0xFFFFC000  }
0x152: {  	[hbm4b:s1+s2] =	stream.linear.scatter [tilespmem:s8], [sflag:$0x5], $0x4000, $0x38;
	[tilespmem:$0x12000] =	vst v63  }
0x153: {  	_ =	swait.ge [sflag:s4], $0x4000  }
0x154: {  	s1 =	sld [smem:$0x7F8]  }
0x155: {  	[sflag:s4] =	ssyncset.done $0x0  }
0x156: {  	[sflag:s4] =	ssyncadd.s32 $0xFFFFC000  }
0x157: {  	[tilespmem:s22], [sflag:$0x5] =	stream.linear.gather [hbm4b:s1+s2], $0x800, $0x38;
	[tilespmem:$0x12000] =	vst v63  }
0x158: {  	_ =	swait.ge [sflag:s4], $0x800  }
0x159: {  	[sflag:s4] =	ssyncset.done $0x0  }
0x15a: {  	[sflag:s4] =	ssyncadd.s32 $0xFFFFF800  }
0x15b: {  	[tilespmem:s8], [sflag:$0x4] =	stream.indirect.gather [hbm4b:s3+s17], $0x8, s22, s17, $0xb8;
	[tilespmem:$0x12000] =	vst v63  }
0x15c: {  	_ =	swait.ge [sflag:s20], $0x4000  }
0x15d: {  	s1 =	sld [smem:$0x7F9]  }
0x15e: {  	[sflag:s20] =	ssyncset.done $0x0  }
0x15f: {  	[sflag:s20] =	ssyncadd.s32 $0xFFFFC000  }
0x160: {  	[hbm4b:s1+s2] =	stream.linear.scatter [tilespmem:s15], [sflag:$0x5], $0x4000, $0x38;
	[tilespmem:$0x12000] =	vst v63  }
0x161: {  	_ =	swait.ge [sflag:s4], $0x4000  }
0x162: {  	s1 =	sld [smem:$0x7FA]  }
0x163: {  	[sflag:s4] =	ssyncset.done $0x0  }
0x164: {  	[sflag:s4] =	ssyncadd.s32 $0xFFFFC000  }
0x165: {  	[tilespmem:s2], [sflag:$0x5] =	stream.linear.gather [hbm4b:s1+s2], $0x800, $0x38;
	[tilespmem:$0x12000] =	vst v63  }
0x166: {  	_ =	swait.ge [sflag:s4], $0x800  }
0x167: {  	[sflag:s4] =	ssyncset.done $0x0  }
0x168: {  	[sflag:s4] =	ssyncadd.s32 $0xFFFFF800  }
0x169: {  	[tilespmem:s15], [sflag:$0x1] =	stream.indirect.gather [hbm4b:s3+s17], $0x8, s2, s17, $0xb8;
	[tilespmem:$0x12000] =	vst v63  }
0x16a: {  	_ =	swait.ge [sflag:s18], $0x4000  }
0x16b: {  	s1 =	sld [smem:$0x7FB]  }
0x16c: {  	[sflag:s18] =	ssyncset.done $0x0  }
0x16d: {  	[sflag:s18] =	ssyncadd.s32 $0xFFFFC000  }
0x16e: {  	[hbm4b:s1+s2] =	stream.linear.scatter [tilespmem:s12], [sflag:$0x5], $0x4000, $0x38;
	[tilespmem:$0x12000] =	vst v63  }
0x16f: {  	_ =	swait.ge [sflag:s4], $0x4000  }
0x170: {  	s1 =	sld [smem:$0x7FC]  }
0x171: {  	[sflag:s4] =	ssyncset.done $0x0  }
0x172: {  	[sflag:s4] =	ssyncadd.s32 $0xFFFFC000  }
0x173: {  	[tilespmem:s17], [sflag:$0x5] =	stream.linear.gather [hbm4b:s1+s2], $0x800, $0x38;
	[tilespmem:$0x12000] =	vst v63  }
0x174: {  	_ =	swait.ge [sflag:s4], $0x800  }
0x175: {  	[sflag:s4] =	ssyncset.done $0x0  }
0x176: {  	[sflag:s4] =	ssyncadd.s32 $0xFFFFF800  }
0x177: {  	[tilespmem:s12], [sflag:$0x2] =	stream.indirect.gather [hbm4b:s3+s17], $0x8, s17, s17, $0xb8;
	[tilespmem:$0x12000] =	vst v63  }
0x178: {  	_ =	swait.ge [sflag:s13], $0x4000  }
0x179: {  	s1 =	sld [smem:$0x7FD]  }
0x17a: {  	[sflag:s13] =	ssyncset.done $0x0  }
0x17b: {  	[sflag:s13] =	ssyncadd.s32 $0xFFFFC000  }
0x17c: {  	[hbm4b:s1+s2] =	stream.linear.scatter [tilespmem:s9], [sflag:$0x5], $0x4000, $0x38;
	[tilespmem:$0x12000] =	vst v63  }
0x17d: {  	_ =	swait.ge [sflag:s4], $0x4000  }
0x17e: {  	[sflag:s4] =	ssyncset.done $0x0  }
0x17f: {  	[sflag:s4] =	ssyncadd.s32 $0xFFFFC000  }
0x180: {  	[tilespmem:s25], [sflag:$0x5] =	stream.linear.gather [hbm4b:s31+s2], $0x800, $0x38;
	[tilespmem:$0x12000] =	vst v63  }
0x181: {  	_ =	swait.ge [sflag:s4], $0x800  }
0x182: {  	[sflag:s4] =	ssyncset.done $0x0  }
0x183: {  	[sflag:s4] =	ssyncadd.s32 $0xFFFFF800  }
0x184: {  	[tilespmem:s9], [sflag:$0x3] =	stream.indirect.gather [hbm4b:s3+s17], $0x8, s25, s17, $0xb8;
	[tilespmem:$0x12000] =	vst v63  }
0x185: {  	_ =	swait.ge [sflag:s10], $0x4000  }
0x186: {  	[sflag:s10] =	ssyncset.done $0x0  }
0x187: {  	[sflag:s10] =	ssyncadd.s32 $0xFFFFC000  }
0x188: {  	[hbm4b:s30+s2] =	stream.linear.scatter [tilespmem:s8], [sflag:$0x5], $0x4000, $0x38;
	[tilespmem:$0x12000] =	vst v63  }
0x189: {  	_ =	swait.ge [sflag:s4], $0x4000  }
0x18a: {  	[sflag:s4] =	ssyncset.done $0x0  }
0x18b: {  	[sflag:s4] =	ssyncadd.s32 $0xFFFFC000  }
0x18c: {  	[tilespmem:s22], [sflag:$0x5] =	stream.linear.gather [hbm4b:s29+s2], $0x800, $0x38;
	[tilespmem:$0x12000] =	vst v63  }
0x18d: {  	_ =	swait.ge [sflag:s4], $0x800  }
0x18e: {  	[sflag:s4] =	ssyncset.done $0x0  }
0x18f: {  	[sflag:s4] =	ssyncadd.s32 $0xFFFFF800  }
0x190: {  	[tilespmem:s8], [sflag:$0x4] =	stream.indirect.gather [hbm4b:s3+s17], $0x8, s22, s17, $0xb8;
	[tilespmem:$0x12000] =	vst v63  }
0x191: {  	_ =	swait.ge [sflag:s20], $0x4000  }
0x192: {  	[sflag:s20] =	ssyncset.done $0x0  }
0x193: {  	[sflag:s20] =	ssyncadd.s32 $0xFFFFC000  }
0x194: {  	[hbm4b:s28+s2] =	stream.linear.scatter [tilespmem:s15], [sflag:$0x5], $0x4000, $0x38;
	[tilespmem:$0x12000] =	vst v63  }
0x195: {  	_ =	swait.ge [sflag:s4], $0x4000  }
0x196: {  	[sflag:s4] =	ssyncset.done $0x0  }
0x197: {  	[sflag:s4] =	ssyncadd.s32 $0xFFFFC000  }
0x198: {  	[tilespmem:s2], [sflag:$0x5] =	stream.linear.gather [hbm4b:s26+s2], $0x800, $0x38;
	[tilespmem:$0x12000] =	vst v63  }
0x199: {  	_ =	swait.ge [sflag:s4], $0x800  }
0x19a: {  	[sflag:s4] =	ssyncset.done $0x0  }
0x19b: {  	[sflag:s4] =	ssyncadd.s32 $0xFFFFF800  }
0x19c: {  	[tilespmem:s15], [sflag:$0x1] =	stream.indirect.gather [hbm4b:s3+s17], $0x8, s2, s17, $0xb8;
	[tilespmem:$0x12000] =	vst v63  }
0x19d: {  	_ =	swait.ge [sflag:s18], $0x4000  }
0x19e: {  	[sflag:s18] =	ssyncset.done $0x0  }
0x19f: {  	[sflag:s18] =	ssyncadd.s32 $0xFFFFC000  }
0x1a0: {  	[hbm4b:s24+s2] =	stream.linear.scatter [tilespmem:s12], [sflag:$0x5], $0x4000, $0x38;
	[tilespmem:$0x12000] =	vst v63  }
0x1a1: {  	_ =	swait.ge [sflag:s4], $0x4000  }
0x1a2: {  	[sflag:s4] =	ssyncset.done $0x0  }
0x1a3: {  	[sflag:s4] =	ssyncadd.s32 $0xFFFFC000  }
0x1a4: {  	[tilespmem:s17], [sflag:$0x5] =	stream.linear.gather [hbm4b:s23+s2], $0x800, $0x38;
	[tilespmem:$0x12000] =	vst v63  }
0x1a5: {  	_ =	swait.ge [sflag:s4], $0x800  }
0x1a6: {  	[sflag:s4] =	ssyncset.done $0x0  }
0x1a7: {  	[sflag:s4] =	ssyncadd.s32 $0xFFFFF800  }
0x1a8: {  	[tilespmem:s12], [sflag:$0x2] =	stream.indirect.gather [hbm4b:s3+s17], $0x8, s17, s17, $0xb8;
	[tilespmem:$0x12000] =	vst v63  }
0x1a9: {  	_ =	swait.ge [sflag:s13], $0x4000  }
0x1aa: {  	[sflag:s13] =	ssyncset.done $0x0  }
0x1ab: {  	[sflag:s13] =	ssyncadd.s32 $0xFFFFC000  }
0x1ac: {  	[hbm4b:s21+s2] =	stream.linear.scatter [tilespmem:s9], [sflag:$0x5], $0x4000, $0x38;
	[tilespmem:$0x12000] =	vst v63  }
0x1ad: {  	_ =	swait.ge [sflag:s4], $0x4000  }
0x1ae: {  	[sflag:s4] =	ssyncset.done $0x0  }
0x1af: {  	[sflag:s4] =	ssyncadd.s32 $0xFFFFC000  }
0x1b0: {  	[tilespmem:s25], [sflag:$0x5] =	stream.linear.gather [hbm4b:s19+s2], $0x800, $0x38;
	[tilespmem:$0x12000] =	vst v63  }
0x1b1: {  	_ =	swait.ge [sflag:s4], $0x800  }
0x1b2: {  	[sflag:s4] =	ssyncset.done $0x0  }
0x1b3: {  	[sflag:s4] =	ssyncadd.s32 $0xFFFFF800  }
0x1b4: {  	[tilespmem:s9], [sflag:$0x3] =	stream.indirect.gather [hbm4b:s3+s17], $0x8, s25, s17, $0xb8;
	[tilespmem:$0x12000] =	vst v63  }
0x1b5: {  	_ =	swait.ge [sflag:s10], $0x4000  }
0x1b6: {  	[sflag:s10] =	ssyncset.done $0x0  }
0x1b7: {  	[sflag:s10] =	ssyncadd.s32 $0xFFFFC000  }
0x1b8: {  	[hbm4b:s16+s2] =	stream.linear.scatter [tilespmem:s8], [sflag:$0x5], $0x4000, $0x38;
	[tilespmem:$0x12000] =	vst v63  }
0x1b9: {  	_ =	swait.ge [sflag:s4], $0x4000  }
0x1ba: {  	[sflag:s4] =	ssyncset.done $0x0  }
0x1bb: {  	[sflag:s4] =	ssyncadd.s32 $0xFFFFC000  }
0x1bc: {  	[tilespmem:s22], [sflag:$0x5] =	stream.linear.gather [hbm4b:s14+s2], $0x800, $0x38;
	[tilespmem:$0x12000] =	vst v63  }
0x1bd: {  	_ =	swait.ge [sflag:s4], $0x800  }
0x1be: {  	[sflag:s4] =	ssyncset.done $0x0  }
0x1bf: {  	[sflag:s4] =	ssyncadd.s32 $0xFFFFF800  }
0x1c0: {  	[tilespmem:s8], [sflag:$0x4] =	stream.indirect.gather [hbm4b:s3+s17], $0x8, s22, s17, $0xb8;
	[tilespmem:$0x12000] =	vst v63  }
0x1c1: {  	_ =	swait.ge [sflag:s20], $0x4000  }
0x1c2: {  	[sflag:s20] =	ssyncset.done $0x0  }
0x1c3: {  	[sflag:s20] =	ssyncadd.s32 $0xFFFFC000  }
0x1c4: {  	[hbm4b:s11+s2] =	stream.linear.scatter [tilespmem:s15], [sflag:$0x5], $0x4000, $0x38;
	[tilespmem:$0x12000] =	vst v63  }
0x1c5: {  	_ =	swait.ge [sflag:s4], $0x4000  }
0x1c6: {  	[sflag:s4] =	ssyncset.done $0x0  }
0x1c7: {  	[sflag:s4] =	ssyncadd.s32 $0xFFFFC000  }
0x1c8: {  	_ =	swait.ge [sflag:s18], $0x4000  }
0x1c9: {  	[sflag:s18] =	ssyncset.done $0x0  }
0x1ca: {  	[sflag:s18] =	ssyncadd.s32 $0xFFFFC000  }
0x1cb: {  	[hbm4b:s7+s2] =	stream.linear.scatter [tilespmem:s12], [sflag:$0x5], $0x4000, $0x38;
	[tilespmem:$0x12000] =	vst v63  }
0x1cc: {  	_ =	swait.ge [sflag:s4], $0x4000  }
0x1cd: {  	[sflag:s4] =	ssyncset.done $0x0  }
0x1ce: {  	[sflag:s4] =	ssyncadd.s32 $0xFFFFC000  }
0x1cf: {  	_ =	swait.ge [sflag:s13], $0x4000  }
0x1d0: {  	[sflag:s13] =	ssyncset.done $0x0  }
0x1d1: {  	[sflag:s13] =	ssyncadd.s32 $0xFFFFC000  }
0x1d2: {  	[hbm4b:s6+s2] =	stream.linear.scatter [tilespmem:s9], [sflag:$0x5], $0x4000, $0x38;
	[tilespmem:$0x12000] =	vst v63  }
0x1d3: {  	_ =	swait.ge [sflag:s4], $0x4000  }
0x1d4: {  	[sflag:s4] =	ssyncset.done $0x0  }
0x1d5: {  	[sflag:s4] =	ssyncadd.s32 $0xFFFFC000  }
0x1d6: {  	p1 =	sne.s32 s0, $0x1;
	_ =	swait.ge [sflag:s10], $0x4000  }
.Ltmp1:
0x1d7: {  	[sflag:s10] =	ssyncset.done $0x0;
	(pc) =	sbr.rel @!p1 .LBB2_3-.Ltmp1, $4  }
0x1d8: {  	[sflag:s10] =	ssyncadd.s32 $0xFFFFC000  }
0x1d9: {  	[hbm4b:s5+s2] =	stream.linear.scatter [tilespmem:s8], [sflag:$0x5], $0x4000, $0x38;
	[tilespmem:$0x12000] =	vst v63  }
0x1da: {  	s0 =	sadd.s32 $0xFFFFFFFF, s0;
	_ =	swait.ge [sflag:s4], $0x4000  }
0x1db: {  	p0 =	por $0x1, $0x1;
	s1 =	rddreg [dreg:$0x2];
	[sflag:s4] =	ssyncset.done $0x0  }
.LBB2_2:
0x1dc: {  	[sflag:s4] =	ssyncadd.s32 $0xFFFFC000  }
0x1dd: {  	[tilespmem:s2], [sflag:$0x5] =	stream.linear.gather [hbm4b:s1+s2], $0x800, $0x38;
	[tilespmem:$0x12000] =	vst v63  }
0x1de: {  	_ =	swait.ge [sflag:s4], $0x800  }
0x1df: {  	[sflag:s4] =	ssyncset.done $0x0  }
0x1e0: {  	[sflag:s4] =	ssyncadd.s32 $0xFFFFF800  }
0x1e1: {  	[tilespmem:s15], [sflag:$0x1] =	stream.indirect.gather [hbm4b:s3+s17], $0x8, s2, s17, $0xb8;
	[tilespmem:$0x12000] =	vst v63  }
0x1e2: {  	s1 =	rddreg [dreg:$0x3]  }
0x1e3: {  	[tilespmem:s17], [sflag:$0x5] =	stream.linear.gather [hbm4b:s1+s2], $0x800, $0x38;
	[tilespmem:$0x12000] =	vst v63  }
0x1e4: {  	_ =	swait.ge [sflag:s4], $0x800  }
0x1e5: {  	[sflag:s4] =	ssyncset.done $0x0  }
0x1e6: {  	[sflag:s4] =	ssyncadd.s32 $0xFFFFF800  }
0x1e7: {  	[tilespmem:s12], [sflag:$0x2] =	stream.indirect.gather [hbm4b:s3+s17], $0x8, s17, s17, $0xb8;
	[tilespmem:$0x12000] =	vst v63  }
0x1e8: {  	s1 =	rddreg [dreg:$0x4]  }
0x1e9: {  	[tilespmem:s25], [sflag:$0x5] =	stream.linear.gather [hbm4b:s1+s2], $0x800, $0x38;
	[tilespmem:$0x12000] =	vst v63  }
0x1ea: {  	_ =	swait.ge [sflag:s4], $0x800  }
0x1eb: {  	[sflag:s4] =	ssyncset.done $0x0  }
0x1ec: {  	[sflag:s4] =	ssyncadd.s32 $0xFFFFF800  }
0x1ed: {  	[tilespmem:s9], [sflag:$0x3] =	stream.indirect.gather [hbm4b:s3+s17], $0x8, s25, s17, $0xb8;
	[tilespmem:$0x12000] =	vst v63  }
0x1ee: {  	s1 =	rddreg [dreg:$0x5]  }
0x1ef: {  	[tilespmem:s22], [sflag:$0x5] =	stream.linear.gather [hbm4b:s1+s2], $0x800, $0x38;
	[tilespmem:$0x12000] =	vst v63  }
0x1f0: {  	_ =	swait.ge [sflag:s4], $0x800  }
0x1f1: {  	[sflag:s4] =	ssyncset.done $0x0  }
0x1f2: {  	[sflag:s4] =	ssyncadd.s32 $0xFFFFF800  }
0x1f3: {  	[tilespmem:s8], [sflag:$0x4] =	stream.indirect.gather [hbm4b:s3+s17], $0x8, s22, s17, $0xb8;
	[tilespmem:$0x12000] =	vst v63  }
0x1f4: {  	_ =	swait.ge [sflag:s20], $0x4000  }
0x1f5: {  	[sflag:s20] =	ssyncset.done $0x0  }
0x1f6: {  	s1 =	rddreg [dreg:$0x6];
	[sflag:s20] =	ssyncadd.s32 $0xFFFFC000  }
0x1f7: {  	[hbm4b:s1+s2] =	stream.linear.scatter [tilespmem:s15], [sflag:$0x5], $0x4000, $0x38;
	[tilespmem:$0x12000] =	vst v63  }
0x1f8: {  	_ =	swait.ge [sflag:s4], $0x4000  }
0x1f9: {  	[sflag:s4] =	ssyncset.done $0x0  }
0x1fa: {  	s1 =	rddreg [dreg:$0x7];
	[sflag:s4] =	ssyncadd.s32 $0xFFFFC000  }
0x1fb: {  	[tilespmem:s2], [sflag:$0x5] =	stream.linear.gather [hbm4b:s1+s2], $0x800, $0x38;
	[tilespmem:$0x12000] =	vst v63  }
0x1fc: {  	_ =	swait.ge [sflag:s4], $0x800  }
0x1fd: {  	[sflag:s4] =	ssyncset.done $0x0  }
0x1fe: {  	[sflag:s4] =	ssyncadd.s32 $0xFFFFF800  }
0x1ff: {  	[tilespmem:s15], [sflag:$0x1] =	stream.indirect.gather [hbm4b:s3+s17], $0x8, s2, s17, $0xb8;
	[tilespmem:$0x12000] =	vst v63  }
0x200: {  	_ =	swait.ge [sflag:s18], $0x4000  }
0x201: {  	[sflag:s18] =	ssyncset.done $0x0  }
0x202: {  	s1 =	rddreg [dreg:$0x8];
	[sflag:s18] =	ssyncadd.s32 $0xFFFFC000  }
0x203: {  	[hbm4b:s1+s2] =	stream.linear.scatter [tilespmem:s12], [sflag:$0x5], $0x4000, $0x38;
	[tilespmem:$0x12000] =	vst v63  }
0x204: {  	_ =	swait.ge [sflag:s4], $0x4000  }
0x205: {  	[sflag:s4] =	ssyncset.done $0x0  }
0x206: {  	s1 =	rddreg [dreg:$0x9];
	[sflag:s4] =	ssyncadd.s32 $0xFFFFC000  }
0x207: {  	[tilespmem:s17], [sflag:$0x5] =	stream.linear.gather [hbm4b:s1+s2], $0x800, $0x38;
	[tilespmem:$0x12000] =	vst v63  }
0x208: {  	_ =	swait.ge [sflag:s4], $0x800  }
0x209: {  	[sflag:s4] =	ssyncset.done $0x0  }
0x20a: {  	[sflag:s4] =	ssyncadd.s32 $0xFFFFF800  }
0x20b: {  	[tilespmem:s12], [sflag:$0x2] =	stream.indirect.gather [hbm4b:s3+s17], $0x8, s17, s17, $0xb8;
	[tilespmem:$0x12000] =	vst v63  }
0x20c: {  	_ =	swait.ge [sflag:s13], $0x4000  }
0x20d: {  	[sflag:s13] =	ssyncset.done $0x0  }
0x20e: {  	s1 =	rddreg [dreg:$0xa];
	[sflag:s13] =	ssyncadd.s32 $0xFFFFC000  }
0x20f: {  	[hbm4b:s1+s2] =	stream.linear.scatter [tilespmem:s9], [sflag:$0x5], $0x4000, $0x38;
	[tilespmem:$0x12000] =	vst v63  }
0x210: {  	_ =	swait.ge [sflag:s4], $0x4000  }
0x211: {  	[sflag:s4] =	ssyncset.done $0x0  }
0x212: {  	s1 =	rddreg [dreg:$0xb];
	[sflag:s4] =	ssyncadd.s32 $0xFFFFC000  }
0x213: {  	[tilespmem:s25], [sflag:$0x5] =	stream.linear.gather [hbm4b:s1+s2], $0x800, $0x38;
	[tilespmem:$0x12000] =	vst v63  }
0x214: {  	_ =	swait.ge [sflag:s4], $0x800  }
0x215: {  	[sflag:s4] =	ssyncset.done $0x0  }
0x216: {  	[sflag:s4] =	ssyncadd.s32 $0xFFFFF800  }
0x217: {  	[tilespmem:s9], [sflag:$0x3] =	stream.indirect.gather [hbm4b:s3+s17], $0x8, s25, s17, $0xb8;
	[tilespmem:$0x12000] =	vst v63  }
0x218: {  	_ =	swait.ge [sflag:s10], $0x4000  }
0x219: {  	[sflag:s10] =	ssyncset.done $0x0  }
0x21a: {  	s1 =	rddreg [dreg:$0xc];
	[sflag:s10] =	ssyncadd.s32 $0xFFFFC000  }
0x21b: {  	[hbm4b:s1+s2] =	stream.linear.scatter [tilespmem:s8], [sflag:$0x5], $0x4000, $0x38;
	[tilespmem:$0x12000] =	vst v63  }
0x21c: {  	_ =	swait.ge [sflag:s4], $0x4000  }
0x21d: {  	[sflag:s4] =	ssyncset.done $0x0  }
0x21e: {  	s1 =	rddreg [dreg:$0xd];
	[sflag:s4] =	ssyncadd.s32 $0xFFFFC000  }
0x21f: {  	[tilespmem:s22], [sflag:$0x5] =	stream.linear.gather [hbm4b:s1+s2], $0x800, $0x38;
	[tilespmem:$0x12000] =	vst v63  }
0x220: {  	_ =	swait.ge [sflag:s4], $0x800  }
0x221: {  	[sflag:s4] =	ssyncset.done $0x0  }
0x222: {  	[sflag:s4] =	ssyncadd.s32 $0xFFFFF800  }
0x223: {  	[tilespmem:s8], [sflag:$0x4] =	stream.indirect.gather [hbm4b:s3+s17], $0x8, s22, s17, $0xb8;
	[tilespmem:$0x12000] =	vst v63  }
0x224: {  	_ =	swait.ge [sflag:s20], $0x4000  }
0x225: {  	[sflag:s20] =	ssyncset.done $0x0  }
0x226: {  	s1 =	rddreg [dreg:$0xe];
	[sflag:s20] =	ssyncadd.s32 $0xFFFFC000  }
0x227: {  	[hbm4b:s1+s2] =	stream.linear.scatter [tilespmem:s15], [sflag:$0x5], $0x4000, $0x38;
	[tilespmem:$0x12000] =	vst v63  }
0x228: {  	_ =	swait.ge [sflag:s4], $0x4000  }
0x229: {  	[sflag:s4] =	ssyncset.done $0x0  }
0x22a: {  	s1 =	rddreg [dreg:$0xf];
	[sflag:s4] =	ssyncadd.s32 $0xFFFFC000  }
0x22b: {  	[tilespmem:s2], [sflag:$0x5] =	stream.linear.gather [hbm4b:s1+s2], $0x800, $0x38;
	[tilespmem:$0x12000] =	vst v63  }
0x22c: {  	_ =	swait.ge [sflag:s4], $0x800  }
0x22d: {  	[sflag:s4] =	ssyncset.done $0x0  }
0x22e: {  	[sflag:s4] =	ssyncadd.s32 $0xFFFFF800  }
0x22f: {  	[tilespmem:s15], [sflag:$0x1] =	stream.indirect.gather [hbm4b:s3+s17], $0x8, s2, s17, $0xb8;
	[tilespmem:$0x12000] =	vst v63  }
0x230: {  	_ =	swait.ge [sflag:s18], $0x4000  }
0x231: {  	[sflag:s18] =	ssyncset.done $0x0  }
0x232: {  	s1 =	rddreg [dreg:$0x10];
	[sflag:s18] =	ssyncadd.s32 $0xFFFFC000  }
0x233: {  	[hbm4b:s1+s2] =	stream.linear.scatter [tilespmem:s12], [sflag:$0x5], $0x4000, $0x38;
	[tilespmem:$0x12000] =	vst v63  }
0x234: {  	_ =	swait.ge [sflag:s4], $0x4000  }
0x235: {  	[sflag:s4] =	ssyncset.done $0x0  }
0x236: {  	s1 =	rddreg [dreg:$0x11];
	[sflag:s4] =	ssyncadd.s32 $0xFFFFC000  }
0x237: {  	[tilespmem:s17], [sflag:$0x5] =	stream.linear.gather [hbm4b:s1+s2], $0x800, $0x38;
	[tilespmem:$0x12000] =	vst v63  }
0x238: {  	_ =	swait.ge [sflag:s4], $0x800  }
0x239: {  	[sflag:s4] =	ssyncset.done $0x0  }
0x23a: {  	[sflag:s4] =	ssyncadd.s32 $0xFFFFF800  }
0x23b: {  	[tilespmem:s12], [sflag:$0x2] =	stream.indirect.gather [hbm4b:s3+s17], $0x8, s17, s17, $0xb8;
	[tilespmem:$0x12000] =	vst v63  }
0x23c: {  	_ =	swait.ge [sflag:s13], $0x4000  }
0x23d: {  	[sflag:s13] =	ssyncset.done $0x0  }
0x23e: {  	s1 =	rddreg [dreg:$0x12];
	[sflag:s13] =	ssyncadd.s32 $0xFFFFC000  }
0x23f: {  	[hbm4b:s1+s2] =	stream.linear.scatter [tilespmem:s9], [sflag:$0x5], $0x4000, $0x38;
	[tilespmem:$0x12000] =	vst v63  }
0x240: {  	_ =	swait.ge [sflag:s4], $0x4000  }
0x241: {  	[sflag:s4] =	ssyncset.done $0x0  }
0x242: {  	s1 =	rddreg [dreg:$0x13];
	[sflag:s4] =	ssyncadd.s32 $0xFFFFC000  }
0x243: {  	[tilespmem:s25], [sflag:$0x5] =	stream.linear.gather [hbm4b:s1+s2], $0x800, $0x38;
	[tilespmem:$0x12000] =	vst v63  }
0x244: {  	_ =	swait.ge [sflag:s4], $0x800  }
0x245: {  	[sflag:s4] =	ssyncset.done $0x0  }
0x246: {  	[sflag:s4] =	ssyncadd.s32 $0xFFFFF800  }
0x247: {  	[tilespmem:s9], [sflag:$0x3] =	stream.indirect.gather [hbm4b:s3+s17], $0x8, s25, s17, $0xb8;
	[tilespmem:$0x12000] =	vst v63  }
0x248: {  	_ =	swait.ge [sflag:s10], $0x4000  }
0x249: {  	[sflag:s10] =	ssyncset.done $0x0  }
0x24a: {  	s1 =	rddreg [dreg:$0x14];
	[sflag:s10] =	ssyncadd.s32 $0xFFFFC000  }
0x24b: {  	[hbm4b:s1+s2] =	stream.linear.scatter [tilespmem:s8], [sflag:$0x5], $0x4000, $0x38;
	[tilespmem:$0x12000] =	vst v63  }
0x24c: {  	_ =	swait.ge [sflag:s4], $0x4000  }
0x24d: {  	[sflag:s4] =	ssyncset.done $0x0  }
0x24e: {  	s1 =	rddreg [dreg:$0x15];
	[sflag:s4] =	ssyncadd.s32 $0xFFFFC000  }
0x24f: {  	[tilespmem:s22], [sflag:$0x5] =	stream.linear.gather [hbm4b:s1+s2], $0x800, $0x38;
	[tilespmem:$0x12000] =	vst v63  }
0x250: {  	_ =	swait.ge [sflag:s4], $0x800  }
0x251: {  	[sflag:s4] =	ssyncset.done $0x0  }
0x252: {  	[sflag:s4] =	ssyncadd.s32 $0xFFFFF800  }
0x253: {  	[tilespmem:s8], [sflag:$0x4] =	stream.indirect.gather [hbm4b:s3+s17], $0x8, s22, s17, $0xb8;
	[tilespmem:$0x12000] =	vst v63  }
0x254: {  	_ =	swait.ge [sflag:s20], $0x4000  }
0x255: {  	[sflag:s20] =	ssyncset.done $0x0  }
0x256: {  	s1 =	rddreg [dreg:$0x16];
	[sflag:s20] =	ssyncadd.s32 $0xFFFFC000  }
0x257: {  	[hbm4b:s1+s2] =	stream.linear.scatter [tilespmem:s15], [sflag:$0x5], $0x4000, $0x38;
	[tilespmem:$0x12000] =	vst v63  }
0x258: {  	_ =	swait.ge [sflag:s4], $0x4000  }
0x259: {  	[sflag:s4] =	ssyncset.done $0x0  }
0x25a: {  	s1 =	rddreg [dreg:$0x17];
	[sflag:s4] =	ssyncadd.s32 $0xFFFFC000  }
0x25b: {  	[tilespmem:s2], [sflag:$0x5] =	stream.linear.gather [hbm4b:s1+s2], $0x800, $0x38;
	[tilespmem:$0x12000] =	vst v63  }
0x25c: {  	_ =	swait.ge [sflag:s4], $0x800  }
0x25d: {  	[sflag:s4] =	ssyncset.done $0x0  }
0x25e: {  	[sflag:s4] =	ssyncadd.s32 $0xFFFFF800  }
0x25f: {  	[tilespmem:s15], [sflag:$0x1] =	stream.indirect.gather [hbm4b:s3+s17], $0x8, s2, s17, $0xb8;
	[tilespmem:$0x12000] =	vst v63  }
0x260: {  	_ =	swait.ge [sflag:s18], $0x4000  }
0x261: {  	[sflag:s18] =	ssyncset.done $0x0  }
0x262: {  	s1 =	rddreg [dreg:$0x18];
	[sflag:s18] =	ssyncadd.s32 $0xFFFFC000  }
0x263: {  	[hbm4b:s1+s2] =	stream.linear.scatter [tilespmem:s12], [sflag:$0x5], $0x4000, $0x38;
	[tilespmem:$0x12000] =	vst v63  }
0x264: {  	_ =	swait.ge [sflag:s4], $0x4000  }
0x265: {  	[sflag:s4] =	ssyncset.done $0x0  }
0x266: {  	s1 =	rddreg [dreg:$0x19];
	[sflag:s4] =	ssyncadd.s32 $0xFFFFC000  }
0x267: {  	[tilespmem:s17], [sflag:$0x5] =	stream.linear.gather [hbm4b:s1+s2], $0x800, $0x38;
	[tilespmem:$0x12000] =	vst v63  }
0x268: {  	_ =	swait.ge [sflag:s4], $0x800  }
0x269: {  	[sflag:s4] =	ssyncset.done $0x0  }
0x26a: {  	[sflag:s4] =	ssyncadd.s32 $0xFFFFF800  }
0x26b: {  	[tilespmem:s12], [sflag:$0x2] =	stream.indirect.gather [hbm4b:s3+s17], $0x8, s17, s17, $0xb8;
	[tilespmem:$0x12000] =	vst v63  }
0x26c: {  	_ =	swait.ge [sflag:s13], $0x4000  }
0x26d: {  	[sflag:s13] =	ssyncset.done $0x0  }
0x26e: {  	s1 =	rddreg [dreg:$0x1a];
	[sflag:s13] =	ssyncadd.s32 $0xFFFFC000  }
0x26f: {  	[hbm4b:s1+s2] =	stream.linear.scatter [tilespmem:s9], [sflag:$0x5], $0x4000, $0x38;
	[tilespmem:$0x12000] =	vst v63  }
0x270: {  	_ =	swait.ge [sflag:s4], $0x4000  }
0x271: {  	[sflag:s4] =	ssyncset.done $0x0  }
0x272: {  	s1 =	rddreg [dreg:$0x1b];
	[sflag:s4] =	ssyncadd.s32 $0xFFFFC000  }
0x273: {  	[tilespmem:s25], [sflag:$0x5] =	stream.linear.gather [hbm4b:s1+s2], $0x800, $0x38;
	[tilespmem:$0x12000] =	vst v63  }
0x274: {  	_ =	swait.ge [sflag:s4], $0x800  }
0x275: {  	[sflag:s4] =	ssyncset.done $0x0  }
0x276: {  	[sflag:s4] =	ssyncadd.s32 $0xFFFFF800  }
0x277: {  	[tilespmem:s9], [sflag:$0x3] =	stream.indirect.gather [hbm4b:s3+s17], $0x8, s25, s17, $0xb8;
	[tilespmem:$0x12000] =	vst v63  }
0x278: {  	_ =	swait.ge [sflag:s10], $0x4000  }
0x279: {  	[sflag:s10] =	ssyncset.done $0x0  }
0x27a: {  	s1 =	rddreg [dreg:$0x1c];
	[sflag:s10] =	ssyncadd.s32 $0xFFFFC000  }
0x27b: {  	[hbm4b:s1+s2] =	stream.linear.scatter [tilespmem:s8], [sflag:$0x5], $0x4000, $0x38;
	[tilespmem:$0x12000] =	vst v63  }
0x27c: {  	_ =	swait.ge [sflag:s4], $0x4000  }
0x27d: {  	[sflag:s4] =	ssyncset.done $0x0  }
0x27e: {  	s1 =	rddreg [dreg:$0x1d];
	[sflag:s4] =	ssyncadd.s32 $0xFFFFC000  }
0x27f: {  	[tilespmem:s22], [sflag:$0x5] =	stream.linear.gather [hbm4b:s1+s2], $0x800, $0x38;
	[tilespmem:$0x12000] =	vst v63  }
0x280: {  	_ =	swait.ge [sflag:s4], $0x800  }
0x281: {  	[sflag:s4] =	ssyncset.done $0x0  }
0x282: {  	[sflag:s4] =	ssyncadd.s32 $0xFFFFF800  }
0x283: {  	[tilespmem:s8], [sflag:$0x4] =	stream.indirect.gather [hbm4b:s3+s17], $0x8, s22, s17, $0xb8;
	[tilespmem:$0x12000] =	vst v63  }
0x284: {  	_ =	swait.ge [sflag:s20], $0x4000  }
0x285: {  	[sflag:s20] =	ssyncset.done $0x0  }
0x286: {  	s1 =	rddreg [dreg:$0x1e];
	[sflag:s20] =	ssyncadd.s32 $0xFFFFC000  }
0x287: {  	[hbm4b:s1+s2] =	stream.linear.scatter [tilespmem:s15], [sflag:$0x5], $0x4000, $0x38;
	[tilespmem:$0x12000] =	vst v63  }
0x288: {  	_ =	swait.ge [sflag:s4], $0x4000  }
0x289: {  	[sflag:s4] =	ssyncset.done $0x0  }
0x28a: {  	s1 =	rddreg [dreg:$0x1f];
	[sflag:s4] =	ssyncadd.s32 $0xFFFFC000  }
0x28b: {  	[tilespmem:s2], [sflag:$0x5] =	stream.linear.gather [hbm4b:s1+s2], $0x800, $0x38;
	[tilespmem:$0x12000] =	vst v63  }
0x28c: {  	_ =	swait.ge [sflag:s4], $0x800  }
0x28d: {  	[sflag:s4] =	ssyncset.done $0x0  }
0x28e: {  	[sflag:s4] =	ssyncadd.s32 $0xFFFFF800  }
0x28f: {  	[tilespmem:s15], [sflag:$0x1] =	stream.indirect.gather [hbm4b:s3+s17], $0x8, s2, s17, $0xb8;
	[tilespmem:$0x12000] =	vst v63  }
0x290: {  	_ =	swait.ge [sflag:s18], $0x4000  }
0x291: {  	s1 =	sld [smem:$0x7EB]  }
0x292: {  	[sflag:s18] =	ssyncset.done $0x0  }
0x293: {  	[sflag:s18] =	ssyncadd.s32 $0xFFFFC000  }
0x294: {  	[hbm4b:s1+s2] =	stream.linear.scatter [tilespmem:s12], [sflag:$0x5], $0x4000, $0x38;
	[tilespmem:$0x12000] =	vst v63  }
0x295: {  	_ =	swait.ge [sflag:s4], $0x4000  }
0x296: {  	s1 =	sld [smem:$0x7EC]  }
0x297: {  	[sflag:s4] =	ssyncset.done $0x0  }
0x298: {  	[sflag:s4] =	ssyncadd.s32 $0xFFFFC000  }
0x299: {  	[tilespmem:s17], [sflag:$0x5] =	stream.linear.gather [hbm4b:s1+s2], $0x800, $0x38;
	[tilespmem:$0x12000] =	vst v63  }
0x29a: {  	_ =	swait.ge [sflag:s4], $0x800  }
0x29b: {  	[sflag:s4] =	ssyncset.done $0x0  }
0x29c: {  	[sflag:s4] =	ssyncadd.s32 $0xFFFFF800  }
0x29d: {  	[tilespmem:s12], [sflag:$0x2] =	stream.indirect.gather [hbm4b:s3+s17], $0x8, s17, s17, $0xb8;
	[tilespmem:$0x12000] =	vst v63  }
0x29e: {  	_ =	swait.ge [sflag:s13], $0x4000  }
0x29f: {  	s1 =	sld [smem:$0x7ED]  }
0x2a0: {  	[sflag:s13] =	ssyncset.done $0x0  }
0x2a1: {  	[sflag:s13] =	ssyncadd.s32 $0xFFFFC000  }
0x2a2: {  	[hbm4b:s1+s2] =	stream.linear.scatter [tilespmem:s9], [sflag:$0x5], $0x4000, $0x38;
	[tilespmem:$0x12000] =	vst v63  }
0x2a3: {  	_ =	swait.ge [sflag:s4], $0x4000  }
0x2a4: {  	s1 =	sld [smem:$0x7EE]  }
0x2a5: {  	[sflag:s4] =	ssyncset.done $0x0  }
0x2a6: {  	[sflag:s4] =	ssyncadd.s32 $0xFFFFC000  }
0x2a7: {  	[tilespmem:s25], [sflag:$0x5] =	stream.linear.gather [hbm4b:s1+s2], $0x800, $0x38;
	[tilespmem:$0x12000] =	vst v63  }
0x2a8: {  	_ =	swait.ge [sflag:s4], $0x800  }
0x2a9: {  	[sflag:s4] =	ssyncset.done $0x0  }
0x2aa: {  	[sflag:s4] =	ssyncadd.s32 $0xFFFFF800  }
0x2ab: {  	[tilespmem:s9], [sflag:$0x3] =	stream.indirect.gather [hbm4b:s3+s17], $0x8, s25, s17, $0xb8;
	[tilespmem:$0x12000] =	vst v63  }
0x2ac: {  	_ =	swait.ge [sflag:s10], $0x4000  }
0x2ad: {  	s1 =	sld [smem:$0x7EF]  }
0x2ae: {  	[sflag:s10] =	ssyncset.done $0x0  }
0x2af: {  	[sflag:s10] =	ssyncadd.s32 $0xFFFFC000  }
0x2b0: {  	[hbm4b:s1+s2] =	stream.linear.scatter [tilespmem:s8], [sflag:$0x5], $0x4000, $0x38;
	[tilespmem:$0x12000] =	vst v63  }
0x2b1: {  	_ =	swait.ge [sflag:s4], $0x4000  }
0x2b2: {  	s1 =	sld [smem:$0x7F0]  }
0x2b3: {  	[sflag:s4] =	ssyncset.done $0x0  }
0x2b4: {  	[sflag:s4] =	ssyncadd.s32 $0xFFFFC000  }
0x2b5: {  	[tilespmem:s22], [sflag:$0x5] =	stream.linear.gather [hbm4b:s1+s2], $0x800, $0x38;
	[tilespmem:$0x12000] =	vst v63  }
0x2b6: {  	_ =	swait.ge [sflag:s4], $0x800  }
0x2b7: {  	[sflag:s4] =	ssyncset.done $0x0  }
0x2b8: {  	[sflag:s4] =	ssyncadd.s32 $0xFFFFF800  }
0x2b9: {  	[tilespmem:s8], [sflag:$0x4] =	stream.indirect.gather [hbm4b:s3+s17], $0x8, s22, s17, $0xb8;
	[tilespmem:$0x12000] =	vst v63  }
0x2ba: {  	_ =	swait.ge [sflag:s20], $0x4000  }
0x2bb: {  	s1 =	sld [smem:$0x7F1]  }
0x2bc: {  	[sflag:s20] =	ssyncset.done $0x0  }
0x2bd: {  	[sflag:s20] =	ssyncadd.s32 $0xFFFFC000  }
0x2be: {  	[hbm4b:s1+s2] =	stream.linear.scatter [tilespmem:s15], [sflag:$0x5], $0x4000, $0x38;
	[tilespmem:$0x12000] =	vst v63  }
0x2bf: {  	_ =	swait.ge [sflag:s4], $0x4000  }
0x2c0: {  	s1 =	sld [smem:$0x7F2]  }
0x2c1: {  	[sflag:s4] =	ssyncset.done $0x0  }
0x2c2: {  	[sflag:s4] =	ssyncadd.s32 $0xFFFFC000  }
0x2c3: {  	[tilespmem:s2], [sflag:$0x5] =	stream.linear.gather [hbm4b:s1+s2], $0x800, $0x38;
	[tilespmem:$0x12000] =	vst v63  }
0x2c4: {  	_ =	swait.ge [sflag:s4], $0x800  }
0x2c5: {  	[sflag:s4] =	ssyncset.done $0x0  }
0x2c6: {  	[sflag:s4] =	ssyncadd.s32 $0xFFFFF800  }
0x2c7: {  	[tilespmem:s15], [sflag:$0x1] =	stream.indirect.gather [hbm4b:s3+s17], $0x8, s2, s17, $0xb8;
	[tilespmem:$0x12000] =	vst v63  }
0x2c8: {  	_ =	swait.ge [sflag:s18], $0x4000  }
0x2c9: {  	s1 =	sld [smem:$0x7F3]  }
0x2ca: {  	[sflag:s18] =	ssyncset.done $0x0  }
0x2cb: {  	[sflag:s18] =	ssyncadd.s32 $0xFFFFC000  }
0x2cc: {  	[hbm4b:s1+s2] =	stream.linear.scatter [tilespmem:s12], [sflag:$0x5], $0x4000, $0x38;
	[tilespmem:$0x12000] =	vst v63  }
0x2cd: {  	_ =	swait.ge [sflag:s4], $0x4000  }
0x2ce: {  	s1 =	sld [smem:$0x7F4]  }
0x2cf: {  	[sflag:s4] =	ssyncset.done $0x0  }
0x2d0: {  	[sflag:s4] =	ssyncadd.s32 $0xFFFFC000  }
0x2d1: {  	[tilespmem:s17], [sflag:$0x5] =	stream.linear.gather [hbm4b:s1+s2], $0x800, $0x38;
	[tilespmem:$0x12000] =	vst v63  }
0x2d2: {  	_ =	swait.ge [sflag:s4], $0x800  }
0x2d3: {  	[sflag:s4] =	ssyncset.done $0x0  }
0x2d4: {  	[sflag:s4] =	ssyncadd.s32 $0xFFFFF800  }
0x2d5: {  	[tilespmem:s12], [sflag:$0x2] =	stream.indirect.gather [hbm4b:s3+s17], $0x8, s17, s17, $0xb8;
	[tilespmem:$0x12000] =	vst v63  }
0x2d6: {  	_ =	swait.ge [sflag:s13], $0x4000  }
0x2d7: {  	s1 =	sld [smem:$0x7F5]  }
0x2d8: {  	[sflag:s13] =	ssyncset.done $0x0  }
0x2d9: {  	[sflag:s13] =	ssyncadd.s32 $0xFFFFC000  }
0x2da: {  	[hbm4b:s1+s2] =	stream.linear.scatter [tilespmem:s9], [sflag:$0x5], $0x4000, $0x38;
	[tilespmem:$0x12000] =	vst v63  }
0x2db: {  	_ =	swait.ge [sflag:s4], $0x4000  }
0x2dc: {  	s1 =	sld [smem:$0x7F6]  }
0x2dd: {  	[sflag:s4] =	ssyncset.done $0x0  }
0x2de: {  	[sflag:s4] =	ssyncadd.s32 $0xFFFFC000  }
0x2df: {  	[tilespmem:s25], [sflag:$0x5] =	stream.linear.gather [hbm4b:s1+s2], $0x800, $0x38;
	[tilespmem:$0x12000] =	vst v63  }
0x2e0: {  	_ =	swait.ge [sflag:s4], $0x800  }
0x2e1: {  	[sflag:s4] =	ssyncset.done $0x0  }
0x2e2: {  	[sflag:s4] =	ssyncadd.s32 $0xFFFFF800  }
0x2e3: {  	[tilespmem:s9], [sflag:$0x3] =	stream.indirect.gather [hbm4b:s3+s17], $0x8, s25, s17, $0xb8;
	[tilespmem:$0x12000] =	vst v63  }
0x2e4: {  	_ =	swait.ge [sflag:s10], $0x4000  }
0x2e5: {  	s1 =	sld [smem:$0x7F7]  }
0x2e6: {  	[sflag:s10] =	ssyncset.done $0x0  }
0x2e7: {  	[sflag:s10] =	ssyncadd.s32 $0xFFFFC000  }
0x2e8: {  	[hbm4b:s1+s2] =	stream.linear.scatter [tilespmem:s8], [sflag:$0x5], $0x4000, $0x38;
	[tilespmem:$0x12000] =	vst v63  }
0x2e9: {  	_ =	swait.ge [sflag:s4], $0x4000  }
0x2ea: {  	s1 =	sld [smem:$0x7F8]  }
0x2eb: {  	[sflag:s4] =	ssyncset.done $0x0  }
0x2ec: {  	[sflag:s4] =	ssyncadd.s32 $0xFFFFC000  }
0x2ed: {  	[tilespmem:s22], [sflag:$0x5] =	stream.linear.gather [hbm4b:s1+s2], $0x800, $0x38;
	[tilespmem:$0x12000] =	vst v63  }
0x2ee: {  	_ =	swait.ge [sflag:s4], $0x800  }
0x2ef: {  	[sflag:s4] =	ssyncset.done $0x0  }
0x2f0: {  	[sflag:s4] =	ssyncadd.s32 $0xFFFFF800  }
0x2f1: {  	[tilespmem:s8], [sflag:$0x4] =	stream.indirect.gather [hbm4b:s3+s17], $0x8, s22, s17, $0xb8;
	[tilespmem:$0x12000] =	vst v63  }
0x2f2: {  	_ =	swait.ge [sflag:s20], $0x4000  }
0x2f3: {  	s1 =	sld [smem:$0x7F9]  }
0x2f4: {  	[sflag:s20] =	ssyncset.done $0x0  }
0x2f5: {  	[sflag:s20] =	ssyncadd.s32 $0xFFFFC000  }
0x2f6: {  	[hbm4b:s1+s2] =	stream.linear.scatter [tilespmem:s15], [sflag:$0x5], $0x4000, $0x38;
	[tilespmem:$0x12000] =	vst v63  }
0x2f7: {  	_ =	swait.ge [sflag:s4], $0x4000  }
0x2f8: {  	s1 =	sld [smem:$0x7FA]  }
0x2f9: {  	[sflag:s4] =	ssyncset.done $0x0  }
0x2fa: {  	[sflag:s4] =	ssyncadd.s32 $0xFFFFC000  }
0x2fb: {  	[tilespmem:s2], [sflag:$0x5] =	stream.linear.gather [hbm4b:s1+s2], $0x800, $0x38;
	[tilespmem:$0x12000] =	vst v63  }
0x2fc: {  	_ =	swait.ge [sflag:s4], $0x800  }
0x2fd: {  	[sflag:s4] =	ssyncset.done $0x0  }
0x2fe: {  	[sflag:s4] =	ssyncadd.s32 $0xFFFFF800  }
0x2ff: {  	[tilespmem:s15], [sflag:$0x1] =	stream.indirect.gather [hbm4b:s3+s17], $0x8, s2, s17, $0xb8;
	[tilespmem:$0x12000] =	vst v63  }
0x300: {  	_ =	swait.ge [sflag:s18], $0x4000  }
0x301: {  	s1 =	sld [smem:$0x7FB]  }
0x302: {  	[sflag:s18] =	ssyncset.done $0x0  }
0x303: {  	[sflag:s18] =	ssyncadd.s32 $0xFFFFC000  }
0x304: {  	[hbm4b:s1+s2] =	stream.linear.scatter [tilespmem:s12], [sflag:$0x5], $0x4000, $0x38;
	[tilespmem:$0x12000] =	vst v63  }
0x305: {  	_ =	swait.ge [sflag:s4], $0x4000  }
0x306: {  	s1 =	sld [smem:$0x7FC]  }
0x307: {  	[sflag:s4] =	ssyncset.done $0x0  }
0x308: {  	[sflag:s4] =	ssyncadd.s32 $0xFFFFC000  }
0x309: {  	[tilespmem:s17], [sflag:$0x5] =	stream.linear.gather [hbm4b:s1+s2], $0x800, $0x38;
	[tilespmem:$0x12000] =	vst v63  }
0x30a: {  	_ =	swait.ge [sflag:s4], $0x800  }
0x30b: {  	[sflag:s4] =	ssyncset.done $0x0  }
0x30c: {  	[sflag:s4] =	ssyncadd.s32 $0xFFFFF800  }
0x30d: {  	[tilespmem:s12], [sflag:$0x2] =	stream.indirect.gather [hbm4b:s3+s17], $0x8, s17, s17, $0xb8;
	[tilespmem:$0x12000] =	vst v63  }
0x30e: {  	_ =	swait.ge [sflag:s13], $0x4000  }
0x30f: {  	s1 =	sld [smem:$0x7FD]  }
0x310: {  	[sflag:s13] =	ssyncset.done $0x0  }
0x311: {  	[sflag:s13] =	ssyncadd.s32 $0xFFFFC000  }
0x312: {  	[hbm4b:s1+s2] =	stream.linear.scatter [tilespmem:s9], [sflag:$0x5], $0x4000, $0x38;
	[tilespmem:$0x12000] =	vst v63  }
0x313: {  	_ =	swait.ge [sflag:s4], $0x4000  }
0x314: {  	[sflag:s4] =	ssyncset.done $0x0  }
0x315: {  	[sflag:s4] =	ssyncadd.s32 $0xFFFFC000  }
0x316: {  	[tilespmem:s25], [sflag:$0x5] =	stream.linear.gather [hbm4b:s31+s2], $0x800, $0x38;
	[tilespmem:$0x12000] =	vst v63  }
0x317: {  	_ =	swait.ge [sflag:s4], $0x800  }
0x318: {  	[sflag:s4] =	ssyncset.done $0x0  }
0x319: {  	[sflag:s4] =	ssyncadd.s32 $0xFFFFF800  }
0x31a: {  	[tilespmem:s9], [sflag:$0x3] =	stream.indirect.gather [hbm4b:s3+s17], $0x8, s25, s17, $0xb8;
	[tilespmem:$0x12000] =	vst v63  }
0x31b: {  	_ =	swait.ge [sflag:s10], $0x4000  }
0x31c: {  	[sflag:s10] =	ssyncset.done $0x0  }
0x31d: {  	[sflag:s10] =	ssyncadd.s32 $0xFFFFC000  }
0x31e: {  	[hbm4b:s30+s2] =	stream.linear.scatter [tilespmem:s8], [sflag:$0x5], $0x4000, $0x38;
	[tilespmem:$0x12000] =	vst v63  }
0x31f: {  	_ =	swait.ge [sflag:s4], $0x4000  }
0x320: {  	[sflag:s4] =	ssyncset.done $0x0  }
0x321: {  	[sflag:s4] =	ssyncadd.s32 $0xFFFFC000  }
0x322: {  	[tilespmem:s22], [sflag:$0x5] =	stream.linear.gather [hbm4b:s29+s2], $0x800, $0x38;
	[tilespmem:$0x12000] =	vst v63  }
0x323: {  	_ =	swait.ge [sflag:s4], $0x800  }
0x324: {  	[sflag:s4] =	ssyncset.done $0x0  }
0x325: {  	[sflag:s4] =	ssyncadd.s32 $0xFFFFF800  }
0x326: {  	[tilespmem:s8], [sflag:$0x4] =	stream.indirect.gather [hbm4b:s3+s17], $0x8, s22, s17, $0xb8;
	[tilespmem:$0x12000] =	vst v63  }
0x327: {  	_ =	swait.ge [sflag:s20], $0x4000  }
0x328: {  	[sflag:s20] =	ssyncset.done $0x0  }
0x329: {  	[sflag:s20] =	ssyncadd.s32 $0xFFFFC000  }
0x32a: {  	[hbm4b:s28+s2] =	stream.linear.scatter [tilespmem:s15], [sflag:$0x5], $0x4000, $0x38;
	[tilespmem:$0x12000] =	vst v63  }
0x32b: {  	_ =	swait.ge [sflag:s4], $0x4000  }
0x32c: {  	[sflag:s4] =	ssyncset.done $0x0  }
0x32d: {  	[sflag:s4] =	ssyncadd.s32 $0xFFFFC000  }
0x32e: {  	[tilespmem:s2], [sflag:$0x5] =	stream.linear.gather [hbm4b:s26+s2], $0x800, $0x38;
	[tilespmem:$0x12000] =	vst v63  }
0x32f: {  	_ =	swait.ge [sflag:s4], $0x800  }
0x330: {  	[sflag:s4] =	ssyncset.done $0x0  }
0x331: {  	[sflag:s4] =	ssyncadd.s32 $0xFFFFF800  }
0x332: {  	[tilespmem:s15], [sflag:$0x1] =	stream.indirect.gather [hbm4b:s3+s17], $0x8, s2, s17, $0xb8;
	[tilespmem:$0x12000] =	vst v63  }
0x333: {  	_ =	swait.ge [sflag:s18], $0x4000  }
0x334: {  	[sflag:s18] =	ssyncset.done $0x0  }
0x335: {  	[sflag:s18] =	ssyncadd.s32 $0xFFFFC000  }
0x336: {  	[hbm4b:s24+s2] =	stream.linear.scatter [tilespmem:s12], [sflag:$0x5], $0x4000, $0x38;
	[tilespmem:$0x12000] =	vst v63  }
0x337: {  	_ =	swait.ge [sflag:s4], $0x4000  }
0x338: {  	[sflag:s4] =	ssyncset.done $0x0  }
0x339: {  	[sflag:s4] =	ssyncadd.s32 $0xFFFFC000  }
0x33a: {  	[tilespmem:s17], [sflag:$0x5] =	stream.linear.gather [hbm4b:s23+s2], $0x800, $0x38;
	[tilespmem:$0x12000] =	vst v63  }
0x33b: {  	_ =	swait.ge [sflag:s4], $0x800  }
0x33c: {  	[sflag:s4] =	ssyncset.done $0x0  }
0x33d: {  	[sflag:s4] =	ssyncadd.s32 $0xFFFFF800  }
0x33e: {  	[tilespmem:s12], [sflag:$0x2] =	stream.indirect.gather [hbm4b:s3+s17], $0x8, s17, s17, $0xb8;
	[tilespmem:$0x12000] =	vst v63  }
0x33f: {  	_ =	swait.ge [sflag:s13], $0x4000  }
0x340: {  	[sflag:s13] =	ssyncset.done $0x0  }
0x341: {  	[sflag:s13] =	ssyncadd.s32 $0xFFFFC000  }
0x342: {  	[hbm4b:s21+s2] =	stream.linear.scatter [tilespmem:s9], [sflag:$0x5], $0x4000, $0x38;
	[tilespmem:$0x12000] =	vst v63  }
0x343: {  	_ =	swait.ge [sflag:s4], $0x4000  }
0x344: {  	[sflag:s4] =	ssyncset.done $0x0  }
0x345: {  	[sflag:s4] =	ssyncadd.s32 $0xFFFFC000  }
0x346: {  	[tilespmem:s25], [sflag:$0x5] =	stream.linear.gather [hbm4b:s19+s2], $0x800, $0x38;
	[tilespmem:$0x12000] =	vst v63  }
0x347: {  	_ =	swait.ge [sflag:s4], $0x800  }
0x348: {  	[sflag:s4] =	ssyncset.done $0x0  }
0x349: {  	[sflag:s4] =	ssyncadd.s32 $0xFFFFF800  }
0x34a: {  	[tilespmem:s9], [sflag:$0x3] =	stream.indirect.gather [hbm4b:s3+s17], $0x8, s25, s17, $0xb8;
	[tilespmem:$0x12000] =	vst v63  }
0x34b: {  	_ =	swait.ge [sflag:s10], $0x4000  }
0x34c: {  	[sflag:s10] =	ssyncset.done $0x0  }
0x34d: {  	[sflag:s10] =	ssyncadd.s32 $0xFFFFC000  }
0x34e: {  	[hbm4b:s16+s2] =	stream.linear.scatter [tilespmem:s8], [sflag:$0x5], $0x4000, $0x38;
	[tilespmem:$0x12000] =	vst v63  }
0x34f: {  	_ =	swait.ge [sflag:s4], $0x4000  }
0x350: {  	[sflag:s4] =	ssyncset.done $0x0  }
0x351: {  	[sflag:s4] =	ssyncadd.s32 $0xFFFFC000  }
0x352: {  	[tilespmem:s22], [sflag:$0x5] =	stream.linear.gather [hbm4b:s14+s2], $0x800, $0x38;
	[tilespmem:$0x12000] =	vst v63  }
0x353: {  	_ =	swait.ge [sflag:s4], $0x800  }
0x354: {  	[sflag:s4] =	ssyncset.done $0x0  }
0x355: {  	[sflag:s4] =	ssyncadd.s32 $0xFFFFF800  }
0x356: {  	[tilespmem:s8], [sflag:$0x4] =	stream.indirect.gather [hbm4b:s3+s17], $0x8, s22, s17, $0xb8;
	[tilespmem:$0x12000] =	vst v63  }
0x357: {  	_ =	swait.ge [sflag:s20], $0x4000  }
0x358: {  	[sflag:s20] =	ssyncset.done $0x0  }
0x359: {  	[sflag:s20] =	ssyncadd.s32 $0xFFFFC000  }
0x35a: {  	[hbm4b:s11+s2] =	stream.linear.scatter [tilespmem:s15], [sflag:$0x5], $0x4000, $0x38;
	[tilespmem:$0x12000] =	vst v63  }
0x35b: {  	_ =	swait.ge [sflag:s4], $0x4000  }
0x35c: {  	[sflag:s4] =	ssyncset.done $0x0  }
0x35d: {  	[sflag:s4] =	ssyncadd.s32 $0xFFFFC000  }
0x35e: {  	_ =	swait.ge [sflag:s18], $0x4000  }
0x35f: {  	[sflag:s18] =	ssyncset.done $0x0  }
0x360: {  	[sflag:s18] =	ssyncadd.s32 $0xFFFFC000  }
0x361: {  	[hbm4b:s7+s2] =	stream.linear.scatter [tilespmem:s12], [sflag:$0x5], $0x4000, $0x38;
	[tilespmem:$0x12000] =	vst v63  }
0x362: {  	_ =	swait.ge [sflag:s4], $0x4000  }
0x363: {  	[sflag:s4] =	ssyncset.done $0x0  }
0x364: {  	[sflag:s4] =	ssyncadd.s32 $0xFFFFC000  }
0x365: {  	_ =	swait.ge [sflag:s13], $0x4000  }
0x366: {  	[sflag:s13] =	ssyncset.done $0x0  }
0x367: {  	[sflag:s13] =	ssyncadd.s32 $0xFFFFC000  }
0x368: {  	[hbm4b:s6+s2] =	stream.linear.scatter [tilespmem:s9], [sflag:$0x5], $0x4000, $0x38;
	[tilespmem:$0x12000] =	vst v63  }
0x369: {  	_ =	swait.ge [sflag:s4], $0x4000  }
0x36a: {  	[sflag:s4] =	ssyncset.done $0x0  }
0x36b: {  	[sflag:s4] =	ssyncadd.s32 $0xFFFFC000  }
0x36c: {  	p1 =	sne.s32 s0, $0x1;
	_ =	swait.ge [sflag:s10], $0x4000  }
.Ltmp2:
0x36d: {  	[sflag:s10] =	ssyncset.done $0x0;
	(pc) =	sbr.rel @p1 .LBB2_2-.Ltmp2, $4  }
0x36e: {  	[sflag:s10] =	ssyncadd.s32 $0xFFFFC000  }
0x36f: {  	[hbm4b:s5+s2] =	stream.linear.scatter [tilespmem:s8], [sflag:$0x5], $0x4000, $0x38;
	[tilespmem:$0x12000] =	vst v63  }
0x370: {  	_ =	swait.ge [sflag:s4], $0x4000  }
0x371: {  	s0 =	sadd.s32 $0xFFFFFFFF, s0;
	s1 =	rddreg [dreg:$0x2];
	[sflag:s4] =	ssyncset.done $0x0  }
.LBB2_3:
0x372: {  	[sflag:s4] =	ssyncadd.s32 @p0 $0xFFFFC000  }
0x373: {  	[tilespmem:s2], [sflag:$0x5] =	stream.linear.gather [hbm4b:s1+s2], $0x800, $0x38;
	[tilespmem:$0x12000] =	vst v63  }
0x374: {  	_ =	swait.ge [sflag:s4], $0x800  }
0x375: {  	[sflag:s4] =	ssyncset.done $0x0  }
0x376: {  	[sflag:s4] =	ssyncadd.s32 $0xFFFFF800  }
0x377: {  	[tilespmem:s15], [sflag:$0x1] =	stream.indirect.gather [hbm4b:s3+s17], $0x8, s2, s17, $0xb8;
	[tilespmem:$0x12000] =	vst v63  }
0x378: {  	s0 =	rddreg [dreg:$0x3]  }
0x379: {  	[tilespmem:s17], [sflag:$0x5] =	stream.linear.gather [hbm4b:s0+s2], $0x800, $0x38;
	[tilespmem:$0x12000] =	vst v63  }
0x37a: {  	_ =	swait.ge [sflag:s4], $0x800  }
0x37b: {  	[sflag:s4] =	ssyncset.done $0x0  }
0x37c: {  	[sflag:s4] =	ssyncadd.s32 $0xFFFFF800  }
0x37d: {  	[tilespmem:s12], [sflag:$0x2] =	stream.indirect.gather [hbm4b:s3+s17], $0x8, s17, s17, $0xb8;
	[tilespmem:$0x12000] =	vst v63  }
0x37e: {  	s1 =	rddreg [dreg:$0x4]  }
0x37f: {  	[tilespmem:s25], [sflag:$0x5] =	stream.linear.gather [hbm4b:s1+s2], $0x800, $0x38;
	[tilespmem:$0x12000] =	vst v63  }
0x380: {  	_ =	swait.ge [sflag:s4], $0x800  }
0x381: {  	[sflag:s4] =	ssyncset.done $0x0  }
0x382: {  	[sflag:s4] =	ssyncadd.s32 $0xFFFFF800  }
0x383: {  	[tilespmem:s9], [sflag:$0x3] =	stream.indirect.gather [hbm4b:s3+s17], $0x8, s25, s17, $0xb8;
	[tilespmem:$0x12000] =	vst v63  }
0x384: {  	s1 =	rddreg [dreg:$0x5]  }
0x385: {  	[tilespmem:s22], [sflag:$0x5] =	stream.linear.gather [hbm4b:s1+s2], $0x800, $0x38;
	[tilespmem:$0x12000] =	vst v63  }
0x386: {  	_ =	swait.ge [sflag:s4], $0x800  }
0x387: {  	[sflag:s4] =	ssyncset.done $0x0  }
0x388: {  	[sflag:s4] =	ssyncadd.s32 $0xFFFFF800  }
0x389: {  	[tilespmem:s8], [sflag:$0x4] =	stream.indirect.gather [hbm4b:s3+s17], $0x8, s22, s17, $0xb8;
	[tilespmem:$0x12000] =	vst v63  }
0x38a: {  	_ =	swait.ge [sflag:s20], $0x4000  }
0x38b: {  	[sflag:s20] =	ssyncset.done $0x0  }
0x38c: {  	s1 =	rddreg [dreg:$0x6];
	[sflag:s20] =	ssyncadd.s32 $0xFFFFC000  }
0x38d: {  	[hbm4b:s1+s2] =	stream.linear.scatter [tilespmem:s15], [sflag:$0x5], $0x4000, $0x38;
	[tilespmem:$0x12000] =	vst v63  }
0x38e: {  	_ =	swait.ge [sflag:s4], $0x4000  }
0x38f: {  	[sflag:s4] =	ssyncset.done $0x0  }
0x390: {  	s1 =	rddreg [dreg:$0x7];
	[sflag:s4] =	ssyncadd.s32 $0xFFFFC000  }
0x391: {  	[tilespmem:s2], [sflag:$0x5] =	stream.linear.gather [hbm4b:s1+s2], $0x800, $0x38;
	[tilespmem:$0x12000] =	vst v63  }
0x392: {  	_ =	swait.ge [sflag:s4], $0x800  }
0x393: {  	[sflag:s4] =	ssyncset.done $0x0  }
0x394: {  	[sflag:s4] =	ssyncadd.s32 $0xFFFFF800  }
0x395: {  	[tilespmem:s15], [sflag:$0x1] =	stream.indirect.gather [hbm4b:s3+s17], $0x8, s2, s17, $0xb8;
	[tilespmem:$0x12000] =	vst v63  }
0x396: {  	_ =	swait.ge [sflag:s18], $0x4000  }
0x397: {  	[sflag:s18] =	ssyncset.done $0x0  }
0x398: {  	s1 =	rddreg [dreg:$0x8];
	[sflag:s18] =	ssyncadd.s32 $0xFFFFC000  }
0x399: {  	[hbm4b:s1+s2] =	stream.linear.scatter [tilespmem:s12], [sflag:$0x5], $0x4000, $0x38;
	[tilespmem:$0x12000] =	vst v63  }
0x39a: {  	_ =	swait.ge [sflag:s4], $0x4000  }
0x39b: {  	[sflag:s4] =	ssyncset.done $0x0  }
0x39c: {  	s1 =	rddreg [dreg:$0x9];
	[sflag:s4] =	ssyncadd.s32 $0xFFFFC000  }
0x39d: {  	[tilespmem:s17], [sflag:$0x5] =	stream.linear.gather [hbm4b:s1+s2], $0x800, $0x38;
	[tilespmem:$0x12000] =	vst v63  }
0x39e: {  	_ =	swait.ge [sflag:s4], $0x800  }
0x39f: {  	[sflag:s4] =	ssyncset.done $0x0  }
0x3a0: {  	[sflag:s4] =	ssyncadd.s32 $0xFFFFF800  }
0x3a1: {  	[tilespmem:s12], [sflag:$0x2] =	stream.indirect.gather [hbm4b:s3+s17], $0x8, s17, s17, $0xb8;
	[tilespmem:$0x12000] =	vst v63  }
0x3a2: {  	_ =	swait.ge [sflag:s13], $0x4000  }
0x3a3: {  	[sflag:s13] =	ssyncset.done $0x0  }
0x3a4: {  	s1 =	rddreg [dreg:$0xa];
	[sflag:s13] =	ssyncadd.s32 $0xFFFFC000  }
0x3a5: {  	[hbm4b:s1+s2] =	stream.linear.scatter [tilespmem:s9], [sflag:$0x5], $0x4000, $0x38;
	[tilespmem:$0x12000] =	vst v63  }
0x3a6: {  	_ =	swait.ge [sflag:s4], $0x4000  }
0x3a7: {  	[sflag:s4] =	ssyncset.done $0x0  }
0x3a8: {  	s1 =	rddreg [dreg:$0xb];
	[sflag:s4] =	ssyncadd.s32 $0xFFFFC000  }
0x3a9: {  	[tilespmem:s25], [sflag:$0x5] =	stream.linear.gather [hbm4b:s1+s2], $0x800, $0x38;
	[tilespmem:$0x12000] =	vst v63  }
0x3aa: {  	_ =	swait.ge [sflag:s4], $0x800  }
0x3ab: {  	[sflag:s4] =	ssyncset.done $0x0  }
0x3ac: {  	[sflag:s4] =	ssyncadd.s32 $0xFFFFF800  }
0x3ad: {  	[tilespmem:s9], [sflag:$0x3] =	stream.indirect.gather [hbm4b:s3+s17], $0x8, s25, s17, $0xb8;
	[tilespmem:$0x12000] =	vst v63  }
0x3ae: {  	_ =	swait.ge [sflag:s10], $0x4000  }
0x3af: {  	[sflag:s10] =	ssyncset.done $0x0  }
0x3b0: {  	s1 =	rddreg [dreg:$0xc];
	[sflag:s10] =	ssyncadd.s32 $0xFFFFC000  }
0x3b1: {  	[hbm4b:s1+s2] =	stream.linear.scatter [tilespmem:s8], [sflag:$0x5], $0x4000, $0x38;
	[tilespmem:$0x12000] =	vst v63  }
0x3b2: {  	_ =	swait.ge [sflag:s4], $0x4000  }
0x3b3: {  	[sflag:s4] =	ssyncset.done $0x0  }
0x3b4: {  	s1 =	rddreg [dreg:$0xd];
	[sflag:s4] =	ssyncadd.s32 $0xFFFFC000  }
0x3b5: {  	[tilespmem:s22], [sflag:$0x5] =	stream.linear.gather [hbm4b:s1+s2], $0x800, $0x38;
	[tilespmem:$0x12000] =	vst v63  }
0x3b6: {  	_ =	swait.ge [sflag:s4], $0x800  }
0x3b7: {  	[sflag:s4] =	ssyncset.done $0x0  }
0x3b8: {  	[sflag:s4] =	ssyncadd.s32 $0xFFFFF800  }
0x3b9: {  	[tilespmem:s8], [sflag:$0x4] =	stream.indirect.gather [hbm4b:s3+s17], $0x8, s22, s17, $0xb8;
	[tilespmem:$0x12000] =	vst v63  }
0x3ba: {  	_ =	swait.ge [sflag:s20], $0x4000  }
0x3bb: {  	[sflag:s20] =	ssyncset.done $0x0  }
0x3bc: {  	s1 =	rddreg [dreg:$0xe];
	[sflag:s20] =	ssyncadd.s32 $0xFFFFC000  }
0x3bd: {  	[hbm4b:s1+s2] =	stream.linear.scatter [tilespmem:s15], [sflag:$0x5], $0x4000, $0x38;
	[tilespmem:$0x12000] =	vst v63  }
0x3be: {  	_ =	swait.ge [sflag:s4], $0x4000  }
0x3bf: {  	[sflag:s4] =	ssyncset.done $0x0  }
0x3c0: {  	s1 =	rddreg [dreg:$0xf];
	[sflag:s4] =	ssyncadd.s32 $0xFFFFC000  }
0x3c1: {  	[tilespmem:s2], [sflag:$0x5] =	stream.linear.gather [hbm4b:s1+s2], $0x800, $0x38;
	[tilespmem:$0x12000] =	vst v63  }
0x3c2: {  	_ =	swait.ge [sflag:s4], $0x800  }
0x3c3: {  	[sflag:s4] =	ssyncset.done $0x0  }
0x3c4: {  	[sflag:s4] =	ssyncadd.s32 $0xFFFFF800  }
0x3c5: {  	[tilespmem:s15], [sflag:$0x1] =	stream.indirect.gather [hbm4b:s3+s17], $0x8, s2, s17, $0xb8;
	[tilespmem:$0x12000] =	vst v63  }
0x3c6: {  	_ =	swait.ge [sflag:s18], $0x4000  }
0x3c7: {  	[sflag:s18] =	ssyncset.done $0x0  }
0x3c8: {  	s1 =	rddreg [dreg:$0x10];
	[sflag:s18] =	ssyncadd.s32 $0xFFFFC000  }
0x3c9: {  	[hbm4b:s1+s2] =	stream.linear.scatter [tilespmem:s12], [sflag:$0x5], $0x4000, $0x38;
	[tilespmem:$0x12000] =	vst v63  }
0x3ca: {  	_ =	swait.ge [sflag:s4], $0x4000  }
0x3cb: {  	[sflag:s4] =	ssyncset.done $0x0  }
0x3cc: {  	s1 =	rddreg [dreg:$0x11];
	[sflag:s4] =	ssyncadd.s32 $0xFFFFC000  }
0x3cd: {  	[tilespmem:s17], [sflag:$0x5] =	stream.linear.gather [hbm4b:s1+s2], $0x800, $0x38;
	[tilespmem:$0x12000] =	vst v63  }
0x3ce: {  	_ =	swait.ge [sflag:s4], $0x800  }
0x3cf: {  	[sflag:s4] =	ssyncset.done $0x0  }
0x3d0: {  	[sflag:s4] =	ssyncadd.s32 $0xFFFFF800  }
0x3d1: {  	[tilespmem:s12], [sflag:$0x2] =	stream.indirect.gather [hbm4b:s3+s17], $0x8, s17, s17, $0xb8;
	[tilespmem:$0x12000] =	vst v63  }
0x3d2: {  	_ =	swait.ge [sflag:s13], $0x4000  }
0x3d3: {  	[sflag:s13] =	ssyncset.done $0x0  }
0x3d4: {  	s1 =	rddreg [dreg:$0x12];
	[sflag:s13] =	ssyncadd.s32 $0xFFFFC000  }
0x3d5: {  	[hbm4b:s1+s2] =	stream.linear.scatter [tilespmem:s9], [sflag:$0x5], $0x4000, $0x38;
	[tilespmem:$0x12000] =	vst v63  }
0x3d6: {  	_ =	swait.ge [sflag:s4], $0x4000  }
0x3d7: {  	[sflag:s4] =	ssyncset.done $0x0  }
0x3d8: {  	s1 =	rddreg [dreg:$0x13];
	[sflag:s4] =	ssyncadd.s32 $0xFFFFC000  }
0x3d9: {  	[tilespmem:s25], [sflag:$0x5] =	stream.linear.gather [hbm4b:s1+s2], $0x800, $0x38;
	[tilespmem:$0x12000] =	vst v63  }
0x3da: {  	_ =	swait.ge [sflag:s4], $0x800  }
0x3db: {  	[sflag:s4] =	ssyncset.done $0x0  }
0x3dc: {  	[sflag:s4] =	ssyncadd.s32 $0xFFFFF800  }
0x3dd: {  	[tilespmem:s9], [sflag:$0x3] =	stream.indirect.gather [hbm4b:s3+s17], $0x8, s25, s17, $0xb8;
	[tilespmem:$0x12000] =	vst v63  }
0x3de: {  	_ =	swait.ge [sflag:s10], $0x4000  }
0x3df: {  	[sflag:s10] =	ssyncset.done $0x0  }
0x3e0: {  	s1 =	rddreg [dreg:$0x14];
	[sflag:s10] =	ssyncadd.s32 $0xFFFFC000  }
0x3e1: {  	[hbm4b:s1+s2] =	stream.linear.scatter [tilespmem:s8], [sflag:$0x5], $0x4000, $0x38;
	[tilespmem:$0x12000] =	vst v63  }
0x3e2: {  	_ =	swait.ge [sflag:s4], $0x4000  }
0x3e3: {  	[sflag:s4] =	ssyncset.done $0x0  }
0x3e4: {  	s1 =	rddreg [dreg:$0x15];
	[sflag:s4] =	ssyncadd.s32 $0xFFFFC000  }
0x3e5: {  	[tilespmem:s22], [sflag:$0x5] =	stream.linear.gather [hbm4b:s1+s2], $0x800, $0x38;
	[tilespmem:$0x12000] =	vst v63  }
0x3e6: {  	_ =	swait.ge [sflag:s4], $0x800  }
0x3e7: {  	[sflag:s4] =	ssyncset.done $0x0  }
0x3e8: {  	[sflag:s4] =	ssyncadd.s32 $0xFFFFF800  }
0x3e9: {  	[tilespmem:s8], [sflag:$0x4] =	stream.indirect.gather [hbm4b:s3+s17], $0x8, s22, s17, $0xb8;
	[tilespmem:$0x12000] =	vst v63  }
0x3ea: {  	_ =	swait.ge [sflag:s20], $0x4000  }
0x3eb: {  	[sflag:s20] =	ssyncset.done $0x0  }
0x3ec: {  	s1 =	rddreg [dreg:$0x16];
	[sflag:s20] =	ssyncadd.s32 $0xFFFFC000  }
0x3ed: {  	[hbm4b:s1+s2] =	stream.linear.scatter [tilespmem:s15], [sflag:$0x5], $0x4000, $0x38;
	[tilespmem:$0x12000] =	vst v63  }
0x3ee: {  	_ =	swait.ge [sflag:s4], $0x4000  }
0x3ef: {  	[sflag:s4] =	ssyncset.done $0x0  }
0x3f0: {  	s1 =	rddreg [dreg:$0x17];
	[sflag:s4] =	ssyncadd.s32 $0xFFFFC000  }
0x3f1: {  	[tilespmem:s2], [sflag:$0x5] =	stream.linear.gather [hbm4b:s1+s2], $0x800, $0x38;
	[tilespmem:$0x12000] =	vst v63  }
0x3f2: {  	_ =	swait.ge [sflag:s4], $0x800  }
0x3f3: {  	[sflag:s4] =	ssyncset.done $0x0  }
0x3f4: {  	[sflag:s4] =	ssyncadd.s32 $0xFFFFF800  }
0x3f5: {  	[tilespmem:s15], [sflag:$0x1] =	stream.indirect.gather [hbm4b:s3+s17], $0x8, s2, s17, $0xb8;
	[tilespmem:$0x12000] =	vst v63  }
0x3f6: {  	_ =	swait.ge [sflag:s18], $0x4000  }
0x3f7: {  	[sflag:s18] =	ssyncset.done $0x0  }
0x3f8: {  	s1 =	rddreg [dreg:$0x18];
	[sflag:s18] =	ssyncadd.s32 $0xFFFFC000  }
0x3f9: {  	[hbm4b:s1+s2] =	stream.linear.scatter [tilespmem:s12], [sflag:$0x5], $0x4000, $0x38;
	[tilespmem:$0x12000] =	vst v63  }
0x3fa: {  	_ =	swait.ge [sflag:s4], $0x4000  }
0x3fb: {  	[sflag:s4] =	ssyncset.done $0x0  }
0x3fc: {  	s1 =	rddreg [dreg:$0x19];
	[sflag:s4] =	ssyncadd.s32 $0xFFFFC000  }
0x3fd: {  	[tilespmem:s17], [sflag:$0x5] =	stream.linear.gather [hbm4b:s1+s2], $0x800, $0x38;
	[tilespmem:$0x12000] =	vst v63  }
0x3fe: {  	_ =	swait.ge [sflag:s4], $0x800  }
0x3ff: {  	[sflag:s4] =	ssyncset.done $0x0  }
0x400: {  	[sflag:s4] =	ssyncadd.s32 $0xFFFFF800  }
0x401: {  	[tilespmem:s12], [sflag:$0x2] =	stream.indirect.gather [hbm4b:s3+s17], $0x8, s17, s17, $0xb8;
	[tilespmem:$0x12000] =	vst v63  }
0x402: {  	_ =	swait.ge [sflag:s13], $0x4000  }
0x403: {  	[sflag:s13] =	ssyncset.done $0x0  }
0x404: {  	s1 =	rddreg [dreg:$0x1a];
	[sflag:s13] =	ssyncadd.s32 $0xFFFFC000  }
0x405: {  	[hbm4b:s1+s2] =	stream.linear.scatter [tilespmem:s9], [sflag:$0x5], $0x4000, $0x38;
	[tilespmem:$0x12000] =	vst v63  }
0x406: {  	_ =	swait.ge [sflag:s4], $0x4000  }
0x407: {  	[sflag:s4] =	ssyncset.done $0x0  }
0x408: {  	s1 =	rddreg [dreg:$0x1b];
	[sflag:s4] =	ssyncadd.s32 $0xFFFFC000  }
0x409: {  	[tilespmem:s25], [sflag:$0x5] =	stream.linear.gather [hbm4b:s1+s2], $0x800, $0x38;
	[tilespmem:$0x12000] =	vst v63  }
0x40a: {  	_ =	swait.ge [sflag:s4], $0x800  }
0x40b: {  	[sflag:s4] =	ssyncset.done $0x0  }
0x40c: {  	[sflag:s4] =	ssyncadd.s32 $0xFFFFF800  }
0x40d: {  	[tilespmem:s9], [sflag:$0x3] =	stream.indirect.gather [hbm4b:s3+s17], $0x8, s25, s17, $0xb8;
	[tilespmem:$0x12000] =	vst v63  }
0x40e: {  	_ =	swait.ge [sflag:s10], $0x4000  }
0x40f: {  	[sflag:s10] =	ssyncset.done $0x0  }
0x410: {  	s1 =	rddreg [dreg:$0x1c];
	[sflag:s10] =	ssyncadd.s32 $0xFFFFC000  }
0x411: {  	[hbm4b:s1+s2] =	stream.linear.scatter [tilespmem:s8], [sflag:$0x5], $0x4000, $0x38;
	[tilespmem:$0x12000] =	vst v63  }
0x412: {  	_ =	swait.ge [sflag:s4], $0x4000  }
0x413: {  	[sflag:s4] =	ssyncset.done $0x0  }
0x414: {  	s1 =	rddreg [dreg:$0x1d];
	[sflag:s4] =	ssyncadd.s32 $0xFFFFC000  }
0x415: {  	[tilespmem:s22], [sflag:$0x5] =	stream.linear.gather [hbm4b:s1+s2], $0x800, $0x38;
	[tilespmem:$0x12000] =	vst v63  }
0x416: {  	_ =	swait.ge [sflag:s4], $0x800  }
0x417: {  	[sflag:s4] =	ssyncset.done $0x0  }
0x418: {  	[sflag:s4] =	ssyncadd.s32 $0xFFFFF800  }
0x419: {  	[tilespmem:s8], [sflag:$0x4] =	stream.indirect.gather [hbm4b:s3+s17], $0x8, s22, s17, $0xb8;
	[tilespmem:$0x12000] =	vst v63  }
0x41a: {  	_ =	swait.ge [sflag:s20], $0x4000  }
0x41b: {  	[sflag:s20] =	ssyncset.done $0x0  }
0x41c: {  	s1 =	rddreg [dreg:$0x1e];
	[sflag:s20] =	ssyncadd.s32 $0xFFFFC000  }
0x41d: {  	[hbm4b:s1+s2] =	stream.linear.scatter [tilespmem:s15], [sflag:$0x5], $0x4000, $0x38;
	[tilespmem:$0x12000] =	vst v63  }
0x41e: {  	_ =	swait.ge [sflag:s4], $0x4000  }
0x41f: {  	[sflag:s4] =	ssyncset.done $0x0  }
0x420: {  	s1 =	rddreg [dreg:$0x1f];
	[sflag:s4] =	ssyncadd.s32 $0xFFFFC000  }
0x421: {  	[tilespmem:s2], [sflag:$0x5] =	stream.linear.gather [hbm4b:s1+s2], $0x800, $0x38;
	[tilespmem:$0x12000] =	vst v63  }
0x422: {  	_ =	swait.ge [sflag:s4], $0x800  }
0x423: {  	[sflag:s4] =	ssyncset.done $0x0  }
0x424: {  	[sflag:s4] =	ssyncadd.s32 $0xFFFFF800  }
0x425: {  	[tilespmem:s15], [sflag:$0x1] =	stream.indirect.gather [hbm4b:s3+s17], $0x8, s2, s17, $0xb8;
	[tilespmem:$0x12000] =	vst v63  }
0x426: {  	_ =	swait.ge [sflag:s18], $0x4000  }
0x427: {  	s1 =	sld [smem:$0x7EB]  }
0x428: {  	[sflag:s18] =	ssyncset.done $0x0  }
0x429: {  	[sflag:s18] =	ssyncadd.s32 $0xFFFFC000  }
0x42a: {  	[hbm4b:s1+s2] =	stream.linear.scatter [tilespmem:s12], [sflag:$0x5], $0x4000, $0x38;
	[tilespmem:$0x12000] =	vst v63  }
0x42b: {  	_ =	swait.ge [sflag:s4], $0x4000  }
0x42c: {  	s1 =	sld [smem:$0x7EC]  }
0x42d: {  	[sflag:s4] =	ssyncset.done $0x0  }
0x42e: {  	[sflag:s4] =	ssyncadd.s32 $0xFFFFC000  }
0x42f: {  	[tilespmem:s17], [sflag:$0x5] =	stream.linear.gather [hbm4b:s1+s2], $0x800, $0x38;
	[tilespmem:$0x12000] =	vst v63  }
0x430: {  	_ =	swait.ge [sflag:s4], $0x800  }
0x431: {  	[sflag:s4] =	ssyncset.done $0x0  }
0x432: {  	[sflag:s4] =	ssyncadd.s32 $0xFFFFF800  }
0x433: {  	[tilespmem:s12], [sflag:$0x2] =	stream.indirect.gather [hbm4b:s3+s17], $0x8, s17, s17, $0xb8;
	[tilespmem:$0x12000] =	vst v63  }
0x434: {  	_ =	swait.ge [sflag:s13], $0x4000  }
0x435: {  	s1 =	sld [smem:$0x7ED]  }
0x436: {  	[sflag:s13] =	ssyncset.done $0x0  }
0x437: {  	[sflag:s13] =	ssyncadd.s32 $0xFFFFC000  }
0x438: {  	[hbm4b:s1+s2] =	stream.linear.scatter [tilespmem:s9], [sflag:$0x5], $0x4000, $0x38;
	[tilespmem:$0x12000] =	vst v63  }
0x439: {  	_ =	swait.ge [sflag:s4], $0x4000  }
0x43a: {  	s1 =	sld [smem:$0x7EE]  }
0x43b: {  	[sflag:s4] =	ssyncset.done $0x0  }
0x43c: {  	[sflag:s4] =	ssyncadd.s32 $0xFFFFC000  }
0x43d: {  	[tilespmem:s25], [sflag:$0x5] =	stream.linear.gather [hbm4b:s1+s2], $0x800, $0x38;
	[tilespmem:$0x12000] =	vst v63  }
0x43e: {  	_ =	swait.ge [sflag:s4], $0x800  }
0x43f: {  	[sflag:s4] =	ssyncset.done $0x0  }
0x440: {  	[sflag:s4] =	ssyncadd.s32 $0xFFFFF800  }
0x441: {  	[tilespmem:s9], [sflag:$0x3] =	stream.indirect.gather [hbm4b:s3+s17], $0x8, s25, s17, $0xb8;
	[tilespmem:$0x12000] =	vst v63  }
0x442: {  	_ =	swait.ge [sflag:s10], $0x4000  }
0x443: {  	s1 =	sld [smem:$0x7EF]  }
0x444: {  	[sflag:s10] =	ssyncset.done $0x0  }
0x445: {  	[sflag:s10] =	ssyncadd.s32 $0xFFFFC000  }
0x446: {  	[hbm4b:s1+s2] =	stream.linear.scatter [tilespmem:s8], [sflag:$0x5], $0x4000, $0x38;
	[tilespmem:$0x12000] =	vst v63  }
0x447: {  	_ =	swait.ge [sflag:s4], $0x4000  }
0x448: {  	s1 =	sld [smem:$0x7F0]  }
0x449: {  	[sflag:s4] =	ssyncset.done $0x0  }
0x44a: {  	[sflag:s4] =	ssyncadd.s32 $0xFFFFC000  }
0x44b: {  	[tilespmem:s22], [sflag:$0x5] =	stream.linear.gather [hbm4b:s1+s2], $0x800, $0x38;
	[tilespmem:$0x12000] =	vst v63  }
0x44c: {  	_ =	swait.ge [sflag:s4], $0x800  }
0x44d: {  	[sflag:s4] =	ssyncset.done $0x0  }
0x44e: {  	[sflag:s4] =	ssyncadd.s32 $0xFFFFF800  }
0x44f: {  	[tilespmem:s8], [sflag:$0x4] =	stream.indirect.gather [hbm4b:s3+s17], $0x8, s22, s17, $0xb8;
	[tilespmem:$0x12000] =	vst v63  }
0x450: {  	_ =	swait.ge [sflag:s20], $0x4000  }
0x451: {  	s1 =	sld [smem:$0x7F1]  }
0x452: {  	[sflag:s20] =	ssyncset.done $0x0  }
0x453: {  	[sflag:s20] =	ssyncadd.s32 $0xFFFFC000  }
0x454: {  	[hbm4b:s1+s2] =	stream.linear.scatter [tilespmem:s15], [sflag:$0x5], $0x4000, $0x38;
	[tilespmem:$0x12000] =	vst v63  }
0x455: {  	_ =	swait.ge [sflag:s4], $0x4000  }
0x456: {  	s1 =	sld [smem:$0x7F2]  }
0x457: {  	[sflag:s4] =	ssyncset.done $0x0  }
0x458: {  	[sflag:s4] =	ssyncadd.s32 $0xFFFFC000  }
0x459: {  	[tilespmem:s2], [sflag:$0x5] =	stream.linear.gather [hbm4b:s1+s2], $0x800, $0x38;
	[tilespmem:$0x12000] =	vst v63  }
0x45a: {  	_ =	swait.ge [sflag:s4], $0x800  }
0x45b: {  	[sflag:s4] =	ssyncset.done $0x0  }
0x45c: {  	[sflag:s4] =	ssyncadd.s32 $0xFFFFF800  }
0x45d: {  	[tilespmem:s15], [sflag:$0x1] =	stream.indirect.gather [hbm4b:s3+s17], $0x8, s2, s17, $0xb8;
	[tilespmem:$0x12000] =	vst v63  }
0x45e: {  	_ =	swait.ge [sflag:s18], $0x4000  }
0x45f: {  	s1 =	sld [smem:$0x7F3]  }
0x460: {  	[sflag:s18] =	ssyncset.done $0x0  }
0x461: {  	[sflag:s18] =	ssyncadd.s32 $0xFFFFC000  }
0x462: {  	[hbm4b:s1+s2] =	stream.linear.scatter [tilespmem:s12], [sflag:$0x5], $0x4000, $0x38;
	[tilespmem:$0x12000] =	vst v63  }
0x463: {  	_ =	swait.ge [sflag:s4], $0x4000  }
0x464: {  	s1 =	sld [smem:$0x7F4]  }
0x465: {  	[sflag:s4] =	ssyncset.done $0x0  }
0x466: {  	[sflag:s4] =	ssyncadd.s32 $0xFFFFC000  }
0x467: {  	[tilespmem:s17], [sflag:$0x5] =	stream.linear.gather [hbm4b:s1+s2], $0x800, $0x38;
	[tilespmem:$0x12000] =	vst v63  }
0x468: {  	_ =	swait.ge [sflag:s4], $0x800  }
0x469: {  	[sflag:s4] =	ssyncset.done $0x0  }
0x46a: {  	[sflag:s4] =	ssyncadd.s32 $0xFFFFF800  }
0x46b: {  	[tilespmem:s12], [sflag:$0x2] =	stream.indirect.gather [hbm4b:s3+s17], $0x8, s17, s17, $0xb8;
	[tilespmem:$0x12000] =	vst v63  }
0x46c: {  	_ =	swait.ge [sflag:s13], $0x4000  }
0x46d: {  	s1 =	sld [smem:$0x7F5]  }
0x46e: {  	[sflag:s13] =	ssyncset.done $0x0  }
0x46f: {  	[sflag:s13] =	ssyncadd.s32 $0xFFFFC000  }
0x470: {  	[hbm4b:s1+s2] =	stream.linear.scatter [tilespmem:s9], [sflag:$0x5], $0x4000, $0x38;
	[tilespmem:$0x12000] =	vst v63  }
0x471: {  	_ =	swait.ge [sflag:s4], $0x4000  }
0x472: {  	s1 =	sld [smem:$0x7F6]  }
0x473: {  	[sflag:s4] =	ssyncset.done $0x0  }
0x474: {  	[sflag:s4] =	ssyncadd.s32 $0xFFFFC000  }
0x475: {  	[tilespmem:s25], [sflag:$0x5] =	stream.linear.gather [hbm4b:s1+s2], $0x800, $0x38;
	[tilespmem:$0x12000] =	vst v63  }
0x476: {  	_ =	swait.ge [sflag:s4], $0x800  }
0x477: {  	[sflag:s4] =	ssyncset.done $0x0  }
0x478: {  	[sflag:s4] =	ssyncadd.s32 $0xFFFFF800  }
0x479: {  	[tilespmem:s9], [sflag:$0x3] =	stream.indirect.gather [hbm4b:s3+s17], $0x8, s25, s17, $0xb8;
	[tilespmem:$0x12000] =	vst v63  }
0x47a: {  	_ =	swait.ge [sflag:s10], $0x4000  }
0x47b: {  	s1 =	sld [smem:$0x7F7]  }
0x47c: {  	[sflag:s10] =	ssyncset.done $0x0  }
0x47d: {  	[sflag:s10] =	ssyncadd.s32 $0xFFFFC000  }
0x47e: {  	[hbm4b:s1+s2] =	stream.linear.scatter [tilespmem:s8], [sflag:$0x5], $0x4000, $0x38;
	[tilespmem:$0x12000] =	vst v63  }
0x47f: {  	_ =	swait.ge [sflag:s4], $0x4000  }
0x480: {  	s1 =	sld [smem:$0x7F8]  }
0x481: {  	[sflag:s4] =	ssyncset.done $0x0  }
0x482: {  	[sflag:s4] =	ssyncadd.s32 $0xFFFFC000  }
0x483: {  	[tilespmem:s22], [sflag:$0x5] =	stream.linear.gather [hbm4b:s1+s2], $0x800, $0x38;
	[tilespmem:$0x12000] =	vst v63  }
0x484: {  	_ =	swait.ge [sflag:s4], $0x800  }
0x485: {  	[sflag:s4] =	ssyncset.done $0x0  }
0x486: {  	[sflag:s4] =	ssyncadd.s32 $0xFFFFF800  }
0x487: {  	[tilespmem:s8], [sflag:$0x4] =	stream.indirect.gather [hbm4b:s3+s17], $0x8, s22, s17, $0xb8;
	[tilespmem:$0x12000] =	vst v63  }
0x488: {  	_ =	swait.ge [sflag:s20], $0x4000  }
0x489: {  	s1 =	sld [smem:$0x7F9]  }
0x48a: {  	[sflag:s20] =	ssyncset.done $0x0  }
0x48b: {  	[sflag:s20] =	ssyncadd.s32 $0xFFFFC000  }
0x48c: {  	[hbm4b:s1+s2] =	stream.linear.scatter [tilespmem:s15], [sflag:$0x5], $0x4000, $0x38;
	[tilespmem:$0x12000] =	vst v63  }
0x48d: {  	_ =	swait.ge [sflag:s4], $0x4000  }
0x48e: {  	s1 =	sld [smem:$0x7FA]  }
0x48f: {  	[sflag:s4] =	ssyncset.done $0x0  }
0x490: {  	[sflag:s4] =	ssyncadd.s32 $0xFFFFC000  }
0x491: {  	[tilespmem:s2], [sflag:$0x5] =	stream.linear.gather [hbm4b:s1+s2], $0x800, $0x38;
	[tilespmem:$0x12000] =	vst v63  }
0x492: {  	_ =	swait.ge [sflag:s4], $0x800  }
0x493: {  	[sflag:s4] =	ssyncset.done $0x0  }
0x494: {  	[sflag:s4] =	ssyncadd.s32 $0xFFFFF800  }
0x495: {  	[tilespmem:s15], [sflag:$0x1] =	stream.indirect.gather [hbm4b:s3+s17], $0x8, s2, s17, $0xb8;
	[tilespmem:$0x12000] =	vst v63  }
0x496: {  	_ =	swait.ge [sflag:s18], $0x4000  }
0x497: {  	s1 =	sld [smem:$0x7FB]  }
0x498: {  	[sflag:s18] =	ssyncset.done $0x0  }
0x499: {  	[sflag:s18] =	ssyncadd.s32 $0xFFFFC000  }
0x49a: {  	[hbm4b:s1+s2] =	stream.linear.scatter [tilespmem:s12], [sflag:$0x5], $0x4000, $0x38;
	[tilespmem:$0x12000] =	vst v63  }
0x49b: {  	_ =	swait.ge [sflag:s4], $0x4000  }
0x49c: {  	s1 =	sld [smem:$0x7FC]  }
0x49d: {  	[sflag:s4] =	ssyncset.done $0x0  }
0x49e: {  	[sflag:s4] =	ssyncadd.s32 $0xFFFFC000  }
0x49f: {  	[tilespmem:s17], [sflag:$0x5] =	stream.linear.gather [hbm4b:s1+s2], $0x800, $0x38;
	[tilespmem:$0x12000] =	vst v63  }
0x4a0: {  	_ =	swait.ge [sflag:s4], $0x800  }
0x4a1: {  	[sflag:s4] =	ssyncset.done $0x0  }
0x4a2: {  	[sflag:s4] =	ssyncadd.s32 $0xFFFFF800  }
0x4a3: {  	[tilespmem:s12], [sflag:$0x2] =	stream.indirect.gather [hbm4b:s3+s17], $0x8, s17, s17, $0xb8;
	[tilespmem:$0x12000] =	vst v63  }
0x4a4: {  	_ =	swait.ge [sflag:s13], $0x4000  }
0x4a5: {  	s1 =	sld [smem:$0x7FD]  }
0x4a6: {  	[sflag:s13] =	ssyncset.done $0x0  }
0x4a7: {  	[sflag:s13] =	ssyncadd.s32 $0xFFFFC000  }
0x4a8: {  	[hbm4b:s1+s2] =	stream.linear.scatter [tilespmem:s9], [sflag:$0x5], $0x4000, $0x38;
	[tilespmem:$0x12000] =	vst v63  }
0x4a9: {  	_ =	swait.ge [sflag:s4], $0x4000  }
0x4aa: {  	[sflag:s4] =	ssyncset.done $0x0  }
0x4ab: {  	[sflag:s4] =	ssyncadd.s32 $0xFFFFC000  }
0x4ac: {  	[tilespmem:s25], [sflag:$0x5] =	stream.linear.gather [hbm4b:s31+s2], $0x800, $0x38;
	[tilespmem:$0x12000] =	vst v63  }
0x4ad: {  	_ =	swait.ge [sflag:s4], $0x800  }
0x4ae: {  	[sflag:s4] =	ssyncset.done $0x0  }
0x4af: {  	[sflag:s4] =	ssyncadd.s32 $0xFFFFF800  }
0x4b0: {  	[tilespmem:s9], [sflag:$0x3] =	stream.indirect.gather [hbm4b:s3+s17], $0x8, s25, s17, $0xb8;
	[tilespmem:$0x12000] =	vst v63  }
0x4b1: {  	_ =	swait.ge [sflag:s10], $0x4000  }
0x4b2: {  	[sflag:s10] =	ssyncset.done $0x0  }
0x4b3: {  	[sflag:s10] =	ssyncadd.s32 $0xFFFFC000  }
0x4b4: {  	[hbm4b:s30+s2] =	stream.linear.scatter [tilespmem:s8], [sflag:$0x5], $0x4000, $0x38;
	[tilespmem:$0x12000] =	vst v63  }
0x4b5: {  	_ =	swait.ge [sflag:s4], $0x4000  }
0x4b6: {  	[sflag:s4] =	ssyncset.done $0x0  }
0x4b7: {  	[sflag:s4] =	ssyncadd.s32 $0xFFFFC000  }
0x4b8: {  	[tilespmem:s22], [sflag:$0x5] =	stream.linear.gather [hbm4b:s29+s2], $0x800, $0x38;
	[tilespmem:$0x12000] =	vst v63  }
0x4b9: {  	_ =	swait.ge [sflag:s4], $0x800  }
0x4ba: {  	[sflag:s4] =	ssyncset.done $0x0  }
0x4bb: {  	[sflag:s4] =	ssyncadd.s32 $0xFFFFF800  }
0x4bc: {  	[tilespmem:s8], [sflag:$0x4] =	stream.indirect.gather [hbm4b:s3+s17], $0x8, s22, s17, $0xb8;
	[tilespmem:$0x12000] =	vst v63  }
0x4bd: {  	_ =	swait.ge [sflag:s20], $0x4000  }
0x4be: {  	[sflag:s20] =	ssyncset.done $0x0  }
0x4bf: {  	[sflag:s20] =	ssyncadd.s32 $0xFFFFC000  }
0x4c0: {  	[hbm4b:s28+s2] =	stream.linear.scatter [tilespmem:s15], [sflag:$0x5], $0x4000, $0x38;
	[tilespmem:$0x12000] =	vst v63  }
0x4c1: {  	_ =	swait.ge [sflag:s4], $0x4000  }
0x4c2: {  	[sflag:s4] =	ssyncset.done $0x0  }
0x4c3: {  	[sflag:s4] =	ssyncadd.s32 $0xFFFFC000  }
0x4c4: {  	[tilespmem:s2], [sflag:$0x5] =	stream.linear.gather [hbm4b:s26+s2], $0x800, $0x38;
	[tilespmem:$0x12000] =	vst v63  }
0x4c5: {  	_ =	swait.ge [sflag:s4], $0x800  }
0x4c6: {  	[sflag:s4] =	ssyncset.done $0x0  }
0x4c7: {  	[sflag:s4] =	ssyncadd.s32 $0xFFFFF800  }
0x4c8: {  	[tilespmem:s15], [sflag:$0x1] =	stream.indirect.gather [hbm4b:s3+s17], $0x8, s2, s17, $0xb8;
	[tilespmem:$0x12000] =	vst v63  }
0x4c9: {  	_ =	swait.ge [sflag:s18], $0x4000  }
0x4ca: {  	[sflag:s18] =	ssyncset.done $0x0  }
0x4cb: {  	[sflag:s18] =	ssyncadd.s32 $0xFFFFC000  }
0x4cc: {  	[hbm4b:s24+s2] =	stream.linear.scatter [tilespmem:s12], [sflag:$0x5], $0x4000, $0x38;
	[tilespmem:$0x12000] =	vst v63  }
0x4cd: {  	_ =	swait.ge [sflag:s4], $0x4000  }
0x4ce: {  	[sflag:s4] =	ssyncset.done $0x0  }
0x4cf: {  	[sflag:s4] =	ssyncadd.s32 $0xFFFFC000  }
0x4d0: {  	[tilespmem:s17], [sflag:$0x5] =	stream.linear.gather [hbm4b:s23+s2], $0x800, $0x38;
	[tilespmem:$0x12000] =	vst v63  }
0x4d1: {  	_ =	swait.ge [sflag:s4], $0x800  }
0x4d2: {  	[sflag:s4] =	ssyncset.done $0x0  }
0x4d3: {  	[sflag:s4] =	ssyncadd.s32 $0xFFFFF800  }
0x4d4: {  	[tilespmem:s12], [sflag:$0x2] =	stream.indirect.gather [hbm4b:s3+s17], $0x8, s17, s17, $0xb8;
	[tilespmem:$0x12000] =	vst v63  }
0x4d5: {  	_ =	swait.ge [sflag:s13], $0x4000  }
0x4d6: {  	[sflag:s13] =	ssyncset.done $0x0  }
0x4d7: {  	[sflag:s13] =	ssyncadd.s32 $0xFFFFC000  }
0x4d8: {  	[hbm4b:s21+s2] =	stream.linear.scatter [tilespmem:s9], [sflag:$0x5], $0x4000, $0x38;
	[tilespmem:$0x12000] =	vst v63  }
0x4d9: {  	_ =	swait.ge [sflag:s4], $0x4000  }
0x4da: {  	[sflag:s4] =	ssyncset.done $0x0  }
0x4db: {  	[sflag:s4] =	ssyncadd.s32 $0xFFFFC000  }
0x4dc: {  	[tilespmem:s25], [sflag:$0x5] =	stream.linear.gather [hbm4b:s19+s2], $0x800, $0x38;
	[tilespmem:$0x12000] =	vst v63  }
0x4dd: {  	_ =	swait.ge [sflag:s4], $0x800  }
0x4de: {  	[sflag:s4] =	ssyncset.done $0x0  }
0x4df: {  	[sflag:s4] =	ssyncadd.s32 $0xFFFFF800  }
0x4e0: {  	[tilespmem:s9], [sflag:$0x3] =	stream.indirect.gather [hbm4b:s3+s17], $0x8, s25, s17, $0xb8;
	[tilespmem:$0x12000] =	vst v63  }
0x4e1: {  	_ =	swait.ge [sflag:s10], $0x4000  }
0x4e2: {  	[sflag:s10] =	ssyncset.done $0x0  }
0x4e3: {  	[sflag:s10] =	ssyncadd.s32 $0xFFFFC000  }
0x4e4: {  	[hbm4b:s16+s2] =	stream.linear.scatter [tilespmem:s8], [sflag:$0x5], $0x4000, $0x38;
	[tilespmem:$0x12000] =	vst v63  }
0x4e5: {  	_ =	swait.ge [sflag:s4], $0x4000  }
0x4e6: {  	[sflag:s4] =	ssyncset.done $0x0  }
0x4e7: {  	[sflag:s4] =	ssyncadd.s32 $0xFFFFC000  }
0x4e8: {  	[tilespmem:s22], [sflag:$0x5] =	stream.linear.gather [hbm4b:s14+s2], $0x800, $0x38;
	[tilespmem:$0x12000] =	vst v63  }
0x4e9: {  	_ =	swait.ge [sflag:s4], $0x800  }
0x4ea: {  	[sflag:s4] =	ssyncset.done $0x0  }
0x4eb: {  	[sflag:s4] =	ssyncadd.s32 $0xFFFFF800  }
0x4ec: {  	[tilespmem:s8], [sflag:$0x4] =	stream.indirect.gather [hbm4b:s3+s17], $0x8, s22, s17, $0xb8;
	[tilespmem:$0x12000] =	vst v63  }
0x4ed: {  	_ =	swait.ge [sflag:s20], $0x4000  }
0x4ee: {  	[sflag:s20] =	ssyncset.done $0x0  }
0x4ef: {  	[sflag:s20] =	ssyncadd.s32 $0xFFFFC000  }
0x4f0: {  	[hbm4b:s11+s2] =	stream.linear.scatter [tilespmem:s15], [sflag:$0x5], $0x4000, $0x38;
	[tilespmem:$0x12000] =	vst v63  }
0x4f1: {  	_ =	swait.ge [sflag:s4], $0x4000  }
0x4f2: {  	[sflag:s4] =	ssyncset.done $0x0  }
0x4f3: {  	[sflag:s4] =	ssyncadd.s32 $0xFFFFC000  }
0x4f4: {  	_ =	swait.ge [sflag:s18], $0x4000  }
0x4f5: {  	[sflag:s18] =	ssyncset.done $0x0  }
0x4f6: {  	[sflag:s18] =	ssyncadd.s32 $0xFFFFC000  }
0x4f7: {  	[hbm4b:s7+s2] =	stream.linear.scatter [tilespmem:s12], [sflag:$0x5], $0x4000, $0x38;
	[tilespmem:$0x12000] =	vst v63  }
0x4f8: {  	_ =	swait.ge [sflag:s4], $0x4000  }
0x4f9: {  	[sflag:s4] =	ssyncset.done $0x0  }
0x4fa: {  	[sflag:s4] =	ssyncadd.s32 $0xFFFFC000  }
0x4fb: {  	_ =	swait.ge [sflag:s13], $0x4000  }
0x4fc: {  	[sflag:s13] =	ssyncset.done $0x0  }
0x4fd: {  	[sflag:s13] =	ssyncadd.s32 $0xFFFFC000  }
0x4fe: {  	[hbm4b:s6+s2] =	stream.linear.scatter [tilespmem:s9], [sflag:$0x5], $0x4000, $0x38;
	[tilespmem:$0x12000] =	vst v63  }
0x4ff: {  	_ =	swait.ge [sflag:s4], $0x4000  }
0x500: {  	[sflag:s4] =	ssyncset.done $0x0  }
0x501: {  	[sflag:s4] =	ssyncadd.s32 $0xFFFFC000  }
0x502: {  	_ =	swait.ge [sflag:s10], $0x4000  }
0x503: {  	[sflag:s10] =	ssyncset.done $0x0  }
0x504: {  	[sflag:s10] =	ssyncadd.s32 $0xFFFFC000  }
0x505: {  	[hbm4b:s5+s2] =	stream.linear.scatter [tilespmem:s8], [sflag:$0x5], $0x4000, $0x38;
	[tilespmem:$0x12000] =	vst v63  }
0x506: {  	_ =	swait.ge [sflag:s4], $0x4000  }
0x507: {  	[sflag:s4] =	ssyncset.done $0x0  }
0x508: {  	[sflag:s4] =	ssyncadd.s32 $0xFFFFC000  }
0x509: {  	_ =	sfence.sel $0x180000  }
0x50a: {  	[bflag:$0x0] =	sbarrier.arrive $0xFFFF  }
0x50b: {  	_ =	strace $0x90000047  }
0x50c: {  	s31 =	stileid.u32;
	[bflag:$0x2] =	sbarrier.arrive $0xFFFF  }
0x50d: {  	p0 =	sne.s32 s31, $0x0;
	s0 =	rddreg [dreg:$0x1]  }
0x50e: {  	s0 =	sadd.s32 @!p0 $0x100000, s0  }
0x50f: {  	[sflag:s0] =	ssyncadd.tile.s32 @!p0 $0x1;
	_ =	shalt  }
.Lfunc_end2:
_tile_overlayer_lowered:
.L_overlay_start_2:
0x510: {  	(tag) =	ssettag $0x2  }
0x511: {  	s0 =	rddreg [dreg:$0x0];
	s2 =	stileid.u32  }
0x512: {  	s1 =	rddreg [dreg:$0x1];
	p0 =	sne.s32 s2, $0x0  }
0x513: {  	s3 =	rddreg [dreg:$0x2];
	[bflag:$0x3] =	sbarrier.arrive $0xFFFF;
	s2 =	simm.s32 @!p0 $0x1C05  }
0x514: {  	[timem:s3], [sflag:s2] =	dma.local @!p0 [hbm:s0], s1  }
0x515: {  	s0 =	simm.s32 @!p0 $0x5  }
0x516: {  	_ =	swait.ge @!p0 [sflag:s0], s1  }
0x517: {  	s1 =	ssub.s32 @!p0 $0x0, s1;
	[sflag:s0] =	ssyncset.done @!p0 $0x0  }
0x518: {  	[sflag:s0] =	ssyncadd.s32 @!p0 s1  }
0x519: {  	[bflag:$0x3] =	sbarrier.arrive $0xFFFF  }
0x51a: {  	_ =	shalt  }

</sc_bundles>
